<compile_context>
chip_gen: v7x
topology: tpu7x:2x2x1
jax: 0.10.2.dev20260603
libtpu: 0.0.44.dev20260713+nightly
codegen_flags: <defaults>
</compile_context>

<pallas_src>
import jax
import jax.numpy as jnp
from jax import lax
from jax.experimental import pallas as pl
from jax.experimental.pallas import tpu as pltpu
from jax.experimental.pallas import tpu_sc as plsc

_PARENT = (1, 20, 20, 2, 20, 4, 5, 6, 20, 8, 9, 10, 0, 12, 13, 14, 0, 16,
           17, 18, 20, 22, 7, 24, 11)

_B, _C, _V, _T = 512, 3, 25, 300
_UNITS = _C * _T
_NW = 32
_Q, _R = divmod(_UNITS, _NW)
_NB = 3

_CHUNKS = _B // 16


def _compute(xbuf, obuf):
    @plsc.parallel_loop(0, _CHUNKS, 1)
    def do_chunk(k):
        off = pl.multiple_of(k * 16, 16)
        regs = [xbuf[j, pl.ds(off, 16)] for j in range(_V)]
        for j in range(_V):
            obuf[j, pl.ds(off, 16)] = regs[j] - regs[_PARENT[j]]


def _sc_body(x_hbm, out_hbm,
             xb0, xb1, xb2, ob0, ob1, ob2,
             si0, si1, si2, so0, so1, so2):
    wid = lax.axis_index("s") * 2 + lax.axis_index("c")
    base = wid * _Q + jnp.minimum(wid, _R)
    cnt = _Q + (wid < _R).astype(jnp.int32)
    xbufs, obufs = (xb0, xb1, xb2), (ob0, ob1, ob2)
    sins, souts = (si0, si1, si2), (so0, so1, so2)

    def src(i):
        u = base + i
        return x_hbm.at[u // _T, :, u % _T]

    def dst(i):
        u = base + i
        return out_hbm.at[u // _T, :, u % _T]

    pltpu.make_async_copy(src(0), xbufs[0], sins[0]).start()
    pltpu.make_async_copy(src(1), xbufs[1], sins[1]).start()

    def do_triple(gp, carry):
        for b in range(_NB):
            i = gp * _NB + b
            @pl.when(i + 2 < cnt)
            def _():
                pltpu.make_async_copy(
                    src(i + 2), xbufs[(b + 2) % _NB], sins[(b + 2) % _NB]
                ).start()

            @pl.when(i < cnt)
            def _():
                pltpu.make_async_copy(src(i), xbufs[b], sins[b]).wait()

            @pl.when(jnp.logical_and(i >= _NB, i < cnt))
            def _():
                pltpu.make_async_copy(obufs[b], dst(i - _NB), souts[b]).wait()

            @pl.when(i < cnt)
            def _():
                _compute(xbufs[b], obufs[b])
                pltpu.make_async_copy(obufs[b], dst(i), souts[b]).start()
        return carry

    lax.fori_loop(0, (_Q + 1 + _NB - 1) // _NB + 1, do_triple, 0)

    for b in range(_NB):
        pltpu.make_async_copy(obufs[b], dst(cnt - _NB + b), souts[b]).wait()


def kernel(joint_data):
    x = jnp.transpose(joint_data, (1, 2, 3, 0))
    mesh = plsc.VectorSubcoreMesh(core_axis_name="c", subcore_axis_name="s")
    f = pl.kernel(
        _sc_body,
        mesh=mesh,
        out_type=jax.ShapeDtypeStruct((_C, _V, _T, _B), jnp.float32),
        scratch_types=(
            [pltpu.VMEM((_V, _B), jnp.float32) for _ in range(2 * _NB)]
            + [pltpu.SemaphoreType.DMA for _ in range(2 * _NB)]
        ),
    )
    out = f(x)
    return jnp.transpose(out, (3, 0, 1, 2))

# --- scband reference (transcript-rebuilt; emitter-appended) ---
"""Pipeline reference for scband-joint-bone-conversion-87737591923242 (READ-ONLY COPY).

The authoritative reference and input builder live on the scoring server;
editing this copy changes nothing except your own understanding.
"""

import jax, jax.numpy as jnp
import numpy as np

PAIRS = [[0,1],[1,20],[2,20],[3,2],[4,20],[5,4],[6,5],[7,6],[8,20],[9,8],[10,9],[11,10],[12,0],[13,12],[14,13],[15,14],[16,0],[17,16],[18,17],[19,18],[21,22],[20,20],[22,7],[23,24],[24,11]]
V1 = jnp.array([p[0] for p in PAIRS], dtype=jnp.int32)
V2 = jnp.array([p[1] for p in PAIRS], dtype=jnp.int32)


def setup_inputs(seed: int = 0) -> dict:
    key = jax.random.key(seed)
    joint_data = jax.random.normal(key, (512, 3, 25, 300), dtype=jnp.float32)
    return {"joint_data": joint_data}


def reference(joint_data):
    # bone_data starts as zeros; for each (v1, v2) pair:
    #   bone[:, :, v1, :] = joint[:, :, v1, :] - joint[:, :, v2, :]
    # All v1 indices are unique, so a single vectorized scatter-overwrite is faithful
    # to the sequential loop in the original torch module.
    bone_data = jnp.zeros_like(joint_data)
    diffs = jnp.take(joint_data, V1, axis=2) - jnp.take(joint_data, V2, axis=2)
    bone_data = bone_data.at[:, :, V1, :].set(diffs)
    return bone_data

if __name__ == "__main__":
    import jax
    _d = setup_inputs()
    print(jax.jit(kernel)(*tuple(_d.values())))

</pallas_src>

<mosaic_0001>
#map = affine_map<(d0, d1) -> (0, 0, 0, 0)>
module attributes {stable_mosaic.version = 14 : i64} {
  func.func @_sc_body(%arg0: i32, %arg1: i32, %arg2: memref<3x25x300x512xf32, #tpu.memory_space<hbm>>, %arg3: memref<3x25x300x512xf32, #tpu.memory_space<hbm>>, %arg4: memref<25x512xf32, #tpu.memory_space<vmem>>, %arg5: memref<25x512xf32, #tpu.memory_space<vmem>>, %arg6: memref<25x512xf32, #tpu.memory_space<vmem>>, %arg7: memref<25x512xf32, #tpu.memory_space<vmem>>, %arg8: memref<25x512xf32, #tpu.memory_space<vmem>>, %arg9: memref<25x512xf32, #tpu.memory_space<vmem>>, %arg10: memref<!tpu.dma_semaphore, #tpu.memory_space<semaphore_mem>>, %arg11: memref<!tpu.dma_semaphore, #tpu.memory_space<semaphore_mem>>, %arg12: memref<!tpu.dma_semaphore, #tpu.memory_space<semaphore_mem>>, %arg13: memref<!tpu.dma_semaphore, #tpu.memory_space<semaphore_mem>>, %arg14: memref<!tpu.dma_semaphore, #tpu.memory_space<semaphore_mem>>, %arg15: memref<!tpu.dma_semaphore, #tpu.memory_space<semaphore_mem>>) attributes {dimension_semantics = [#tpu.dimension_semantics<core_parallel>, #tpu.dimension_semantics<subcore_parallel>], iteration_bounds = array<i64: 2, 16>, scalar_prefetch = 0 : i64, scratch_operands = 12 : i64, tpu.core_type = #tpu.core_type<sc_vector_subcore>, window_params = [{transform_indices = #map}, {transform_indices = #map}]} {
    %mul3A = arith.constant 2 : i32
    %mul3A_0 = arith.muli %arg1, %mul3A : i32
    %add3A = arith.addi %mul3A_0, %arg0 : i32
    %mul3A_1 = arith.constant 28 : i32
    %mul3A_2 = arith.muli %add3A, %mul3A_1 : i32
    %min3A = arith.constant 4 : i32
    %min3A_3 = arith.minsi %add3A, %min3A : i32
    %add3A_4 = arith.addi %mul3A_2, %min3A_3 : i32
    %lt3A = arith.constant 4 : i32
    %lt3A_5 = arith.cmpi slt, %add3A, %lt3A : i32
    %convert_element_type3A = arith.extui %lt3A_5 : i1 to i32
    %add3A_6 = arith.constant 28 : i32
    %add3A_7 = arith.addi %add3A_6, %convert_element_type3A : i32
    %add3A_8 = arith.constant 0 : i32
    %add3A_9 = arith.addi %add3A_4, %add3A_8 : i32
    %jit3A = arith.constant 300 : i32
    %div3A = arith.divsi %add3A_9, %jit3A : i32
    %sign3A = arith.constant 0 : i32
    %sign3A_10 = arith.cmpi sgt, %add3A_9, %sign3A : i32
    %sign3A_11 = arith.extui %sign3A_10 : i1 to i32
    %sign3A_12 = arith.constant 0 : i32
    %sign3A_13 = arith.cmpi slt, %add3A_9, %sign3A_12 : i32
    %sign3A_14 = arith.extui %sign3A_13 : i1 to i32
    %sign3A_15 = arith.subi %sign3A_11, %sign3A_14 : i32
    %sign3A_16 = arith.constant 0 : i32
    %sign3A_17 = arith.cmpi sgt, %jit3A, %sign3A_16 : i32
    %sign3A_18 = arith.extui %sign3A_17 : i1 to i32
    %sign3A_19 = arith.constant 0 : i32
    %sign3A_20 = arith.cmpi slt, %jit3A, %sign3A_19 : i32
    %sign3A_21 = arith.extui %sign3A_20 : i1 to i32
    %sign3A_22 = arith.subi %sign3A_18, %sign3A_21 : i32
    %ne3A = arith.cmpi ne, %sign3A_15, %sign3A_22 : i32
    %rem3A = arith.remsi %add3A_9, %jit3A : i32
    %ne3A_23 = arith.constant 0 : i32
    %ne3A_24 = arith.cmpi ne, %rem3A, %ne3A_23 : i32
    %and3A = arith.andi %ne3A, %ne3A_24 : i1
    %sub3A = arith.constant 1 : i32
    %sub3A_25 = arith.subi %div3A, %sub3A : i32
    %select_n3A = arith.select %and3A, %sub3A_25, %div3A : i32
    %jit3A_26 = arith.constant 300 : i32
    %eq3A = arith.constant 0 : i32
    %eq3A_27 = arith.cmpi eq, %jit3A_26, %eq3A : i32
    %jit3A_28 = arith.constant 1 : i32
    %select_n3A_29 = arith.select %eq3A_27, %jit3A_28, %jit3A_26 : i32
    %rem3A_30 = arith.remsi %add3A_9, %select_n3A_29 : i32
    %ne3A_31 = arith.constant 0 : i32
    %ne3A_32 = arith.cmpi ne, %rem3A_30, %ne3A_31 : i32
    %lt3A_33 = arith.constant 0 : i32
    %lt3A_34 = arith.cmpi slt, %rem3A_30, %lt3A_33 : i32
    %lt3A_35 = arith.constant 0 : i32
    %lt3A_36 = arith.cmpi slt, %select_n3A_29, %lt3A_35 : i32
    %ne3A_37 = arith.xori %lt3A_34, %lt3A_36 : i1
    %and3A_38 = arith.andi %ne3A_37, %ne3A_32 : i1
    %add3A_39 = arith.addi %rem3A_30, %select_n3A_29 : i32
    %select_n3A_40 = arith.select %and3A_38, %add3A_39, %rem3A_30 : i32
    %dma_start3A = arith.constant 0 : i32
    %dma_start3A_41 = arith.constant 0 : i32
    %dma_start3A_42 = tpu.memref_slice %arg2[%select_n3A, %dma_start3A, %select_n3A_40, %dma_start3A_41] : memref<3x25x300x512xf32, #tpu.memory_space<hbm>> -> memref<1x25x1x512xf32, #tpu.memory_space<hbm>>
    %dma_start3A_43 = tpu.memref_squeeze %dma_start3A_42 : memref<1x25x1x512xf32, #tpu.memory_space<hbm>> -> memref<25x512xf32, #tpu.memory_space<hbm>>
    %dma_start3A_44 = arith.constant 0 : i32
    %dma_start3A_45 = arith.constant 0 : i32
    %dma_start3A_46 = tpu.memref_slice %arg2[%select_n3A, %dma_start3A_44, %select_n3A_40, %dma_start3A_45] : memref<3x25x300x512xf32, #tpu.memory_space<hbm>> -> memref<1x25x1x512xf32, #tpu.memory_space<hbm>>
    %dma_start3A_47 = tpu.memref_squeeze %dma_start3A_46 : memref<1x25x1x512xf32, #tpu.memory_space<hbm>> -> memref<25x512xf32, #tpu.memory_space<hbm>>
    tpu.enqueue_dma source(%dma_start3A_47 : memref<25x512xf32, #tpu.memory_space<hbm>>) target(%arg4 : memref<25x512xf32, #tpu.memory_space<vmem>>) target_semaphore(%arg10 : memref<!tpu.dma_semaphore, #tpu.memory_space<semaphore_mem>>)
    %add3A_48 = arith.constant 1 : i32
    %add3A_49 = arith.addi %add3A_4, %add3A_48 : i32
    %jit3A_50 = arith.constant 300 : i32
    %div3A_51 = arith.divsi %add3A_49, %jit3A_50 : i32
    %sign3A_52 = arith.constant 0 : i32
    %sign3A_53 = arith.cmpi sgt, %add3A_49, %sign3A_52 : i32
    %sign3A_54 = arith.extui %sign3A_53 : i1 to i32
    %sign3A_55 = arith.constant 0 : i32
    %sign3A_56 = arith.cmpi slt, %add3A_49, %sign3A_55 : i32
    %sign3A_57 = arith.extui %sign3A_56 : i1 to i32
    %sign3A_58 = arith.subi %sign3A_54, %sign3A_57 : i32
    %sign3A_59 = arith.constant 0 : i32
    %sign3A_60 = arith.cmpi sgt, %jit3A_50, %sign3A_59 : i32
    %sign3A_61 = arith.extui %sign3A_60 : i1 to i32
    %sign3A_62 = arith.constant 0 : i32
    %sign3A_63 = arith.cmpi slt, %jit3A_50, %sign3A_62 : i32
    %sign3A_64 = arith.extui %sign3A_63 : i1 to i32
    %sign3A_65 = arith.subi %sign3A_61, %sign3A_64 : i32
    %ne3A_66 = arith.cmpi ne, %sign3A_58, %sign3A_65 : i32
    %rem3A_67 = arith.remsi %add3A_49, %jit3A_50 : i32
    %ne3A_68 = arith.constant 0 : i32
    %ne3A_69 = arith.cmpi ne, %rem3A_67, %ne3A_68 : i32
    %and3A_70 = arith.andi %ne3A_66, %ne3A_69 : i1
    %sub3A_71 = arith.constant 1 : i32
    %sub3A_72 = arith.subi %div3A_51, %sub3A_71 : i32
    %select_n3A_73 = arith.select %and3A_70, %sub3A_72, %div3A_51 : i32
    %jit3A_74 = arith.constant 300 : i32
    %eq3A_75 = arith.constant 0 : i32
    %eq3A_76 = arith.cmpi eq, %jit3A_74, %eq3A_75 : i32
    %jit3A_77 = arith.constant 1 : i32
    %select_n3A_78 = arith.select %eq3A_76, %jit3A_77, %jit3A_74 : i32
    %rem3A_79 = arith.remsi %add3A_49, %select_n3A_78 : i32
    %ne3A_80 = arith.constant 0 : i32
    %ne3A_81 = arith.cmpi ne, %rem3A_79, %ne3A_80 : i32
    %lt3A_82 = arith.constant 0 : i32
    %lt3A_83 = arith.cmpi slt, %rem3A_79, %lt3A_82 : i32
    %lt3A_84 = arith.constant 0 : i32
    %lt3A_85 = arith.cmpi slt, %select_n3A_78, %lt3A_84 : i32
    %ne3A_86 = arith.xori %lt3A_83, %lt3A_85 : i1
    %and3A_87 = arith.andi %ne3A_86, %ne3A_81 : i1
    %add3A_88 = arith.addi %rem3A_79, %select_n3A_78 : i32
    %select_n3A_89 = arith.select %and3A_87, %add3A_88, %rem3A_79 : i32
    %dma_start3A_90 = arith.constant 0 : i32
    %dma_start3A_91 = arith.constant 0 : i32
    %dma_start3A_92 = tpu.memref_slice %arg2[%select_n3A_73, %dma_start3A_90, %select_n3A_89, %dma_start3A_91] : memref<3x25x300x512xf32, #tpu.memory_space<hbm>> -> memref<1x25x1x512xf32, #tpu.memory_space<hbm>>
    %dma_start3A_93 = tpu.memref_squeeze %dma_start3A_92 : memref<1x25x1x512xf32, #tpu.memory_space<hbm>> -> memref<25x512xf32, #tpu.memory_space<hbm>>
    %dma_start3A_94 = arith.constant 0 : i32
    %dma_start3A_95 = arith.constant 0 : i32
    %dma_start3A_96 = tpu.memref_slice %arg2[%select_n3A_73, %dma_start3A_94, %select_n3A_89, %dma_start3A_95] : memref<3x25x300x512xf32, #tpu.memory_space<hbm>> -> memref<1x25x1x512xf32, #tpu.memory_space<hbm>>
    %dma_start3A_97 = tpu.memref_squeeze %dma_start3A_96 : memref<1x25x1x512xf32, #tpu.memory_space<hbm>> -> memref<25x512xf32, #tpu.memory_space<hbm>>
    tpu.enqueue_dma source(%dma_start3A_97 : memref<25x512xf32, #tpu.memory_space<hbm>>) target(%arg5 : memref<25x512xf32, #tpu.memory_space<vmem>>) target_semaphore(%arg11 : memref<!tpu.dma_semaphore, #tpu.memory_space<semaphore_mem>>)
    %scan3A = arith.constant 0 : i32
    %scan3A_98 = arith.constant 0 : i32
    %scan3A_99 = arith.constant 11 : i32
    %scan3A_100 = arith.addi %scan3A_98, %scan3A_99 : i32
    %scan3A_101 = arith.constant 1 : i32
    scf.for %scan3A_261 = %scan3A_98 to %scan3A_100 step %scan3A_101  : i32 {
      %mul3A_262 = arith.constant 3 : i32
      %mul3A_263 = arith.muli %scan3A_261, %mul3A_262 : i32
      %add3A_264 = arith.constant 0 : i32
      %add3A_265 = arith.addi %mul3A_263, %add3A_264 : i32
      %add3A_266 = arith.constant 2 : i32
      %add3A_267 = arith.addi %add3A_265, %add3A_266 : i32
      %lt3A_268 = arith.cmpi slt, %add3A_267, %add3A_7 : i32
      %convert_element_type3A_269 = arith.extui %lt3A_268 : i1 to i32
      %cond3A = arith.constant 0 : i32
      %cond3A_270 = arith.cmpi ne, %convert_element_type3A_269, %cond3A : i32
      scf.if %cond3A_270 {
        %add3A_335 = arith.constant 2 : i32
        %add3A_336 = arith.addi %add3A_265, %add3A_335 : i32
        %add3A_337 = arith.addi %add3A_4, %add3A_336 : i32
        %jit3A_338 = arith.constant 300 : i32
        %div3A_339 = arith.divsi %add3A_337, %jit3A_338 : i32
        %sign3A_340 = arith.constant 0 : i32
        %sign3A_341 = arith.cmpi sgt, %add3A_337, %sign3A_340 : i32
        %sign3A_342 = arith.extui %sign3A_341 : i1 to i32
        %sign3A_343 = arith.constant 0 : i32
        %sign3A_344 = arith.cmpi slt, %add3A_337, %sign3A_343 : i32
        %sign3A_345 = arith.extui %sign3A_344 : i1 to i32
        %sign3A_346 = arith.subi %sign3A_342, %sign3A_345 : i32
        %sign3A_347 = arith.constant 0 : i32
        %sign3A_348 = arith.cmpi sgt, %jit3A_338, %sign3A_347 : i32
        %sign3A_349 = arith.extui %sign3A_348 : i1 to i32
        %sign3A_350 = arith.constant 0 : i32
        %sign3A_351 = arith.cmpi slt, %jit3A_338, %sign3A_350 : i32
        %sign3A_352 = arith.extui %sign3A_351 : i1 to i32
        %sign3A_353 = arith.subi %sign3A_349, %sign3A_352 : i32
        %ne3A_354 = arith.cmpi ne, %sign3A_346, %sign3A_353 : i32
        %rem3A_355 = arith.remsi %add3A_337, %jit3A_338 : i32
        %ne3A_356 = arith.constant 0 : i32
        %ne3A_357 = arith.cmpi ne, %rem3A_355, %ne3A_356 : i32
        %and3A_358 = arith.andi %ne3A_354, %ne3A_357 : i1
        %sub3A_359 = arith.constant 1 : i32
        %sub3A_360 = arith.subi %div3A_339, %sub3A_359 : i32
        %select_n3A_361 = arith.select %and3A_358, %sub3A_360, %div3A_339 : i32
        %jit3A_362 = arith.constant 300 : i32
        %eq3A_363 = arith.constant 0 : i32
        %eq3A_364 = arith.cmpi eq, %jit3A_362, %eq3A_363 : i32
        %jit3A_365 = arith.constant 1 : i32
        %select_n3A_366 = arith.select %eq3A_364, %jit3A_365, %jit3A_362 : i32
        %rem3A_367 = arith.remsi %add3A_337, %select_n3A_366 : i32
        %ne3A_368 = arith.constant 0 : i32
        %ne3A_369 = arith.cmpi ne, %rem3A_367, %ne3A_368 : i32
        %lt3A_370 = arith.constant 0 : i32
        %lt3A_371 = arith.cmpi slt, %rem3A_367, %lt3A_370 : i32
        %lt3A_372 = arith.constant 0 : i32
        %lt3A_373 = arith.cmpi slt, %select_n3A_366, %lt3A_372 : i32
        %ne3A_374 = arith.xori %lt3A_371, %lt3A_373 : i1
        %and3A_375 = arith.andi %ne3A_374, %ne3A_369 : i1
        %add3A_376 = arith.addi %rem3A_367, %select_n3A_366 : i32
        %select_n3A_377 = arith.select %and3A_375, %add3A_376, %rem3A_367 : i32
        %dma_start3A_378 = arith.constant 0 : i32
        %dma_start3A_379 = arith.constant 0 : i32
        %dma_start3A_380 = tpu.memref_slice %arg2[%select_n3A_361, %dma_start3A_378, %select_n3A_377, %dma_start3A_379] : memref<3x25x300x512xf32, #tpu.memory_space<hbm>> -> memref<1x25x1x512xf32, #tpu.memory_space<hbm>>
        %dma_start3A_381 = tpu.memref_squeeze %dma_start3A_380 : memref<1x25x1x512xf32, #tpu.memory_space<hbm>> -> memref<25x512xf32, #tpu.memory_space<hbm>>
        %dma_start3A_382 = arith.constant 0 : i32
        %dma_start3A_383 = arith.constant 0 : i32
        %dma_start3A_384 = tpu.memref_slice %arg2[%select_n3A_361, %dma_start3A_382, %select_n3A_377, %dma_start3A_383] : memref<3x25x300x512xf32, #tpu.memory_space<hbm>> -> memref<1x25x1x512xf32, #tpu.memory_space<hbm>>
        %dma_start3A_385 = tpu.memref_squeeze %dma_start3A_384 : memref<1x25x1x512xf32, #tpu.memory_space<hbm>> -> memref<25x512xf32, #tpu.memory_space<hbm>>
        tpu.enqueue_dma source(%dma_start3A_385 : memref<25x512xf32, #tpu.memory_space<hbm>>) target(%arg6 : memref<25x512xf32, #tpu.memory_space<vmem>>) target_semaphore(%arg12 : memref<!tpu.dma_semaphore, #tpu.memory_space<semaphore_mem>>)
      } else {
      }
      %lt3A_271 = arith.cmpi slt, %add3A_265, %add3A_7 : i32
      %convert_element_type3A_272 = arith.extui %lt3A_271 : i1 to i32
      %cond3A_273 = arith.constant 0 : i32
      %cond3A_274 = arith.cmpi ne, %convert_element_type3A_272, %cond3A_273 : i32
      scf.if %cond3A_274 {
        %add3A_335 = arith.addi %add3A_4, %add3A_265 : i32
        %jit3A_336 = arith.constant 300 : i32
        %div3A_337 = arith.divsi %add3A_335, %jit3A_336 : i32
        %sign3A_338 = arith.constant 0 : i32
        %sign3A_339 = arith.cmpi sgt, %add3A_335, %sign3A_338 : i32
        %sign3A_340 = arith.extui %sign3A_339 : i1 to i32
        %sign3A_341 = arith.constant 0 : i32
        %sign3A_342 = arith.cmpi slt, %add3A_335, %sign3A_341 : i32
        %sign3A_343 = arith.extui %sign3A_342 : i1 to i32
        %sign3A_344 = arith.subi %sign3A_340, %sign3A_343 : i32
        %sign3A_345 = arith.constant 0 : i32
        %sign3A_346 = arith.cmpi sgt, %jit3A_336, %sign3A_345 : i32
        %sign3A_347 = arith.extui %sign3A_346 : i1 to i32
        %sign3A_348 = arith.constant 0 : i32
        %sign3A_349 = arith.cmpi slt, %jit3A_336, %sign3A_348 : i32
        %sign3A_350 = arith.extui %sign3A_349 : i1 to i32
        %sign3A_351 = arith.subi %sign3A_347, %sign3A_350 : i32
        %ne3A_352 = arith.cmpi ne, %sign3A_344, %sign3A_351 : i32
        %rem3A_353 = arith.remsi %add3A_335, %jit3A_336 : i32
        %ne3A_354 = arith.constant 0 : i32
        %ne3A_355 = arith.cmpi ne, %rem3A_353, %ne3A_354 : i32
        %and3A_356 = arith.andi %ne3A_352, %ne3A_355 : i1
        %sub3A_357 = arith.constant 1 : i32
        %sub3A_358 = arith.subi %div3A_337, %sub3A_357 : i32
        %select_n3A_359 = arith.select %and3A_356, %sub3A_358, %div3A_337 : i32
        %jit3A_360 = arith.constant 300 : i32
        %eq3A_361 = arith.constant 0 : i32
        %eq3A_362 = arith.cmpi eq, %jit3A_360, %eq3A_361 : i32
        %jit3A_363 = arith.constant 1 : i32
        %select_n3A_364 = arith.select %eq3A_362, %jit3A_363, %jit3A_360 : i32
        %rem3A_365 = arith.remsi %add3A_335, %select_n3A_364 : i32
        %ne3A_366 = arith.constant 0 : i32
        %ne3A_367 = arith.cmpi ne, %rem3A_365, %ne3A_366 : i32
        %lt3A_368 = arith.constant 0 : i32
        %lt3A_369 = arith.cmpi slt, %rem3A_365, %lt3A_368 : i32
        %lt3A_370 = arith.constant 0 : i32
        %lt3A_371 = arith.cmpi slt, %select_n3A_364, %lt3A_370 : i32
        %ne3A_372 = arith.xori %lt3A_369, %lt3A_371 : i1
        %and3A_373 = arith.andi %ne3A_372, %ne3A_367 : i1
        %add3A_374 = arith.addi %rem3A_365, %select_n3A_364 : i32
        %select_n3A_375 = arith.select %and3A_373, %add3A_374, %rem3A_365 : i32
        %dma_wait3A_376 = arith.constant 0 : i32
        %dma_wait3A_377 = arith.constant 0 : i32
        %dma_wait3A_378 = tpu.memref_slice %arg2[%select_n3A_359, %dma_wait3A_376, %select_n3A_375, %dma_wait3A_377] : memref<3x25x300x512xf32, #tpu.memory_space<hbm>> -> memref<1x25x1x512xf32, #tpu.memory_space<hbm>>
        %dma_wait3A_379 = tpu.memref_squeeze %dma_wait3A_378 : memref<1x25x1x512xf32, #tpu.memory_space<hbm>> -> memref<25x512xf32, #tpu.memory_space<hbm>>
        %dma_wait3A_380 = arith.constant 0 : i32
        %dma_wait3A_381 = arith.constant 0 : i32
        %dma_wait3A_382 = tpu.memref_slice %arg2[%select_n3A_359, %dma_wait3A_380, %select_n3A_375, %dma_wait3A_381] : memref<3x25x300x512xf32, #tpu.memory_space<hbm>> -> memref<1x25x1x512xf32, #tpu.memory_space<hbm>>
        %dma_wait3A_383 = tpu.memref_squeeze %dma_wait3A_382 : memref<1x25x1x512xf32, #tpu.memory_space<hbm>> -> memref<25x512xf32, #tpu.memory_space<hbm>>
        tpu.wait_dma2 semaphore(%arg10 : memref<!tpu.dma_semaphore, #tpu.memory_space<semaphore_mem>>) src(%dma_wait3A_383 : memref<25x512xf32, #tpu.memory_space<hbm>>) dst(%arg4 : memref<25x512xf32, #tpu.memory_space<vmem>>)
      } else {
      }
      %ge3A = arith.constant 3 : i32
      %ge3A_275 = arith.cmpi sge, %add3A_265, %ge3A : i32
      %lt3A_276 = arith.cmpi slt, %add3A_265, %add3A_7 : i32
      %and3A_277 = arith.andi %ge3A_275, %lt3A_276 : i1
      %convert_element_type3A_278 = arith.extui %and3A_277 : i1 to i32
      %cond3A_279 = arith.constant 0 : i32
      %cond3A_280 = arith.cmpi ne, %convert_element_type3A_278, %cond3A_279 : i32
      scf.if %cond3A_280 {
        %sub3A_335 = arith.constant 3 : i32
        %sub3A_336 = arith.subi %add3A_265, %sub3A_335 : i32
        %add3A_337 = arith.addi %add3A_4, %sub3A_336 : i32
        %jit3A_338 = arith.constant 300 : i32
        %div3A_339 = arith.divsi %add3A_337, %jit3A_338 : i32
        %sign3A_340 = arith.constant 0 : i32
        %sign3A_341 = arith.cmpi sgt, %add3A_337, %sign3A_340 : i32
        %sign3A_342 = arith.extui %sign3A_341 : i1 to i32
        %sign3A_343 = arith.constant 0 : i32
        %sign3A_344 = arith.cmpi slt, %add3A_337, %sign3A_343 : i32
        %sign3A_345 = arith.extui %sign3A_344 : i1 to i32
        %sign3A_346 = arith.subi %sign3A_342, %sign3A_345 : i32
        %sign3A_347 = arith.constant 0 : i32
        %sign3A_348 = arith.cmpi sgt, %jit3A_338, %sign3A_347 : i32
        %sign3A_349 = arith.extui %sign3A_348 : i1 to i32
        %sign3A_350 = arith.constant 0 : i32
        %sign3A_351 = arith.cmpi slt, %jit3A_338, %sign3A_350 : i32
        %sign3A_352 = arith.extui %sign3A_351 : i1 to i32
        %sign3A_353 = arith.subi %sign3A_349, %sign3A_352 : i32
        %ne3A_354 = arith.cmpi ne, %sign3A_346, %sign3A_353 : i32
        %rem3A_355 = arith.remsi %add3A_337, %jit3A_338 : i32
        %ne3A_356 = arith.constant 0 : i32
        %ne3A_357 = arith.cmpi ne, %rem3A_355, %ne3A_356 : i32
        %and3A_358 = arith.andi %ne3A_354, %ne3A_357 : i1
        %sub3A_359 = arith.constant 1 : i32
        %sub3A_360 = arith.subi %div3A_339, %sub3A_359 : i32
        %select_n3A_361 = arith.select %and3A_358, %sub3A_360, %div3A_339 : i32
        %jit3A_362 = arith.constant 300 : i32
        %eq3A_363 = arith.constant 0 : i32
        %eq3A_364 = arith.cmpi eq, %jit3A_362, %eq3A_363 : i32
        %jit3A_365 = arith.constant 1 : i32
        %select_n3A_366 = arith.select %eq3A_364, %jit3A_365, %jit3A_362 : i32
        %rem3A_367 = arith.remsi %add3A_337, %select_n3A_366 : i32
        %ne3A_368 = arith.constant 0 : i32
        %ne3A_369 = arith.cmpi ne, %rem3A_367, %ne3A_368 : i32
        %lt3A_370 = arith.constant 0 : i32
        %lt3A_371 = arith.cmpi slt, %rem3A_367, %lt3A_370 : i32
        %lt3A_372 = arith.constant 0 : i32
        %lt3A_373 = arith.cmpi slt, %select_n3A_366, %lt3A_372 : i32
        %ne3A_374 = arith.xori %lt3A_371, %lt3A_373 : i1
        %and3A_375 = arith.andi %ne3A_374, %ne3A_369 : i1
        %add3A_376 = arith.addi %rem3A_367, %select_n3A_366 : i32
        %select_n3A_377 = arith.select %and3A_375, %add3A_376, %rem3A_367 : i32
        %dma_wait3A_378 = arith.constant 0 : i32
        %dma_wait3A_379 = arith.constant 0 : i32
        %dma_wait3A_380 = tpu.memref_slice %arg3[%select_n3A_361, %dma_wait3A_378, %select_n3A_377, %dma_wait3A_379] : memref<3x25x300x512xf32, #tpu.memory_space<hbm>> -> memref<1x25x1x512xf32, #tpu.memory_space<hbm>>
        %dma_wait3A_381 = tpu.memref_squeeze %dma_wait3A_380 : memref<1x25x1x512xf32, #tpu.memory_space<hbm>> -> memref<25x512xf32, #tpu.memory_space<hbm>>
        %dma_wait3A_382 = arith.constant 0 : i32
        %dma_wait3A_383 = arith.constant 0 : i32
        %dma_wait3A_384 = tpu.memref_slice %arg3[%select_n3A_361, %dma_wait3A_382, %select_n3A_377, %dma_wait3A_383] : memref<3x25x300x512xf32, #tpu.memory_space<hbm>> -> memref<1x25x1x512xf32, #tpu.memory_space<hbm>>
        %dma_wait3A_385 = tpu.memref_squeeze %dma_wait3A_384 : memref<1x25x1x512xf32, #tpu.memory_space<hbm>> -> memref<25x512xf32, #tpu.memory_space<hbm>>
        tpu.wait_dma2 semaphore(%arg13 : memref<!tpu.dma_semaphore, #tpu.memory_space<semaphore_mem>>) src(%arg7 : memref<25x512xf32, #tpu.memory_space<vmem>>) dst(%dma_wait3A_385 : memref<25x512xf32, #tpu.memory_space<hbm>>)
      } else {
      }
      %lt3A_281 = arith.cmpi slt, %add3A_265, %add3A_7 : i32
      %convert_element_type3A_282 = arith.extui %lt3A_281 : i1 to i32
      %cond3A_283 = arith.constant 0 : i32
      %cond3A_284 = arith.cmpi ne, %convert_element_type3A_282, %cond3A_283 : i32
      scf.if %cond3A_284 {
        %parallel_loop3A = arith.constant 0 : i32
        %parallel_loop3A_335 = arith.constant 32 : i32
        %parallel_loop3A_336 = arith.constant 1 : i32
        scf.for %parallel_loop3A_386 = %parallel_loop3A to %parallel_loop3A_335 step %parallel_loop3A_336  : i32 {
          %parallel_loop3A_387 = arith.constant 16 : i32
          %parallel_loop3A_388 = arith.muli %parallel_loop3A_386, %parallel_loop3A_387 : i32
          %parallel_loop3A_389 = tpu.assume_multiple %parallel_loop3A_388, 16 : i32
          %parallel_loop3A_390 = arith.constant 0 : i32
          %parallel_loop3A_391 = arith.index_cast %parallel_loop3A_390 : i32 to index
          %parallel_loop3A_392 = arith.index_cast %parallel_loop3A_389 : i32 to index
          %parallel_loop3A_393 = tpu.vector_load %arg4[%parallel_loop3A_391, %parallel_loop3A_392] {strides = array<i32>} : memref<25x512xf32, #tpu.memory_space<vmem>>, vector<1x16xf32>,
          %parallel_loop3A_394 = vector.shape_cast %parallel_loop3A_393 : vector<1x16xf32> to vector<16xf32>
          %parallel_loop3A_395 = arith.constant 1 : i32
          %parallel_loop3A_396 = arith.index_cast %parallel_loop3A_395 : i32 to index
          %parallel_loop3A_397 = arith.index_cast %parallel_loop3A_389 : i32 to index
          %parallel_loop3A_398 = tpu.vector_load %arg4[%parallel_loop3A_396, %parallel_loop3A_397] {strides = array<i32>} : memref<25x512xf32, #tpu.memory_space<vmem>>, vector<1x16xf32>,
          %parallel_loop3A_399 = vector.shape_cast %parallel_loop3A_398 : vector<1x16xf32> to vector<16xf32>
          %parallel_loop3A_400 = arith.constant 2 : i32
          %parallel_loop3A_401 = arith.index_cast %parallel_loop3A_400 : i32 to index
          %parallel_loop3A_402 = arith.index_cast %parallel_loop3A_389 : i32 to index
          %parallel_loop3A_403 = tpu.vector_load %arg4[%parallel_loop3A_401, %parallel_loop3A_402] {strides = array<i32>} : memref<25x512xf32, #tpu.memory_space<vmem>>, vector<1x16xf32>,
          %parallel_loop3A_404 = vector.shape_cast %parallel_loop3A_403 : vector<1x16xf32> to vector<16xf32>
          %parallel_loop3A_405 = arith.constant 3 : i32
          %parallel_loop3A_406 = arith.index_cast %parallel_loop3A_405 : i32 to index
          %parallel_loop3A_407 = arith.index_cast %parallel_loop3A_389 : i32 to index
          %parallel_loop3A_408 = tpu.vector_load %arg4[%parallel_loop3A_406, %parallel_loop3A_407] {strides = array<i32>} : memref<25x512xf32, #tpu.memory_space<vmem>>, vector<1x16xf32>,
          %parallel_loop3A_409 = vector.shape_cast %parallel_loop3A_408 : vector<1x16xf32> to vector<16xf32>
          %parallel_loop3A_410 = arith.constant 4 : i32
          %parallel_loop3A_411 = arith.index_cast %parallel_loop3A_410 : i32 to index
          %parallel_loop3A_412 = arith.index_cast %parallel_loop3A_389 : i32 to index
          %parallel_loop3A_413 = tpu.vector_load %arg4[%parallel_loop3A_411, %parallel_loop3A_412] {strides = array<i32>} : memref<25x512xf32, #tpu.memory_space<vmem>>, vector<1x16xf32>,
          %parallel_loop3A_414 = vector.shape_cast %parallel_loop3A_413 : vector<1x16xf32> to vector<16xf32>
          %parallel_loop3A_415 = arith.constant 5 : i32
          %parallel_loop3A_416 = arith.index_cast %parallel_loop3A_415 : i32 to index
          %parallel_loop3A_417 = arith.index_cast %parallel_loop3A_389 : i32 to index
          %parallel_loop3A_418 = tpu.vector_load %arg4[%parallel_loop3A_416, %parallel_loop3A_417] {strides = array<i32>} : memref<25x512xf32, #tpu.memory_space<vmem>>, vector<1x16xf32>,
          %parallel_loop3A_419 = vector.shape_cast %parallel_loop3A_418 : vector<1x16xf32> to vector<16xf32>
          %parallel_loop3A_420 = arith.constant 6 : i32
          %parallel_loop3A_421 = arith.index_cast %parallel_loop3A_420 : i32 to index
          %parallel_loop3A_422 = arith.index_cast %parallel_loop3A_389 : i32 to index
          %parallel_loop3A_423 = tpu.vector_load %arg4[%parallel_loop3A_421, %parallel_loop3A_422] {strides = array<i32>} : memref<25x512xf32, #tpu.memory_space<vmem>>, vector<1x16xf32>,
          %parallel_loop3A_424 = vector.shape_cast %parallel_loop3A_423 : vector<1x16xf32> to vector<16xf32>
          %parallel_loop3A_425 = arith.constant 7 : i32
          %parallel_loop3A_426 = arith.index_cast %parallel_loop3A_425 : i32 to index
          %parallel_loop3A_427 = arith.index_cast %parallel_loop3A_389 : i32 to index
          %parallel_loop3A_428 = tpu.vector_load %arg4[%parallel_loop3A_426, %parallel_loop3A_427] {strides = array<i32>} : memref<25x512xf32, #tpu.memory_space<vmem>>, vector<1x16xf32>,
          %parallel_loop3A_429 = vector.shape_cast %parallel_loop3A_428 : vector<1x16xf32> to vector<16xf32>
          %parallel_loop3A_430 = arith.constant 8 : i32
          %parallel_loop3A_431 = arith.index_cast %parallel_loop3A_430 : i32 to index
          %parallel_loop3A_432 = arith.index_cast %parallel_loop3A_389 : i32 to index
          %parallel_loop3A_433 = tpu.vector_load %arg4[%parallel_loop3A_431, %parallel_loop3A_432] {strides = array<i32>} : memref<25x512xf32, #tpu.memory_space<vmem>>, vector<1x16xf32>,
          %parallel_loop3A_434 = vector.shape_cast %parallel_loop3A_433 : vector<1x16xf32> to vector<16xf32>
          %parallel_loop3A_435 = arith.constant 9 : i32
          %parallel_loop3A_436 = arith.index_cast %parallel_loop3A_435 : i32 to index
          %parallel_loop3A_437 = arith.index_cast %parallel_loop3A_389 : i32 to index
          %parallel_loop3A_438 = tpu.vector_load %arg4[%parallel_loop3A_436, %parallel_loop3A_437] {strides = array<i32>} : memref<25x512xf32, #tpu.memory_space<vmem>>, vector<1x16xf32>,
          %parallel_loop3A_439 = vector.shape_cast %parallel_loop3A_438 : vector<1x16xf32> to vector<16xf32>
          %parallel_loop3A_440 = arith.constant 10 : i32
          %parallel_loop3A_441 = arith.index_cast %parallel_loop3A_440 : i32 to index
          %parallel_loop3A_442 = arith.index_cast %parallel_loop3A_389 : i32 to index
          %parallel_loop3A_443 = tpu.vector_load %arg4[%parallel_loop3A_441, %parallel_loop3A_442] {strides = array<i32>} : memref<25x512xf32, #tpu.memory_space<vmem>>, vector<1x16xf32>,
          %parallel_loop3A_444 = vector.shape_cast %parallel_loop3A_443 : vector<1x16xf32> to vector<16xf32>
          %parallel_loop3A_445 = arith.constant 11 : i32
          %parallel_loop3A_446 = arith.index_cast %parallel_loop3A_445 : i32 to index
          %parallel_loop3A_447 = arith.index_cast %parallel_loop3A_389 : i32 to index
          %parallel_loop3A_448 = tpu.vector_load %arg4[%parallel_loop3A_446, %parallel_loop3A_447] {strides = array<i32>} : memref<25x512xf32, #tpu.memory_space<vmem>>, vector<1x16xf32>,
          %parallel_loop3A_449 = vector.shape_cast %parallel_loop3A_448 : vector<1x16xf32> to vector<16xf32>
          %parallel_loop3A_450 = arith.constant 12 : i32
          %parallel_loop3A_451 = arith.index_cast %parallel_loop3A_450 : i32 to index
          %parallel_loop3A_452 = arith.index_cast %parallel_loop3A_389 : i32 to index
          %parallel_loop3A_453 = tpu.vector_load %arg4[%parallel_loop3A_451, %parallel_loop3A_452] {strides = array<i32>} : memref<25x512xf32, #tpu.memory_space<vmem>>, vector<1x16xf32>,
          %parallel_loop3A_454 = vector.shape_cast %parallel_loop3A_453 : vector<1x16xf32> to vector<16xf32>
          %parallel_loop3A_455 = arith.constant 13 : i32
          %parallel_loop3A_456 = arith.index_cast %parallel_loop3A_455 : i32 to index
          %parallel_loop3A_457 = arith.index_cast %parallel_loop3A_389 : i32 to index
          %parallel_loop3A_458 = tpu.vector_load %arg4[%parallel_loop3A_456, %parallel_loop3A_457] {strides = array<i32>} : memref<25x512xf32, #tpu.memory_space<vmem>>, vector<1x16xf32>,
          %parallel_loop3A_459 = vector.shape_cast %parallel_loop3A_458 : vector<1x16xf32> to vector<16xf32>
          %parallel_loop3A_460 = arith.constant 14 : i32
          %parallel_loop3A_461 = arith.index_cast %parallel_loop3A_460 : i32 to index
          %parallel_loop3A_462 = arith.index_cast %parallel_loop3A_389 : i32 to index
          %parallel_loop3A_463 = tpu.vector_load %arg4[%parallel_loop3A_461, %parallel_loop3A_462] {strides = array<i32>} : memref<25x512xf32, #tpu.memory_space<vmem>>, vector<1x16xf32>,
          %parallel_loop3A_464 = vector.shape_cast %parallel_loop3A_463 : vector<1x16xf32> to vector<16xf32>
          %parallel_loop3A_465 = arith.constant 15 : i32
          %parallel_loop3A_466 = arith.index_cast %parallel_loop3A_465 : i32 to index
          %parallel_loop3A_467 = arith.index_cast %parallel_loop3A_389 : i32 to index
          %parallel_loop3A_468 = tpu.vector_load %arg4[%parallel_loop3A_466, %parallel_loop3A_467] {strides = array<i32>} : memref<25x512xf32, #tpu.memory_space<vmem>>, vector<1x16xf32>,
          %parallel_loop3A_469 = vector.shape_cast %parallel_loop3A_468 : vector<1x16xf32> to vector<16xf32>
          %parallel_loop3A_470 = arith.constant 16 : i32
          %parallel_loop3A_471 = arith.index_cast %parallel_loop3A_470 : i32 to index
          %parallel_loop3A_472 = arith.index_cast %parallel_loop3A_389 : i32 to index
          %parallel_loop3A_473 = tpu.vector_load %arg4[%parallel_loop3A_471, %parallel_loop3A_472] {strides = array<i32>} : memref<25x512xf32, #tpu.memory_space<vmem>>, vector<1x16xf32>,
          %parallel_loop3A_474 = vector.shape_cast %parallel_loop3A_473 : vector<1x16xf32> to vector<16xf32>
          %parallel_loop3A_475 = arith.constant 17 : i32
          %parallel_loop3A_476 = arith.index_cast %parallel_loop3A_475 : i32 to index
          %parallel_loop3A_477 = arith.index_cast %parallel_loop3A_389 : i32 to index
          %parallel_loop3A_478 = tpu.vector_load %arg4[%parallel_loop3A_476, %parallel_loop3A_477] {strides = array<i32>} : memref<25x512xf32, #tpu.memory_space<vmem>>, vector<1x16xf32>,
          %parallel_loop3A_479 = vector.shape_cast %parallel_loop3A_478 : vector<1x16xf32> to vector<16xf32>
          %parallel_loop3A_480 = arith.constant 18 : i32
          %parallel_loop3A_481 = arith.index_cast %parallel_loop3A_480 : i32 to index
          %parallel_loop3A_482 = arith.index_cast %parallel_loop3A_389 : i32 to index
          %parallel_loop3A_483 = tpu.vector_load %arg4[%parallel_loop3A_481, %parallel_loop3A_482] {strides = array<i32>} : memref<25x512xf32, #tpu.memory_space<vmem>>, vector<1x16xf32>,
          %parallel_loop3A_484 = vector.shape_cast %parallel_loop3A_483 : vector<1x16xf32> to vector<16xf32>
          %parallel_loop3A_485 = arith.constant 19 : i32
          %parallel_loop3A_486 = arith.index_cast %parallel_loop3A_485 : i32 to index
          %parallel_loop3A_487 = arith.index_cast %parallel_loop3A_389 : i32 to index
          %parallel_loop3A_488 = tpu.vector_load %arg4[%parallel_loop3A_486, %parallel_loop3A_487] {strides = array<i32>} : memref<25x512xf32, #tpu.memory_space<vmem>>, vector<1x16xf32>,
          %parallel_loop3A_489 = vector.shape_cast %parallel_loop3A_488 : vector<1x16xf32> to vector<16xf32>
          %parallel_loop3A_490 = arith.constant 20 : i32
          %parallel_loop3A_491 = arith.index_cast %parallel_loop3A_490 : i32 to index
          %parallel_loop3A_492 = arith.index_cast %parallel_loop3A_389 : i32 to index
          %parallel_loop3A_493 = tpu.vector_load %arg4[%parallel_loop3A_491, %parallel_loop3A_492] {strides = array<i32>} : memref<25x512xf32, #tpu.memory_space<vmem>>, vector<1x16xf32>,
          %parallel_loop3A_494 = vector.shape_cast %parallel_loop3A_493 : vector<1x16xf32> to vector<16xf32>
          %parallel_loop3A_495 = arith.constant 21 : i32
          %parallel_loop3A_496 = arith.index_cast %parallel_loop3A_495 : i32 to index
          %parallel_loop3A_497 = arith.index_cast %parallel_loop3A_389 : i32 to index
          %parallel_loop3A_498 = tpu.vector_load %arg4[%parallel_loop3A_496, %parallel_loop3A_497] {strides = array<i32>} : memref<25x512xf32, #tpu.memory_space<vmem>>, vector<1x16xf32>,
          %parallel_loop3A_499 = vector.shape_cast %parallel_loop3A_498 : vector<1x16xf32> to vector<16xf32>
          %parallel_loop3A_500 = arith.constant 22 : i32
          %parallel_loop3A_501 = arith.index_cast %parallel_loop3A_500 : i32 to index
          %parallel_loop3A_502 = arith.index_cast %parallel_loop3A_389 : i32 to index
          %parallel_loop3A_503 = tpu.vector_load %arg4[%parallel_loop3A_501, %parallel_loop3A_502] {strides = array<i32>} : memref<25x512xf32, #tpu.memory_space<vmem>>, vector<1x16xf32>,
          %parallel_loop3A_504 = vector.shape_cast %parallel_loop3A_503 : vector<1x16xf32> to vector<16xf32>
          %parallel_loop3A_505 = arith.constant 23 : i32
          %parallel_loop3A_506 = arith.index_cast %parallel_loop3A_505 : i32 to index
          %parallel_loop3A_507 = arith.index_cast %parallel_loop3A_389 : i32 to index
          %parallel_loop3A_508 = tpu.vector_load %arg4[%parallel_loop3A_506, %parallel_loop3A_507] {strides = array<i32>} : memref<25x512xf32, #tpu.memory_space<vmem>>, vector<1x16xf32>,
          %parallel_loop3A_509 = vector.shape_cast %parallel_loop3A_508 : vector<1x16xf32> to vector<16xf32>
          %parallel_loop3A_510 = arith.constant 24 : i32
          %parallel_loop3A_511 = arith.index_cast %parallel_loop3A_510 : i32 to index
          %parallel_loop3A_512 = arith.index_cast %parallel_loop3A_389 : i32 to index
          %parallel_loop3A_513 = tpu.vector_load %arg4[%parallel_loop3A_511, %parallel_loop3A_512] {strides = array<i32>} : memref<25x512xf32, #tpu.memory_space<vmem>>, vector<1x16xf32>,
          %parallel_loop3A_514 = vector.shape_cast %parallel_loop3A_513 : vector<1x16xf32> to vector<16xf32>
          %parallel_loop3A_515 = arith.subf %parallel_loop3A_394, %parallel_loop3A_399 : vector<16xf32>
          %parallel_loop3A_516 = arith.constant 0 : i32
          %parallel_loop3A_517 = arith.index_cast %parallel_loop3A_516 : i32 to index
          %parallel_loop3A_518 = arith.index_cast %parallel_loop3A_389 : i32 to index
          %parallel_loop3A_519 = tpu.vector_load %arg7[%parallel_loop3A_517, %parallel_loop3A_518] {strides = array<i32>} : memref<25x512xf32, #tpu.memory_space<vmem>>, vector<1x16xf32>,
          %parallel_loop3A_520 = vector.shape_cast %parallel_loop3A_519 : vector<1x16xf32> to vector<16xf32>
          %parallel_loop3A_521 = vector.shape_cast %parallel_loop3A_515 : vector<16xf32> to vector<1x16xf32>
          tpu.vector_store %arg7[%parallel_loop3A_517, %parallel_loop3A_518], %parallel_loop3A_521 {strides = array<i32>} : memref<25x512xf32, #tpu.memory_space<vmem>>, vector<1x16xf32>,
          %parallel_loop3A_522 = arith.subf %parallel_loop3A_399, %parallel_loop3A_494 : vector<16xf32>
          %parallel_loop3A_523 = arith.constant 1 : i32
          %parallel_loop3A_524 = arith.index_cast %parallel_loop3A_523 : i32 to index
          %parallel_loop3A_525 = arith.index_cast %parallel_loop3A_389 : i32 to index
          %parallel_loop3A_526 = tpu.vector_load %arg7[%parallel_loop3A_524, %parallel_loop3A_525] {strides = array<i32>} : memref<25x512xf32, #tpu.memory_space<vmem>>, vector<1x16xf32>,
          %parallel_loop3A_527 = vector.shape_cast %parallel_loop3A_526 : vector<1x16xf32> to vector<16xf32>
          %parallel_loop3A_528 = vector.shape_cast %parallel_loop3A_522 : vector<16xf32> to vector<1x16xf32>
          tpu.vector_store %arg7[%parallel_loop3A_524, %parallel_loop3A_525], %parallel_loop3A_528 {strides = array<i32>} : memref<25x512xf32, #tpu.memory_space<vmem>>, vector<1x16xf32>,
          %parallel_loop3A_529 = arith.subf %parallel_loop3A_404, %parallel_loop3A_494 : vector<16xf32>
          %parallel_loop3A_530 = arith.constant 2 : i32
          %parallel_loop3A_531 = arith.index_cast %parallel_loop3A_530 : i32 to index
          %parallel_loop3A_532 = arith.index_cast %parallel_loop3A_389 : i32 to index
          %parallel_loop3A_533 = tpu.vector_load %arg7[%parallel_loop3A_531, %parallel_loop3A_532] {strides = array<i32>} : memref<25x512xf32, #tpu.memory_space<vmem>>, vector<1x16xf32>,
          %parallel_loop3A_534 = vector.shape_cast %parallel_loop3A_533 : vector<1x16xf32> to vector<16xf32>
          %parallel_loop3A_535 = vector.shape_cast %parallel_loop3A_529 : vector<16xf32> to vector<1x16xf32>
          tpu.vector_store %arg7[%parallel_loop3A_531, %parallel_loop3A_532], %parallel_loop3A_535 {strides = array<i32>} : memref<25x512xf32, #tpu.memory_space<vmem>>, vector<1x16xf32>,
          %parallel_loop3A_536 = arith.subf %parallel_loop3A_409, %parallel_loop3A_404 : vector<16xf32>
          %parallel_loop3A_537 = arith.constant 3 : i32
          %parallel_loop3A_538 = arith.index_cast %parallel_loop3A_537 : i32 to index
          %parallel_loop3A_539 = arith.index_cast %parallel_loop3A_389 : i32 to index
          %parallel_loop3A_540 = tpu.vector_load %arg7[%parallel_loop3A_538, %parallel_loop3A_539] {strides = array<i32>} : memref<25x512xf32, #tpu.memory_space<vmem>>, vector<1x16xf32>,
          %parallel_loop3A_541 = vector.shape_cast %parallel_loop3A_540 : vector<1x16xf32> to vector<16xf32>
          %parallel_loop3A_542 = vector.shape_cast %parallel_loop3A_536 : vector<16xf32> to vector<1x16xf32>
          tpu.vector_store %arg7[%parallel_loop3A_538, %parallel_loop3A_539], %parallel_loop3A_542 {strides = array<i32>} : memref<25x512xf32, #tpu.memory_space<vmem>>, vector<1x16xf32>,
          %parallel_loop3A_543 = arith.subf %parallel_loop3A_414, %parallel_loop3A_494 : vector<16xf32>
          %parallel_loop3A_544 = arith.constant 4 : i32
          %parallel_loop3A_545 = arith.index_cast %parallel_loop3A_544 : i32 to index
          %parallel_loop3A_546 = arith.index_cast %parallel_loop3A_389 : i32 to index
          %parallel_loop3A_547 = tpu.vector_load %arg7[%parallel_loop3A_545, %parallel_loop3A_546] {strides = array<i32>} : memref<25x512xf32, #tpu.memory_space<vmem>>, vector<1x16xf32>,
          %parallel_loop3A_548 = vector.shape_cast %parallel_loop3A_547 : vector<1x16xf32> to vector<16xf32>
          %parallel_loop3A_549 = vector.shape_cast %parallel_loop3A_543 : vector<16xf32> to vector<1x16xf32>
          tpu.vector_store %arg7[%parallel_loop3A_545, %parallel_loop3A_546], %parallel_loop3A_549 {strides = array<i32>} : memref<25x512xf32, #tpu.memory_space<vmem>>, vector<1x16xf32>,
          %parallel_loop3A_550 = arith.subf %parallel_loop3A_419, %parallel_loop3A_414 : vector<16xf32>
          %parallel_loop3A_551 = arith.constant 5 : i32
          %parallel_loop3A_552 = arith.index_cast %parallel_loop3A_551 : i32 to index
          %parallel_loop3A_553 = arith.index_cast %parallel_loop3A_389 : i32 to index
          %parallel_loop3A_554 = tpu.vector_load %arg7[%parallel_loop3A_552, %parallel_loop3A_553] {strides = array<i32>} : memref<25x512xf32, #tpu.memory_space<vmem>>, vector<1x16xf32>,
          %parallel_loop3A_555 = vector.shape_cast %parallel_loop3A_554 : vector<1x16xf32> to vector<16xf32>
          %parallel_loop3A_556 = vector.shape_cast %parallel_loop3A_550 : vector<16xf32> to vector<1x16xf32>
          tpu.vector_store %arg7[%parallel_loop3A_552, %parallel_loop3A_553], %parallel_loop3A_556 {strides = array<i32>} : memref<25x512xf32, #tpu.memory_space<vmem>>, vector<1x16xf32>,
          %parallel_loop3A_557 = arith.subf %parallel_loop3A_424, %parallel_loop3A_419 : vector<16xf32>
          %parallel_loop3A_558 = arith.constant 6 : i32
          %parallel_loop3A_559 = arith.index_cast %parallel_loop3A_558 : i32 to index
          %parallel_loop3A_560 = arith.index_cast %parallel_loop3A_389 : i32 to index
          %parallel_loop3A_561 = tpu.vector_load %arg7[%parallel_loop3A_559, %parallel_loop3A_560] {strides = array<i32>} : memref<25x512xf32, #tpu.memory_space<vmem>>, vector<1x16xf32>,
          %parallel_loop3A_562 = vector.shape_cast %parallel_loop3A_561 : vector<1x16xf32> to vector<16xf32>
          %parallel_loop3A_563 = vector.shape_cast %parallel_loop3A_557 : vector<16xf32> to vector<1x16xf32>
          tpu.vector_store %arg7[%parallel_loop3A_559, %parallel_loop3A_560], %parallel_loop3A_563 {strides = array<i32>} : memref<25x512xf32, #tpu.memory_space<vmem>>, vector<1x16xf32>,
          %parallel_loop3A_564 = arith.subf %parallel_loop3A_429, %parallel_loop3A_424 : vector<16xf32>
          %parallel_loop3A_565 = arith.constant 7 : i32
          %parallel_loop3A_566 = arith.index_cast %parallel_loop3A_565 : i32 to index
          %parallel_loop3A_567 = arith.index_cast %parallel_loop3A_389 : i32 to index
          %parallel_loop3A_568 = tpu.vector_load %arg7[%parallel_loop3A_566, %parallel_loop3A_567] {strides = array<i32>} : memref<25x512xf32, #tpu.memory_space<vmem>>, vector<1x16xf32>,
          %parallel_loop3A_569 = vector.shape_cast %parallel_loop3A_568 : vector<1x16xf32> to vector<16xf32>
          %parallel_loop3A_570 = vector.shape_cast %parallel_loop3A_564 : vector<16xf32> to vector<1x16xf32>
          tpu.vector_store %arg7[%parallel_loop3A_566, %parallel_loop3A_567], %parallel_loop3A_570 {strides = array<i32>} : memref<25x512xf32, #tpu.memory_space<vmem>>, vector<1x16xf32>,
          %parallel_loop3A_571 = arith.subf %parallel_loop3A_434, %parallel_loop3A_494 : vector<16xf32>
          %parallel_loop3A_572 = arith.constant 8 : i32
          %parallel_loop3A_573 = arith.index_cast %parallel_loop3A_572 : i32 to index
          %parallel_loop3A_574 = arith.index_cast %parallel_loop3A_389 : i32 to index
          %parallel_loop3A_575 = tpu.vector_load %arg7[%parallel_loop3A_573, %parallel_loop3A_574] {strides = array<i32>} : memref<25x512xf32, #tpu.memory_space<vmem>>, vector<1x16xf32>,
          %parallel_loop3A_576 = vector.shape_cast %parallel_loop3A_575 : vector<1x16xf32> to vector<16xf32>
          %parallel_loop3A_577 = vector.shape_cast %parallel_loop3A_571 : vector<16xf32> to vector<1x16xf32>
          tpu.vector_store %arg7[%parallel_loop3A_573, %parallel_loop3A_574], %parallel_loop3A_577 {strides = array<i32>} : memref<25x512xf32, #tpu.memory_space<vmem>>, vector<1x16xf32>,
          %parallel_loop3A_578 = arith.subf %parallel_loop3A_439, %parallel_loop3A_434 : vector<16xf32>
          %parallel_loop3A_579 = arith.constant 9 : i32
          %parallel_loop3A_580 = arith.index_cast %parallel_loop3A_579 : i32 to index
          %parallel_loop3A_581 = arith.index_cast %parallel_loop3A_389 : i32 to index
          %parallel_loop3A_582 = tpu.vector_load %arg7[%parallel_loop3A_580, %parallel_loop3A_581] {strides = array<i32>} : memref<25x512xf32, #tpu.memory_space<vmem>>, vector<1x16xf32>,
          %parallel_loop3A_583 = vector.shape_cast %parallel_loop3A_582 : vector<1x16xf32> to vector<16xf32>
          %parallel_loop3A_584 = vector.shape_cast %parallel_loop3A_578 : vector<16xf32> to vector<1x16xf32>
          tpu.vector_store %arg7[%parallel_loop3A_580, %parallel_loop3A_581], %parallel_loop3A_584 {strides = array<i32>} : memref<25x512xf32, #tpu.memory_space<vmem>>, vector<1x16xf32>,
          %parallel_loop3A_585 = arith.subf %parallel_loop3A_444, %parallel_loop3A_439 : vector<16xf32>
          %parallel_loop3A_586 = arith.constant 10 : i32
          %parallel_loop3A_587 = arith.index_cast %parallel_loop3A_586 : i32 to index
          %parallel_loop3A_588 = arith.index_cast %parallel_loop3A_389 : i32 to index
          %parallel_loop3A_589 = tpu.vector_load %arg7[%parallel_loop3A_587, %parallel_loop3A_588] {strides = array<i32>} : memref<25x512xf32, #tpu.memory_space<vmem>>, vector<1x16xf32>,
          %parallel_loop3A_590 = vector.shape_cast %parallel_loop3A_589 : vector<1x16xf32> to vector<16xf32>
          %parallel_loop3A_591 = vector.shape_cast %parallel_loop3A_585 : vector<16xf32> to vector<1x16xf32>
          tpu.vector_store %arg7[%parallel_loop3A_587, %parallel_loop3A_588], %parallel_loop3A_591 {strides = array<i32>} : memref<25x512xf32, #tpu.memory_space<vmem>>, vector<1x16xf32>,
          %parallel_loop3A_592 = arith.subf %parallel_loop3A_449, %parallel_loop3A_444 : vector<16xf32>
          %parallel_loop3A_593 = arith.constant 11 : i32
          %parallel_loop3A_594 = arith.index_cast %parallel_loop3A_593 : i32 to index
          %parallel_loop3A_595 = arith.index_cast %parallel_loop3A_389 : i32 to index
          %parallel_loop3A_596 = tpu.vector_load %arg7[%parallel_loop3A_594, %parallel_loop3A_595] {strides = array<i32>} : memref<25x512xf32, #tpu.memory_space<vmem>>, vector<1x16xf32>,
          %parallel_loop3A_597 = vector.shape_cast %parallel_loop3A_596 : vector<1x16xf32> to vector<16xf32>
          %parallel_loop3A_598 = vector.shape_cast %parallel_loop3A_592 : vector<16xf32> to vector<1x16xf32>
          tpu.vector_store %arg7[%parallel_loop3A_594, %parallel_loop3A_595], %parallel_loop3A_598 {strides = array<i32>} : memref<25x512xf32, #tpu.memory_space<vmem>>, vector<1x16xf32>,
          %parallel_loop3A_599 = arith.subf %parallel_loop3A_454, %parallel_loop3A_394 : vector<16xf32>
          %parallel_loop3A_600 = arith.constant 12 : i32
          %parallel_loop3A_601 = arith.index_cast %parallel_loop3A_600 : i32 to index
          %parallel_loop3A_602 = arith.index_cast %parallel_loop3A_389 : i32 to index
          %parallel_loop3A_603 = tpu.vector_load %arg7[%parallel_loop3A_601, %parallel_loop3A_602] {strides = array<i32>} : memref<25x512xf32, #tpu.memory_space<vmem>>, vector<1x16xf32>,
          %parallel_loop3A_604 = vector.shape_cast %parallel_loop3A_603 : vector<1x16xf32> to vector<16xf32>
          %parallel_loop3A_605 = vector.shape_cast %parallel_loop3A_599 : vector<16xf32> to vector<1x16xf32>
          tpu.vector_store %arg7[%parallel_loop3A_601, %parallel_loop3A_602], %parallel_loop3A_605 {strides = array<i32>} : memref<25x512xf32, #tpu.memory_space<vmem>>, vector<1x16xf32>,
          %parallel_loop3A_606 = arith.subf %parallel_loop3A_459, %parallel_loop3A_454 : vector<16xf32>
          %parallel_loop3A_607 = arith.constant 13 : i32
          %parallel_loop3A_608 = arith.index_cast %parallel_loop3A_607 : i32 to index
          %parallel_loop3A_609 = arith.index_cast %parallel_loop3A_389 : i32 to index
          %parallel_loop3A_610 = tpu.vector_load %arg7[%parallel_loop3A_608, %parallel_loop3A_609] {strides = array<i32>} : memref<25x512xf32, #tpu.memory_space<vmem>>, vector<1x16xf32>,
          %parallel_loop3A_611 = vector.shape_cast %parallel_loop3A_610 : vector<1x16xf32> to vector<16xf32>
          %parallel_loop3A_612 = vector.shape_cast %parallel_loop3A_606 : vector<16xf32> to vector<1x16xf32>
          tpu.vector_store %arg7[%parallel_loop3A_608, %parallel_loop3A_609], %parallel_loop3A_612 {strides = array<i32>} : memref<25x512xf32, #tpu.memory_space<vmem>>, vector<1x16xf32>,
          %parallel_loop3A_613 = arith.subf %parallel_loop3A_464, %parallel_loop3A_459 : vector<16xf32>
          %parallel_loop3A_614 = arith.constant 14 : i32
          %parallel_loop3A_615 = arith.index_cast %parallel_loop3A_614 : i32 to index
          %parallel_loop3A_616 = arith.index_cast %parallel_loop3A_389 : i32 to index
          %parallel_loop3A_617 = tpu.vector_load %arg7[%parallel_loop3A_615, %parallel_loop3A_616] {strides = array<i32>} : memref<25x512xf32, #tpu.memory_space<vmem>>, vector<1x16xf32>,
          %parallel_loop3A_618 = vector.shape_cast %parallel_loop3A_617 : vector<1x16xf32> to vector<16xf32>
          %parallel_loop3A_619 = vector.shape_cast %parallel_loop3A_613 : vector<16xf32> to vector<1x16xf32>
          tpu.vector_store %arg7[%parallel_loop3A_615, %parallel_loop3A_616], %parallel_loop3A_619 {strides = array<i32>} : memref<25x512xf32, #tpu.memory_space<vmem>>, vector<1x16xf32>,
          %parallel_loop3A_620 = arith.subf %parallel_loop3A_469, %parallel_loop3A_464 : vector<16xf32>
          %parallel_loop3A_621 = arith.constant 15 : i32
          %parallel_loop3A_622 = arith.index_cast %parallel_loop3A_621 : i32 to index
          %parallel_loop3A_623 = arith.index_cast %parallel_loop3A_389 : i32 to index
          %parallel_loop3A_624 = tpu.vector_load %arg7[%parallel_loop3A_622, %parallel_loop3A_623] {strides = array<i32>} : memref<25x512xf32, #tpu.memory_space<vmem>>, vector<1x16xf32>,
          %parallel_loop3A_625 = vector.shape_cast %parallel_loop3A_624 : vector<1x16xf32> to vector<16xf32>
          %parallel_loop3A_626 = vector.shape_cast %parallel_loop3A_620 : vector<16xf32> to vector<1x16xf32>
          tpu.vector_store %arg7[%parallel_loop3A_622, %parallel_loop3A_623], %parallel_loop3A_626 {strides = array<i32>} : memref<25x512xf32, #tpu.memory_space<vmem>>, vector<1x16xf32>,
          %parallel_loop3A_627 = arith.subf %parallel_loop3A_474, %parallel_loop3A_394 : vector<16xf32>
          %parallel_loop3A_628 = arith.constant 16 : i32
          %parallel_loop3A_629 = arith.index_cast %parallel_loop3A_628 : i32 to index
          %parallel_loop3A_630 = arith.index_cast %parallel_loop3A_389 : i32 to index
          %parallel_loop3A_631 = tpu.vector_load %arg7[%parallel_loop3A_629, %parallel_loop3A_630] {strides = array<i32>} : memref<25x512xf32, #tpu.memory_space<vmem>>, vector<1x16xf32>,
          %parallel_loop3A_632 = vector.shape_cast %parallel_loop3A_631 : vector<1x16xf32> to vector<16xf32>
          %parallel_loop3A_633 = vector.shape_cast %parallel_loop3A_627 : vector<16xf32> to vector<1x16xf32>
          tpu.vector_store %arg7[%parallel_loop3A_629, %parallel_loop3A_630], %parallel_loop3A_633 {strides = array<i32>} : memref<25x512xf32, #tpu.memory_space<vmem>>, vector<1x16xf32>,
          %parallel_loop3A_634 = arith.subf %parallel_loop3A_479, %parallel_loop3A_474 : vector<16xf32>
          %parallel_loop3A_635 = arith.constant 17 : i32
          %parallel_loop3A_636 = arith.index_cast %parallel_loop3A_635 : i32 to index
          %parallel_loop3A_637 = arith.index_cast %parallel_loop3A_389 : i32 to index
          %parallel_loop3A_638 = tpu.vector_load %arg7[%parallel_loop3A_636, %parallel_loop3A_637] {strides = array<i32>} : memref<25x512xf32, #tpu.memory_space<vmem>>, vector<1x16xf32>,
          %parallel_loop3A_639 = vector.shape_cast %parallel_loop3A_638 : vector<1x16xf32> to vector<16xf32>
          %parallel_loop3A_640 = vector.shape_cast %parallel_loop3A_634 : vector<16xf32> to vector<1x16xf32>
          tpu.vector_store %arg7[%parallel_loop3A_636, %parallel_loop3A_637], %parallel_loop3A_640 {strides = array<i32>} : memref<25x512xf32, #tpu.memory_space<vmem>>, vector<1x16xf32>,
          %parallel_loop3A_641 = arith.subf %parallel_loop3A_484, %parallel_loop3A_479 : vector<16xf32>
          %parallel_loop3A_642 = arith.constant 18 : i32
          %parallel_loop3A_643 = arith.index_cast %parallel_loop3A_642 : i32 to index
          %parallel_loop3A_644 = arith.index_cast %parallel_loop3A_389 : i32 to index
          %parallel_loop3A_645 = tpu.vector_load %arg7[%parallel_loop3A_643, %parallel_loop3A_644] {strides = array<i32>} : memref<25x512xf32, #tpu.memory_space<vmem>>, vector<1x16xf32>,
          %parallel_loop3A_646 = vector.shape_cast %parallel_loop3A_645 : vector<1x16xf32> to vector<16xf32>
          %parallel_loop3A_647 = vector.shape_cast %parallel_loop3A_641 : vector<16xf32> to vector<1x16xf32>
          tpu.vector_store %arg7[%parallel_loop3A_643, %parallel_loop3A_644], %parallel_loop3A_647 {strides = array<i32>} : memref<25x512xf32, #tpu.memory_space<vmem>>, vector<1x16xf32>,
          %parallel_loop3A_648 = arith.subf %parallel_loop3A_489, %parallel_loop3A_484 : vector<16xf32>
          %parallel_loop3A_649 = arith.constant 19 : i32
          %parallel_loop3A_650 = arith.index_cast %parallel_loop3A_649 : i32 to index
          %parallel_loop3A_651 = arith.index_cast %parallel_loop3A_389 : i32 to index
          %parallel_loop3A_652 = tpu.vector_load %arg7[%parallel_loop3A_650, %parallel_loop3A_651] {strides = array<i32>} : memref<25x512xf32, #tpu.memory_space<vmem>>, vector<1x16xf32>,
          %parallel_loop3A_653 = vector.shape_cast %parallel_loop3A_652 : vector<1x16xf32> to vector<16xf32>
          %parallel_loop3A_654 = vector.shape_cast %parallel_loop3A_648 : vector<16xf32> to vector<1x16xf32>
          tpu.vector_store %arg7[%parallel_loop3A_650, %parallel_loop3A_651], %parallel_loop3A_654 {strides = array<i32>} : memref<25x512xf32, #tpu.memory_space<vmem>>, vector<1x16xf32>,
          %parallel_loop3A_655 = arith.subf %parallel_loop3A_494, %parallel_loop3A_494 : vector<16xf32>
          %parallel_loop3A_656 = arith.constant 20 : i32
          %parallel_loop3A_657 = arith.index_cast %parallel_loop3A_656 : i32 to index
          %parallel_loop3A_658 = arith.index_cast %parallel_loop3A_389 : i32 to index
          %parallel_loop3A_659 = tpu.vector_load %arg7[%parallel_loop3A_657, %parallel_loop3A_658] {strides = array<i32>} : memref<25x512xf32, #tpu.memory_space<vmem>>, vector<1x16xf32>,
          %parallel_loop3A_660 = vector.shape_cast %parallel_loop3A_659 : vector<1x16xf32> to vector<16xf32>
          %parallel_loop3A_661 = vector.shape_cast %parallel_loop3A_655 : vector<16xf32> to vector<1x16xf32>
          tpu.vector_store %arg7[%parallel_loop3A_657, %parallel_loop3A_658], %parallel_loop3A_661 {strides = array<i32>} : memref<25x512xf32, #tpu.memory_space<vmem>>, vector<1x16xf32>,
          %parallel_loop3A_662 = arith.subf %parallel_loop3A_499, %parallel_loop3A_504 : vector<16xf32>
          %parallel_loop3A_663 = arith.constant 21 : i32
          %parallel_loop3A_664 = arith.index_cast %parallel_loop3A_663 : i32 to index
          %parallel_loop3A_665 = arith.index_cast %parallel_loop3A_389 : i32 to index
          %parallel_loop3A_666 = tpu.vector_load %arg7[%parallel_loop3A_664, %parallel_loop3A_665] {strides = array<i32>} : memref<25x512xf32, #tpu.memory_space<vmem>>, vector<1x16xf32>,
          %parallel_loop3A_667 = vector.shape_cast %parallel_loop3A_666 : vector<1x16xf32> to vector<16xf32>
          %parallel_loop3A_668 = vector.shape_cast %parallel_loop3A_662 : vector<16xf32> to vector<1x16xf32>
          tpu.vector_store %arg7[%parallel_loop3A_664, %parallel_loop3A_665], %parallel_loop3A_668 {strides = array<i32>} : memref<25x512xf32, #tpu.memory_space<vmem>>, vector<1x16xf32>,
          %parallel_loop3A_669 = arith.subf %parallel_loop3A_504, %parallel_loop3A_429 : vector<16xf32>
          %parallel_loop3A_670 = arith.constant 22 : i32
          %parallel_loop3A_671 = arith.index_cast %parallel_loop3A_670 : i32 to index
          %parallel_loop3A_672 = arith.index_cast %parallel_loop3A_389 : i32 to index
          %parallel_loop3A_673 = tpu.vector_load %arg7[%parallel_loop3A_671, %parallel_loop3A_672] {strides = array<i32>} : memref<25x512xf32, #tpu.memory_space<vmem>>, vector<1x16xf32>,
          %parallel_loop3A_674 = vector.shape_cast %parallel_loop3A_673 : vector<1x16xf32> to vector<16xf32>
          %parallel_loop3A_675 = vector.shape_cast %parallel_loop3A_669 : vector<16xf32> to vector<1x16xf32>
          tpu.vector_store %arg7[%parallel_loop3A_671, %parallel_loop3A_672], %parallel_loop3A_675 {strides = array<i32>} : memref<25x512xf32, #tpu.memory_space<vmem>>, vector<1x16xf32>,
          %parallel_loop3A_676 = arith.subf %parallel_loop3A_509, %parallel_loop3A_514 : vector<16xf32>
          %parallel_loop3A_677 = arith.constant 23 : i32
          %parallel_loop3A_678 = arith.index_cast %parallel_loop3A_677 : i32 to index
          %parallel_loop3A_679 = arith.index_cast %parallel_loop3A_389 : i32 to index
          %parallel_loop3A_680 = tpu.vector_load %arg7[%parallel_loop3A_678, %parallel_loop3A_679] {strides = array<i32>} : memref<25x512xf32, #tpu.memory_space<vmem>>, vector<1x16xf32>,
          %parallel_loop3A_681 = vector.shape_cast %parallel_loop3A_680 : vector<1x16xf32> to vector<16xf32>
          %parallel_loop3A_682 = vector.shape_cast %parallel_loop3A_676 : vector<16xf32> to vector<1x16xf32>
          tpu.vector_store %arg7[%parallel_loop3A_678, %parallel_loop3A_679], %parallel_loop3A_682 {strides = array<i32>} : memref<25x512xf32, #tpu.memory_space<vmem>>, vector<1x16xf32>,
          %parallel_loop3A_683 = arith.subf %parallel_loop3A_514, %parallel_loop3A_449 : vector<16xf32>
          %parallel_loop3A_684 = arith.constant 24 : i32
          %parallel_loop3A_685 = arith.index_cast %parallel_loop3A_684 : i32 to index
          %parallel_loop3A_686 = arith.index_cast %parallel_loop3A_389 : i32 to index
          %parallel_loop3A_687 = tpu.vector_load %arg7[%parallel_loop3A_685, %parallel_loop3A_686] {strides = array<i32>} : memref<25x512xf32, #tpu.memory_space<vmem>>, vector<1x16xf32>,
          %parallel_loop3A_688 = vector.shape_cast %parallel_loop3A_687 : vector<1x16xf32> to vector<16xf32>
          %parallel_loop3A_689 = vector.shape_cast %parallel_loop3A_683 : vector<16xf32> to vector<1x16xf32>
          tpu.vector_store %arg7[%parallel_loop3A_685, %parallel_loop3A_686], %parallel_loop3A_689 {strides = array<i32>} : memref<25x512xf32, #tpu.memory_space<vmem>>, vector<1x16xf32>,
        } {sc.loop_unroll_factor = 1 : i64, sc.parallel_access}
        %add3A_337 = arith.addi %add3A_4, %add3A_265 : i32
        %jit3A_338 = arith.constant 300 : i32
        %div3A_339 = arith.divsi %add3A_337, %jit3A_338 : i32
        %sign3A_340 = arith.constant 0 : i32
        %sign3A_341 = arith.cmpi sgt, %add3A_337, %sign3A_340 : i32
        %sign3A_342 = arith.extui %sign3A_341 : i1 to i32
        %sign3A_343 = arith.constant 0 : i32
        %sign3A_344 = arith.cmpi slt, %add3A_337, %sign3A_343 : i32
        %sign3A_345 = arith.extui %sign3A_344 : i1 to i32
        %sign3A_346 = arith.subi %sign3A_342, %sign3A_345 : i32
        %sign3A_347 = arith.constant 0 : i32
        %sign3A_348 = arith.cmpi sgt, %jit3A_338, %sign3A_347 : i32
        %sign3A_349 = arith.extui %sign3A_348 : i1 to i32
        %sign3A_350 = arith.constant 0 : i32
        %sign3A_351 = arith.cmpi slt, %jit3A_338, %sign3A_350 : i32
        %sign3A_352 = arith.extui %sign3A_351 : i1 to i32
        %sign3A_353 = arith.subi %sign3A_349, %sign3A_352 : i32
        %ne3A_354 = arith.cmpi ne, %sign3A_346, %sign3A_353 : i32
        %rem3A_355 = arith.remsi %add3A_337, %jit3A_338 : i32
        %ne3A_356 = arith.constant 0 : i32
        %ne3A_357 = arith.cmpi ne, %rem3A_355, %ne3A_356 : i32
        %and3A_358 = arith.andi %ne3A_354, %ne3A_357 : i1
        %sub3A_359 = arith.constant 1 : i32
        %sub3A_360 = arith.subi %div3A_339, %sub3A_359 : i32
        %select_n3A_361 = arith.select %and3A_358, %sub3A_360, %div3A_339 : i32
        %jit3A_362 = arith.constant 300 : i32
        %eq3A_363 = arith.constant 0 : i32
        %eq3A_364 = arith.cmpi eq, %jit3A_362, %eq3A_363 : i32
        %jit3A_365 = arith.constant 1 : i32
        %select_n3A_366 = arith.select %eq3A_364, %jit3A_365, %jit3A_362 : i32
        %rem3A_367 = arith.remsi %add3A_337, %select_n3A_366 : i32
        %ne3A_368 = arith.constant 0 : i32
        %ne3A_369 = arith.cmpi ne, %rem3A_367, %ne3A_368 : i32
        %lt3A_370 = arith.constant 0 : i32
        %lt3A_371 = arith.cmpi slt, %rem3A_367, %lt3A_370 : i32
        %lt3A_372 = arith.constant 0 : i32
        %lt3A_373 = arith.cmpi slt, %select_n3A_366, %lt3A_372 : i32
        %ne3A_374 = arith.xori %lt3A_371, %lt3A_373 : i1
        %and3A_375 = arith.andi %ne3A_374, %ne3A_369 : i1
        %add3A_376 = arith.addi %rem3A_367, %select_n3A_366 : i32
        %select_n3A_377 = arith.select %and3A_375, %add3A_376, %rem3A_367 : i32
        %dma_start3A_378 = arith.constant 0 : i32
        %dma_start3A_379 = arith.constant 0 : i32
        %dma_start3A_380 = tpu.memref_slice %arg3[%select_n3A_361, %dma_start3A_378, %select_n3A_377, %dma_start3A_379] : memref<3x25x300x512xf32, #tpu.memory_space<hbm>> -> memref<1x25x1x512xf32, #tpu.memory_space<hbm>>
        %dma_start3A_381 = tpu.memref_squeeze %dma_start3A_380 : memref<1x25x1x512xf32, #tpu.memory_space<hbm>> -> memref<25x512xf32, #tpu.memory_space<hbm>>
        %dma_start3A_382 = arith.constant 0 : i32
        %dma_start3A_383 = arith.constant 0 : i32
        %dma_start3A_384 = tpu.memref_slice %arg3[%select_n3A_361, %dma_start3A_382, %select_n3A_377, %dma_start3A_383] : memref<3x25x300x512xf32, #tpu.memory_space<hbm>> -> memref<1x25x1x512xf32, #tpu.memory_space<hbm>>
        %dma_start3A_385 = tpu.memref_squeeze %dma_start3A_384 : memref<1x25x1x512xf32, #tpu.memory_space<hbm>> -> memref<25x512xf32, #tpu.memory_space<hbm>>
        tpu.enqueue_dma source(%arg7 : memref<25x512xf32, #tpu.memory_space<vmem>>) target(%dma_start3A_385 : memref<25x512xf32, #tpu.memory_space<hbm>>) target_semaphore(%arg13 : memref<!tpu.dma_semaphore, #tpu.memory_space<semaphore_mem>>)
      } else {
      }
      %mul3A_285 = arith.constant 3 : i32
      %mul3A_286 = arith.muli %scan3A_261, %mul3A_285 : i32
      %add3A_287 = arith.constant 1 : i32
      %add3A_288 = arith.addi %mul3A_286, %add3A_287 : i32
      %add3A_289 = arith.constant 2 : i32
      %add3A_290 = arith.addi %add3A_288, %add3A_289 : i32
      %lt3A_291 = arith.cmpi slt, %add3A_290, %add3A_7 : i32
      %convert_element_type3A_292 = arith.extui %lt3A_291 : i1 to i32
      %cond3A_293 = arith.constant 0 : i32
      %cond3A_294 = arith.cmpi ne, %convert_element_type3A_292, %cond3A_293 : i32
      scf.if %cond3A_294 {
        %add3A_335 = arith.constant 2 : i32
        %add3A_336 = arith.addi %add3A_288, %add3A_335 : i32
        %add3A_337 = arith.addi %add3A_4, %add3A_336 : i32
        %jit3A_338 = arith.constant 300 : i32
        %div3A_339 = arith.divsi %add3A_337, %jit3A_338 : i32
        %sign3A_340 = arith.constant 0 : i32
        %sign3A_341 = arith.cmpi sgt, %add3A_337, %sign3A_340 : i32
        %sign3A_342 = arith.extui %sign3A_341 : i1 to i32
        %sign3A_343 = arith.constant 0 : i32
        %sign3A_344 = arith.cmpi slt, %add3A_337, %sign3A_343 : i32
        %sign3A_345 = arith.extui %sign3A_344 : i1 to i32
        %sign3A_346 = arith.subi %sign3A_342, %sign3A_345 : i32
        %sign3A_347 = arith.constant 0 : i32
        %sign3A_348 = arith.cmpi sgt, %jit3A_338, %sign3A_347 : i32
        %sign3A_349 = arith.extui %sign3A_348 : i1 to i32
        %sign3A_350 = arith.constant 0 : i32
        %sign3A_351 = arith.cmpi slt, %jit3A_338, %sign3A_350 : i32
        %sign3A_352 = arith.extui %sign3A_351 : i1 to i32
        %sign3A_353 = arith.subi %sign3A_349, %sign3A_352 : i32
        %ne3A_354 = arith.cmpi ne, %sign3A_346, %sign3A_353 : i32
        %rem3A_355 = arith.remsi %add3A_337, %jit3A_338 : i32
        %ne3A_356 = arith.constant 0 : i32
        %ne3A_357 = arith.cmpi ne, %rem3A_355, %ne3A_356 : i32
        %and3A_358 = arith.andi %ne3A_354, %ne3A_357 : i1
        %sub3A_359 = arith.constant 1 : i32
        %sub3A_360 = arith.subi %div3A_339, %sub3A_359 : i32
        %select_n3A_361 = arith.select %and3A_358, %sub3A_360, %div3A_339 : i32
        %jit3A_362 = arith.constant 300 : i32
        %eq3A_363 = arith.constant 0 : i32
        %eq3A_364 = arith.cmpi eq, %jit3A_362, %eq3A_363 : i32
        %jit3A_365 = arith.constant 1 : i32
        %select_n3A_366 = arith.select %eq3A_364, %jit3A_365, %jit3A_362 : i32
        %rem3A_367 = arith.remsi %add3A_337, %select_n3A_366 : i32
        %ne3A_368 = arith.constant 0 : i32
        %ne3A_369 = arith.cmpi ne, %rem3A_367, %ne3A_368 : i32
        %lt3A_370 = arith.constant 0 : i32
        %lt3A_371 = arith.cmpi slt, %rem3A_367, %lt3A_370 : i32
        %lt3A_372 = arith.constant 0 : i32
        %lt3A_373 = arith.cmpi slt, %select_n3A_366, %lt3A_372 : i32
        %ne3A_374 = arith.xori %lt3A_371, %lt3A_373 : i1
        %and3A_375 = arith.andi %ne3A_374, %ne3A_369 : i1
        %add3A_376 = arith.addi %rem3A_367, %select_n3A_366 : i32
        %select_n3A_377 = arith.select %and3A_375, %add3A_376, %rem3A_367 : i32
        %dma_start3A_378 = arith.constant 0 : i32
        %dma_start3A_379 = arith.constant 0 : i32
        %dma_start3A_380 = tpu.memref_slice %arg2[%select_n3A_361, %dma_start3A_378, %select_n3A_377, %dma_start3A_379] : memref<3x25x300x512xf32, #tpu.memory_space<hbm>> -> memref<1x25x1x512xf32, #tpu.memory_space<hbm>>
        %dma_start3A_381 = tpu.memref_squeeze %dma_start3A_380 : memref<1x25x1x512xf32, #tpu.memory_space<hbm>> -> memref<25x512xf32, #tpu.memory_space<hbm>>
        %dma_start3A_382 = arith.constant 0 : i32
        %dma_start3A_383 = arith.constant 0 : i32
        %dma_start3A_384 = tpu.memref_slice %arg2[%select_n3A_361, %dma_start3A_382, %select_n3A_377, %dma_start3A_383] : memref<3x25x300x512xf32, #tpu.memory_space<hbm>> -> memref<1x25x1x512xf32, #tpu.memory_space<hbm>>
        %dma_start3A_385 = tpu.memref_squeeze %dma_start3A_384 : memref<1x25x1x512xf32, #tpu.memory_space<hbm>> -> memref<25x512xf32, #tpu.memory_space<hbm>>
        tpu.enqueue_dma source(%dma_start3A_385 : memref<25x512xf32, #tpu.memory_space<hbm>>) target(%arg4 : memref<25x512xf32, #tpu.memory_space<vmem>>) target_semaphore(%arg10 : memref<!tpu.dma_semaphore, #tpu.memory_space<semaphore_mem>>)
      } else {
      }
      %lt3A_295 = arith.cmpi slt, %add3A_288, %add3A_7 : i32
      %convert_element_type3A_296 = arith.extui %lt3A_295 : i1 to i32
      %cond3A_297 = arith.constant 0 : i32
      %cond3A_298 = arith.cmpi ne, %convert_element_type3A_296, %cond3A_297 : i32
      scf.if %cond3A_298 {
        %add3A_335 = arith.addi %add3A_4, %add3A_288 : i32
        %jit3A_336 = arith.constant 300 : i32
        %div3A_337 = arith.divsi %add3A_335, %jit3A_336 : i32
        %sign3A_338 = arith.constant 0 : i32
        %sign3A_339 = arith.cmpi sgt, %add3A_335, %sign3A_338 : i32
        %sign3A_340 = arith.extui %sign3A_339 : i1 to i32
        %sign3A_341 = arith.constant 0 : i32
        %sign3A_342 = arith.cmpi slt, %add3A_335, %sign3A_341 : i32
        %sign3A_343 = arith.extui %sign3A_342 : i1 to i32
        %sign3A_344 = arith.subi %sign3A_340, %sign3A_343 : i32
        %sign3A_345 = arith.constant 0 : i32
        %sign3A_346 = arith.cmpi sgt, %jit3A_336, %sign3A_345 : i32
        %sign3A_347 = arith.extui %sign3A_346 : i1 to i32
        %sign3A_348 = arith.constant 0 : i32
        %sign3A_349 = arith.cmpi slt, %jit3A_336, %sign3A_348 : i32
        %sign3A_350 = arith.extui %sign3A_349 : i1 to i32
        %sign3A_351 = arith.subi %sign3A_347, %sign3A_350 : i32
        %ne3A_352 = arith.cmpi ne, %sign3A_344, %sign3A_351 : i32
        %rem3A_353 = arith.remsi %add3A_335, %jit3A_336 : i32
        %ne3A_354 = arith.constant 0 : i32
        %ne3A_355 = arith.cmpi ne, %rem3A_353, %ne3A_354 : i32
        %and3A_356 = arith.andi %ne3A_352, %ne3A_355 : i1
        %sub3A_357 = arith.constant 1 : i32
        %sub3A_358 = arith.subi %div3A_337, %sub3A_357 : i32
        %select_n3A_359 = arith.select %and3A_356, %sub3A_358, %div3A_337 : i32
        %jit3A_360 = arith.constant 300 : i32
        %eq3A_361 = arith.constant 0 : i32
        %eq3A_362 = arith.cmpi eq, %jit3A_360, %eq3A_361 : i32
        %jit3A_363 = arith.constant 1 : i32
        %select_n3A_364 = arith.select %eq3A_362, %jit3A_363, %jit3A_360 : i32
        %rem3A_365 = arith.remsi %add3A_335, %select_n3A_364 : i32
        %ne3A_366 = arith.constant 0 : i32
        %ne3A_367 = arith.cmpi ne, %rem3A_365, %ne3A_366 : i32
        %lt3A_368 = arith.constant 0 : i32
        %lt3A_369 = arith.cmpi slt, %rem3A_365, %lt3A_368 : i32
        %lt3A_370 = arith.constant 0 : i32
        %lt3A_371 = arith.cmpi slt, %select_n3A_364, %lt3A_370 : i32
        %ne3A_372 = arith.xori %lt3A_369, %lt3A_371 : i1
        %and3A_373 = arith.andi %ne3A_372, %ne3A_367 : i1
        %add3A_374 = arith.addi %rem3A_365, %select_n3A_364 : i32
        %select_n3A_375 = arith.select %and3A_373, %add3A_374, %rem3A_365 : i32
        %dma_wait3A_376 = arith.constant 0 : i32
        %dma_wait3A_377 = arith.constant 0 : i32
        %dma_wait3A_378 = tpu.memref_slice %arg2[%select_n3A_359, %dma_wait3A_376, %select_n3A_375, %dma_wait3A_377] : memref<3x25x300x512xf32, #tpu.memory_space<hbm>> -> memref<1x25x1x512xf32, #tpu.memory_space<hbm>>
        %dma_wait3A_379 = tpu.memref_squeeze %dma_wait3A_378 : memref<1x25x1x512xf32, #tpu.memory_space<hbm>> -> memref<25x512xf32, #tpu.memory_space<hbm>>
        %dma_wait3A_380 = arith.constant 0 : i32
        %dma_wait3A_381 = arith.constant 0 : i32
        %dma_wait3A_382 = tpu.memref_slice %arg2[%select_n3A_359, %dma_wait3A_380, %select_n3A_375, %dma_wait3A_381] : memref<3x25x300x512xf32, #tpu.memory_space<hbm>> -> memref<1x25x1x512xf32, #tpu.memory_space<hbm>>
        %dma_wait3A_383 = tpu.memref_squeeze %dma_wait3A_382 : memref<1x25x1x512xf32, #tpu.memory_space<hbm>> -> memref<25x512xf32, #tpu.memory_space<hbm>>
        tpu.wait_dma2 semaphore(%arg11 : memref<!tpu.dma_semaphore, #tpu.memory_space<semaphore_mem>>) src(%dma_wait3A_383 : memref<25x512xf32, #tpu.memory_space<hbm>>) dst(%arg5 : memref<25x512xf32, #tpu.memory_space<vmem>>)
      } else {
      }
      %ge3A_299 = arith.constant 3 : i32
      %ge3A_300 = arith.cmpi sge, %add3A_288, %ge3A_299 : i32
      %lt3A_301 = arith.cmpi slt, %add3A_288, %add3A_7 : i32
      %and3A_302 = arith.andi %ge3A_300, %lt3A_301 : i1
      %convert_element_type3A_303 = arith.extui %and3A_302 : i1 to i32
      %cond3A_304 = arith.constant 0 : i32
      %cond3A_305 = arith.cmpi ne, %convert_element_type3A_303, %cond3A_304 : i32
      scf.if %cond3A_305 {
        %sub3A_335 = arith.constant 3 : i32
        %sub3A_336 = arith.subi %add3A_288, %sub3A_335 : i32
        %add3A_337 = arith.addi %add3A_4, %sub3A_336 : i32
        %jit3A_338 = arith.constant 300 : i32
        %div3A_339 = arith.divsi %add3A_337, %jit3A_338 : i32
        %sign3A_340 = arith.constant 0 : i32
        %sign3A_341 = arith.cmpi sgt, %add3A_337, %sign3A_340 : i32
        %sign3A_342 = arith.extui %sign3A_341 : i1 to i32
        %sign3A_343 = arith.constant 0 : i32
        %sign3A_344 = arith.cmpi slt, %add3A_337, %sign3A_343 : i32
        %sign3A_345 = arith.extui %sign3A_344 : i1 to i32
        %sign3A_346 = arith.subi %sign3A_342, %sign3A_345 : i32
        %sign3A_347 = arith.constant 0 : i32
        %sign3A_348 = arith.cmpi sgt, %jit3A_338, %sign3A_347 : i32
        %sign3A_349 = arith.extui %sign3A_348 : i1 to i32
        %sign3A_350 = arith.constant 0 : i32
        %sign3A_351 = arith.cmpi slt, %jit3A_338, %sign3A_350 : i32
        %sign3A_352 = arith.extui %sign3A_351 : i1 to i32
        %sign3A_353 = arith.subi %sign3A_349, %sign3A_352 : i32
        %ne3A_354 = arith.cmpi ne, %sign3A_346, %sign3A_353 : i32
        %rem3A_355 = arith.remsi %add3A_337, %jit3A_338 : i32
        %ne3A_356 = arith.constant 0 : i32
        %ne3A_357 = arith.cmpi ne, %rem3A_355, %ne3A_356 : i32
        %and3A_358 = arith.andi %ne3A_354, %ne3A_357 : i1
        %sub3A_359 = arith.constant 1 : i32
        %sub3A_360 = arith.subi %div3A_339, %sub3A_359 : i32
        %select_n3A_361 = arith.select %and3A_358, %sub3A_360, %div3A_339 : i32
        %jit3A_362 = arith.constant 300 : i32
        %eq3A_363 = arith.constant 0 : i32
        %eq3A_364 = arith.cmpi eq, %jit3A_362, %eq3A_363 : i32
        %jit3A_365 = arith.constant 1 : i32
        %select_n3A_366 = arith.select %eq3A_364, %jit3A_365, %jit3A_362 : i32
        %rem3A_367 = arith.remsi %add3A_337, %select_n3A_366 : i32
        %ne3A_368 = arith.constant 0 : i32
        %ne3A_369 = arith.cmpi ne, %rem3A_367, %ne3A_368 : i32
        %lt3A_370 = arith.constant 0 : i32
        %lt3A_371 = arith.cmpi slt, %rem3A_367, %lt3A_370 : i32
        %lt3A_372 = arith.constant 0 : i32
        %lt3A_373 = arith.cmpi slt, %select_n3A_366, %lt3A_372 : i32
        %ne3A_374 = arith.xori %lt3A_371, %lt3A_373 : i1
        %and3A_375 = arith.andi %ne3A_374, %ne3A_369 : i1
        %add3A_376 = arith.addi %rem3A_367, %select_n3A_366 : i32
        %select_n3A_377 = arith.select %and3A_375, %add3A_376, %rem3A_367 : i32
        %dma_wait3A_378 = arith.constant 0 : i32
        %dma_wait3A_379 = arith.constant 0 : i32
        %dma_wait3A_380 = tpu.memref_slice %arg3[%select_n3A_361, %dma_wait3A_378, %select_n3A_377, %dma_wait3A_379] : memref<3x25x300x512xf32, #tpu.memory_space<hbm>> -> memref<1x25x1x512xf32, #tpu.memory_space<hbm>>
        %dma_wait3A_381 = tpu.memref_squeeze %dma_wait3A_380 : memref<1x25x1x512xf32, #tpu.memory_space<hbm>> -> memref<25x512xf32, #tpu.memory_space<hbm>>
        %dma_wait3A_382 = arith.constant 0 : i32
        %dma_wait3A_383 = arith.constant 0 : i32
        %dma_wait3A_384 = tpu.memref_slice %arg3[%select_n3A_361, %dma_wait3A_382, %select_n3A_377, %dma_wait3A_383] : memref<3x25x300x512xf32, #tpu.memory_space<hbm>> -> memref<1x25x1x512xf32, #tpu.memory_space<hbm>>
        %dma_wait3A_385 = tpu.memref_squeeze %dma_wait3A_384 : memref<1x25x1x512xf32, #tpu.memory_space<hbm>> -> memref<25x512xf32, #tpu.memory_space<hbm>>
        tpu.wait_dma2 semaphore(%arg14 : memref<!tpu.dma_semaphore, #tpu.memory_space<semaphore_mem>>) src(%arg8 : memref<25x512xf32, #tpu.memory_space<vmem>>) dst(%dma_wait3A_385 : memref<25x512xf32, #tpu.memory_space<hbm>>)
      } else {
      }
      %lt3A_306 = arith.cmpi slt, %add3A_288, %add3A_7 : i32
      %convert_element_type3A_307 = arith.extui %lt3A_306 : i1 to i32
      %cond3A_308 = arith.constant 0 : i32
      %cond3A_309 = arith.cmpi ne, %convert_element_type3A_307, %cond3A_308 : i32
      scf.if %cond3A_309 {
        %parallel_loop3A = arith.constant 0 : i32
        %parallel_loop3A_335 = arith.constant 32 : i32
        %parallel_loop3A_336 = arith.constant 1 : i32
        scf.for %parallel_loop3A_386 = %parallel_loop3A to %parallel_loop3A_335 step %parallel_loop3A_336  : i32 {
          %parallel_loop3A_387 = arith.constant 16 : i32
          %parallel_loop3A_388 = arith.muli %parallel_loop3A_386, %parallel_loop3A_387 : i32
          %parallel_loop3A_389 = tpu.assume_multiple %parallel_loop3A_388, 16 : i32
          %parallel_loop3A_390 = arith.constant 0 : i32
          %parallel_loop3A_391 = arith.index_cast %parallel_loop3A_390 : i32 to index
          %parallel_loop3A_392 = arith.index_cast %parallel_loop3A_389 : i32 to index
          %parallel_loop3A_393 = tpu.vector_load %arg5[%parallel_loop3A_391, %parallel_loop3A_392] {strides = array<i32>} : memref<25x512xf32, #tpu.memory_space<vmem>>, vector<1x16xf32>,
          %parallel_loop3A_394 = vector.shape_cast %parallel_loop3A_393 : vector<1x16xf32> to vector<16xf32>
          %parallel_loop3A_395 = arith.constant 1 : i32
          %parallel_loop3A_396 = arith.index_cast %parallel_loop3A_395 : i32 to index
          %parallel_loop3A_397 = arith.index_cast %parallel_loop3A_389 : i32 to index
          %parallel_loop3A_398 = tpu.vector_load %arg5[%parallel_loop3A_396, %parallel_loop3A_397] {strides = array<i32>} : memref<25x512xf32, #tpu.memory_space<vmem>>, vector<1x16xf32>,
          %parallel_loop3A_399 = vector.shape_cast %parallel_loop3A_398 : vector<1x16xf32> to vector<16xf32>
          %parallel_loop3A_400 = arith.constant 2 : i32
          %parallel_loop3A_401 = arith.index_cast %parallel_loop3A_400 : i32 to index
          %parallel_loop3A_402 = arith.index_cast %parallel_loop3A_389 : i32 to index
          %parallel_loop3A_403 = tpu.vector_load %arg5[%parallel_loop3A_401, %parallel_loop3A_402] {strides = array<i32>} : memref<25x512xf32, #tpu.memory_space<vmem>>, vector<1x16xf32>,
          %parallel_loop3A_404 = vector.shape_cast %parallel_loop3A_403 : vector<1x16xf32> to vector<16xf32>
          %parallel_loop3A_405 = arith.constant 3 : i32
          %parallel_loop3A_406 = arith.index_cast %parallel_loop3A_405 : i32 to index
          %parallel_loop3A_407 = arith.index_cast %parallel_loop3A_389 : i32 to index
          %parallel_loop3A_408 = tpu.vector_load %arg5[%parallel_loop3A_406, %parallel_loop3A_407] {strides = array<i32>} : memref<25x512xf32, #tpu.memory_space<vmem>>, vector<1x16xf32>,
          %parallel_loop3A_409 = vector.shape_cast %parallel_loop3A_408 : vector<1x16xf32> to vector<16xf32>
          %parallel_loop3A_410 = arith.constant 4 : i32
          %parallel_loop3A_411 = arith.index_cast %parallel_loop3A_410 : i32 to index
          %parallel_loop3A_412 = arith.index_cast %parallel_loop3A_389 : i32 to index
          %parallel_loop3A_413 = tpu.vector_load %arg5[%parallel_loop3A_411, %parallel_loop3A_412] {strides = array<i32>} : memref<25x512xf32, #tpu.memory_space<vmem>>, vector<1x16xf32>,
          %parallel_loop3A_414 = vector.shape_cast %parallel_loop3A_413 : vector<1x16xf32> to vector<16xf32>
          %parallel_loop3A_415 = arith.constant 5 : i32
          %parallel_loop3A_416 = arith.index_cast %parallel_loop3A_415 : i32 to index
          %parallel_loop3A_417 = arith.index_cast %parallel_loop3A_389 : i32 to index
          %parallel_loop3A_418 = tpu.vector_load %arg5[%parallel_loop3A_416, %parallel_loop3A_417] {strides = array<i32>} : memref<25x512xf32, #tpu.memory_space<vmem>>, vector<1x16xf32>,
          %parallel_loop3A_419 = vector.shape_cast %parallel_loop3A_418 : vector<1x16xf32> to vector<16xf32>
          %parallel_loop3A_420 = arith.constant 6 : i32
          %parallel_loop3A_421 = arith.index_cast %parallel_loop3A_420 : i32 to index
          %parallel_loop3A_422 = arith.index_cast %parallel_loop3A_389 : i32 to index
          %parallel_loop3A_423 = tpu.vector_load %arg5[%parallel_loop3A_421, %parallel_loop3A_422] {strides = array<i32>} : memref<25x512xf32, #tpu.memory_space<vmem>>, vector<1x16xf32>,
          %parallel_loop3A_424 = vector.shape_cast %parallel_loop3A_423 : vector<1x16xf32> to vector<16xf32>
          %parallel_loop3A_425 = arith.constant 7 : i32
          %parallel_loop3A_426 = arith.index_cast %parallel_loop3A_425 : i32 to index
          %parallel_loop3A_427 = arith.index_cast %parallel_loop3A_389 : i32 to index
          %parallel_loop3A_428 = tpu.vector_load %arg5[%parallel_loop3A_426, %parallel_loop3A_427] {strides = array<i32>} : memref<25x512xf32, #tpu.memory_space<vmem>>, vector<1x16xf32>,
          %parallel_loop3A_429 = vector.shape_cast %parallel_loop3A_428 : vector<1x16xf32> to vector<16xf32>
          %parallel_loop3A_430 = arith.constant 8 : i32
          %parallel_loop3A_431 = arith.index_cast %parallel_loop3A_430 : i32 to index
          %parallel_loop3A_432 = arith.index_cast %parallel_loop3A_389 : i32 to index
          %parallel_loop3A_433 = tpu.vector_load %arg5[%parallel_loop3A_431, %parallel_loop3A_432] {strides = array<i32>} : memref<25x512xf32, #tpu.memory_space<vmem>>, vector<1x16xf32>,
          %parallel_loop3A_434 = vector.shape_cast %parallel_loop3A_433 : vector<1x16xf32> to vector<16xf32>
          %parallel_loop3A_435 = arith.constant 9 : i32
          %parallel_loop3A_436 = arith.index_cast %parallel_loop3A_435 : i32 to index
          %parallel_loop3A_437 = arith.index_cast %parallel_loop3A_389 : i32 to index
          %parallel_loop3A_438 = tpu.vector_load %arg5[%parallel_loop3A_436, %parallel_loop3A_437] {strides = array<i32>} : memref<25x512xf32, #tpu.memory_space<vmem>>, vector<1x16xf32>,
          %parallel_loop3A_439 = vector.shape_cast %parallel_loop3A_438 : vector<1x16xf32> to vector<16xf32>
          %parallel_loop3A_440 = arith.constant 10 : i32
          %parallel_loop3A_441 = arith.index_cast %parallel_loop3A_440 : i32 to index
          %parallel_loop3A_442 = arith.index_cast %parallel_loop3A_389 : i32 to index
          %parallel_loop3A_443 = tpu.vector_load %arg5[%parallel_loop3A_441, %parallel_loop3A_442] {strides = array<i32>} : memref<25x512xf32, #tpu.memory_space<vmem>>, vector<1x16xf32>,
          %parallel_loop3A_444 = vector.shape_cast %parallel_loop3A_443 : vector<1x16xf32> to vector<16xf32>
          %parallel_loop3A_445 = arith.constant 11 : i32
          %parallel_loop3A_446 = arith.index_cast %parallel_loop3A_445 : i32 to index
          %parallel_loop3A_447 = arith.index_cast %parallel_loop3A_389 : i32 to index
          %parallel_loop3A_448 = tpu.vector_load %arg5[%parallel_loop3A_446, %parallel_loop3A_447] {strides = array<i32>} : memref<25x512xf32, #tpu.memory_space<vmem>>, vector<1x16xf32>,
          %parallel_loop3A_449 = vector.shape_cast %parallel_loop3A_448 : vector<1x16xf32> to vector<16xf32>
          %parallel_loop3A_450 = arith.constant 12 : i32
          %parallel_loop3A_451 = arith.index_cast %parallel_loop3A_450 : i32 to index
          %parallel_loop3A_452 = arith.index_cast %parallel_loop3A_389 : i32 to index
          %parallel_loop3A_453 = tpu.vector_load %arg5[%parallel_loop3A_451, %parallel_loop3A_452] {strides = array<i32>} : memref<25x512xf32, #tpu.memory_space<vmem>>, vector<1x16xf32>,
          %parallel_loop3A_454 = vector.shape_cast %parallel_loop3A_453 : vector<1x16xf32> to vector<16xf32>
          %parallel_loop3A_455 = arith.constant 13 : i32
          %parallel_loop3A_456 = arith.index_cast %parallel_loop3A_455 : i32 to index
          %parallel_loop3A_457 = arith.index_cast %parallel_loop3A_389 : i32 to index
          %parallel_loop3A_458 = tpu.vector_load %arg5[%parallel_loop3A_456, %parallel_loop3A_457] {strides = array<i32>} : memref<25x512xf32, #tpu.memory_space<vmem>>, vector<1x16xf32>,
          %parallel_loop3A_459 = vector.shape_cast %parallel_loop3A_458 : vector<1x16xf32> to vector<16xf32>
          %parallel_loop3A_460 = arith.constant 14 : i32
          %parallel_loop3A_461 = arith.index_cast %parallel_loop3A_460 : i32 to index
          %parallel_loop3A_462 = arith.index_cast %parallel_loop3A_389 : i32 to index
          %parallel_loop3A_463 = tpu.vector_load %arg5[%parallel_loop3A_461, %parallel_loop3A_462] {strides = array<i32>} : memref<25x512xf32, #tpu.memory_space<vmem>>, vector<1x16xf32>,
          %parallel_loop3A_464 = vector.shape_cast %parallel_loop3A_463 : vector<1x16xf32> to vector<16xf32>
          %parallel_loop3A_465 = arith.constant 15 : i32
          %parallel_loop3A_466 = arith.index_cast %parallel_loop3A_465 : i32 to index
          %parallel_loop3A_467 = arith.index_cast %parallel_loop3A_389 : i32 to index
          %parallel_loop3A_468 = tpu.vector_load %arg5[%parallel_loop3A_466, %parallel_loop3A_467] {strides = array<i32>} : memref<25x512xf32, #tpu.memory_space<vmem>>, vector<1x16xf32>,
          %parallel_loop3A_469 = vector.shape_cast %parallel_loop3A_468 : vector<1x16xf32> to vector<16xf32>
          %parallel_loop3A_470 = arith.constant 16 : i32
          %parallel_loop3A_471 = arith.index_cast %parallel_loop3A_470 : i32 to index
          %parallel_loop3A_472 = arith.index_cast %parallel_loop3A_389 : i32 to index
          %parallel_loop3A_473 = tpu.vector_load %arg5[%parallel_loop3A_471, %parallel_loop3A_472] {strides = array<i32>} : memref<25x512xf32, #tpu.memory_space<vmem>>, vector<1x16xf32>,
          %parallel_loop3A_474 = vector.shape_cast %parallel_loop3A_473 : vector<1x16xf32> to vector<16xf32>
          %parallel_loop3A_475 = arith.constant 17 : i32
          %parallel_loop3A_476 = arith.index_cast %parallel_loop3A_475 : i32 to index
          %parallel_loop3A_477 = arith.index_cast %parallel_loop3A_389 : i32 to index
          %parallel_loop3A_478 = tpu.vector_load %arg5[%parallel_loop3A_476, %parallel_loop3A_477] {strides = array<i32>} : memref<25x512xf32, #tpu.memory_space<vmem>>, vector<1x16xf32>,
          %parallel_loop3A_479 = vector.shape_cast %parallel_loop3A_478 : vector<1x16xf32> to vector<16xf32>
          %parallel_loop3A_480 = arith.constant 18 : i32
          %parallel_loop3A_481 = arith.index_cast %parallel_loop3A_480 : i32 to index
          %parallel_loop3A_482 = arith.index_cast %parallel_loop3A_389 : i32 to index
          %parallel_loop3A_483 = tpu.vector_load %arg5[%parallel_loop3A_481, %parallel_loop3A_482] {strides = array<i32>} : memref<25x512xf32, #tpu.memory_space<vmem>>, vector<1x16xf32>,
          %parallel_loop3A_484 = vector.shape_cast %parallel_loop3A_483 : vector<1x16xf32> to vector<16xf32>
          %parallel_loop3A_485 = arith.constant 19 : i32
          %parallel_loop3A_486 = arith.index_cast %parallel_loop3A_485 : i32 to index
          %parallel_loop3A_487 = arith.index_cast %parallel_loop3A_389 : i32 to index
          %parallel_loop3A_488 = tpu.vector_load %arg5[%parallel_loop3A_486, %parallel_loop3A_487] {strides = array<i32>} : memref<25x512xf32, #tpu.memory_space<vmem>>, vector<1x16xf32>,
          %parallel_loop3A_489 = vector.shape_cast %parallel_loop3A_488 : vector<1x16xf32> to vector<16xf32>
          %parallel_loop3A_490 = arith.constant 20 : i32
          %parallel_loop3A_491 = arith.index_cast %parallel_loop3A_490 : i32 to index
          %parallel_loop3A_492 = arith.index_cast %parallel_loop3A_389 : i32 to index
          %parallel_loop3A_493 = tpu.vector_load %arg5[%parallel_loop3A_491, %parallel_loop3A_492] {strides = array<i32>} : memref<25x512xf32, #tpu.memory_space<vmem>>, vector<1x16xf32>,
          %parallel_loop3A_494 = vector.shape_cast %parallel_loop3A_493 : vector<1x16xf32> to vector<16xf32>
          %parallel_loop3A_495 = arith.constant 21 : i32
          %parallel_loop3A_496 = arith.index_cast %parallel_loop3A_495 : i32 to index
          %parallel_loop3A_497 = arith.index_cast %parallel_loop3A_389 : i32 to index
          %parallel_loop3A_498 = tpu.vector_load %arg5[%parallel_loop3A_496, %parallel_loop3A_497] {strides = array<i32>} : memref<25x512xf32, #tpu.memory_space<vmem>>, vector<1x16xf32>,
          %parallel_loop3A_499 = vector.shape_cast %parallel_loop3A_498 : vector<1x16xf32> to vector<16xf32>
          %parallel_loop3A_500 = arith.constant 22 : i32
          %parallel_loop3A_501 = arith.index_cast %parallel_loop3A_500 : i32 to index
          %parallel_loop3A_502 = arith.index_cast %parallel_loop3A_389 : i32 to index
          %parallel_loop3A_503 = tpu.vector_load %arg5[%parallel_loop3A_501, %parallel_loop3A_502] {strides = array<i32>} : memref<25x512xf32, #tpu.memory_space<vmem>>, vector<1x16xf32>,
          %parallel_loop3A_504 = vector.shape_cast %parallel_loop3A_503 : vector<1x16xf32> to vector<16xf32>
          %parallel_loop3A_505 = arith.constant 23 : i32
          %parallel_loop3A_506 = arith.index_cast %parallel_loop3A_505 : i32 to index
          %parallel_loop3A_507 = arith.index_cast %parallel_loop3A_389 : i32 to index
          %parallel_loop3A_508 = tpu.vector_load %arg5[%parallel_loop3A_506, %parallel_loop3A_507] {strides = array<i32>} : memref<25x512xf32, #tpu.memory_space<vmem>>, vector<1x16xf32>,
          %parallel_loop3A_509 = vector.shape_cast %parallel_loop3A_508 : vector<1x16xf32> to vector<16xf32>
          %parallel_loop3A_510 = arith.constant 24 : i32
          %parallel_loop3A_511 = arith.index_cast %parallel_loop3A_510 : i32 to index
          %parallel_loop3A_512 = arith.index_cast %parallel_loop3A_389 : i32 to index
          %parallel_loop3A_513 = tpu.vector_load %arg5[%parallel_loop3A_511, %parallel_loop3A_512] {strides = array<i32>} : memref<25x512xf32, #tpu.memory_space<vmem>>, vector<1x16xf32>,
          %parallel_loop3A_514 = vector.shape_cast %parallel_loop3A_513 : vector<1x16xf32> to vector<16xf32>
          %parallel_loop3A_515 = arith.subf %parallel_loop3A_394, %parallel_loop3A_399 : vector<16xf32>
          %parallel_loop3A_516 = arith.constant 0 : i32
          %parallel_loop3A_517 = arith.index_cast %parallel_loop3A_516 : i32 to index
          %parallel_loop3A_518 = arith.index_cast %parallel_loop3A_389 : i32 to index
          %parallel_loop3A_519 = tpu.vector_load %arg8[%parallel_loop3A_517, %parallel_loop3A_518] {strides = array<i32>} : memref<25x512xf32, #tpu.memory_space<vmem>>, vector<1x16xf32>,
          %parallel_loop3A_520 = vector.shape_cast %parallel_loop3A_519 : vector<1x16xf32> to vector<16xf32>
          %parallel_loop3A_521 = vector.shape_cast %parallel_loop3A_515 : vector<16xf32> to vector<1x16xf32>
          tpu.vector_store %arg8[%parallel_loop3A_517, %parallel_loop3A_518], %parallel_loop3A_521 {strides = array<i32>} : memref<25x512xf32, #tpu.memory_space<vmem>>, vector<1x16xf32>,
          %parallel_loop3A_522 = arith.subf %parallel_loop3A_399, %parallel_loop3A_494 : vector<16xf32>
          %parallel_loop3A_523 = arith.constant 1 : i32
          %parallel_loop3A_524 = arith.index_cast %parallel_loop3A_523 : i32 to index
          %parallel_loop3A_525 = arith.index_cast %parallel_loop3A_389 : i32 to index
          %parallel_loop3A_526 = tpu.vector_load %arg8[%parallel_loop3A_524, %parallel_loop3A_525] {strides = array<i32>} : memref<25x512xf32, #tpu.memory_space<vmem>>, vector<1x16xf32>,
          %parallel_loop3A_527 = vector.shape_cast %parallel_loop3A_526 : vector<1x16xf32> to vector<16xf32>
          %parallel_loop3A_528 = vector.shape_cast %parallel_loop3A_522 : vector<16xf32> to vector<1x16xf32>
          tpu.vector_store %arg8[%parallel_loop3A_524, %parallel_loop3A_525], %parallel_loop3A_528 {strides = array<i32>} : memref<25x512xf32, #tpu.memory_space<vmem>>, vector<1x16xf32>,
          %parallel_loop3A_529 = arith.subf %parallel_loop3A_404, %parallel_loop3A_494 : vector<16xf32>
          %parallel_loop3A_530 = arith.constant 2 : i32
          %parallel_loop3A_531 = arith.index_cast %parallel_loop3A_530 : i32 to index
          %parallel_loop3A_532 = arith.index_cast %parallel_loop3A_389 : i32 to index
          %parallel_loop3A_533 = tpu.vector_load %arg8[%parallel_loop3A_531, %parallel_loop3A_532] {strides = array<i32>} : memref<25x512xf32, #tpu.memory_space<vmem>>, vector<1x16xf32>,
          %parallel_loop3A_534 = vector.shape_cast %parallel_loop3A_533 : vector<1x16xf32> to vector<16xf32>
          %parallel_loop3A_535 = vector.shape_cast %parallel_loop3A_529 : vector<16xf32> to vector<1x16xf32>
          tpu.vector_store %arg8[%parallel_loop3A_531, %parallel_loop3A_532], %parallel_loop3A_535 {strides = array<i32>} : memref<25x512xf32, #tpu.memory_space<vmem>>, vector<1x16xf32>,
          %parallel_loop3A_536 = arith.subf %parallel_loop3A_409, %parallel_loop3A_404 : vector<16xf32>
          %parallel_loop3A_537 = arith.constant 3 : i32
          %parallel_loop3A_538 = arith.index_cast %parallel_loop3A_537 : i32 to index
          %parallel_loop3A_539 = arith.index_cast %parallel_loop3A_389 : i32 to index
          %parallel_loop3A_540 = tpu.vector_load %arg8[%parallel_loop3A_538, %parallel_loop3A_539] {strides = array<i32>} : memref<25x512xf32, #tpu.memory_space<vmem>>, vector<1x16xf32>,
          %parallel_loop3A_541 = vector.shape_cast %parallel_loop3A_540 : vector<1x16xf32> to vector<16xf32>
          %parallel_loop3A_542 = vector.shape_cast %parallel_loop3A_536 : vector<16xf32> to vector<1x16xf32>
          tpu.vector_store %arg8[%parallel_loop3A_538, %parallel_loop3A_539], %parallel_loop3A_542 {strides = array<i32>} : memref<25x512xf32, #tpu.memory_space<vmem>>, vector<1x16xf32>,
          %parallel_loop3A_543 = arith.subf %parallel_loop3A_414, %parallel_loop3A_494 : vector<16xf32>
          %parallel_loop3A_544 = arith.constant 4 : i32
          %parallel_loop3A_545 = arith.index_cast %parallel_loop3A_544 : i32 to index
          %parallel_loop3A_546 = arith.index_cast %parallel_loop3A_389 : i32 to index
          %parallel_loop3A_547 = tpu.vector_load %arg8[%parallel_loop3A_545, %parallel_loop3A_546] {strides = array<i32>} : memref<25x512xf32, #tpu.memory_space<vmem>>, vector<1x16xf32>,
          %parallel_loop3A_548 = vector.shape_cast %parallel_loop3A_547 : vector<1x16xf32> to vector<16xf32>
          %parallel_loop3A_549 = vector.shape_cast %parallel_loop3A_543 : vector<16xf32> to vector<1x16xf32>
          tpu.vector_store %arg8[%parallel_loop3A_545, %parallel_loop3A_546], %parallel_loop3A_549 {strides = array<i32>} : memref<25x512xf32, #tpu.memory_space<vmem>>, vector<1x16xf32>,
          %parallel_loop3A_550 = arith.subf %parallel_loop3A_419, %parallel_loop3A_414 : vector<16xf32>
          %parallel_loop3A_551 = arith.constant 5 : i32
          %parallel_loop3A_552 = arith.index_cast %parallel_loop3A_551 : i32 to index
          %parallel_loop3A_553 = arith.index_cast %parallel_loop3A_389 : i32 to index
          %parallel_loop3A_554 = tpu.vector_load %arg8[%parallel_loop3A_552, %parallel_loop3A_553] {strides = array<i32>} : memref<25x512xf32, #tpu.memory_space<vmem>>, vector<1x16xf32>,
          %parallel_loop3A_555 = vector.shape_cast %parallel_loop3A_554 : vector<1x16xf32> to vector<16xf32>
          %parallel_loop3A_556 = vector.shape_cast %parallel_loop3A_550 : vector<16xf32> to vector<1x16xf32>
          tpu.vector_store %arg8[%parallel_loop3A_552, %parallel_loop3A_553], %parallel_loop3A_556 {strides = array<i32>} : memref<25x512xf32, #tpu.memory_space<vmem>>, vector<1x16xf32>,
          %parallel_loop3A_557 = arith.subf %parallel_loop3A_424, %parallel_loop3A_419 : vector<16xf32>
          %parallel_loop3A_558 = arith.constant 6 : i32
          %parallel_loop3A_559 = arith.index_cast %parallel_loop3A_558 : i32 to index
          %parallel_loop3A_560 = arith.index_cast %parallel_loop3A_389 : i32 to index
          %parallel_loop3A_561 = tpu.vector_load %arg8[%parallel_loop3A_559, %parallel_loop3A_560] {strides = array<i32>} : memref<25x512xf32, #tpu.memory_space<vmem>>, vector<1x16xf32>,
          %parallel_loop3A_562 = vector.shape_cast %parallel_loop3A_561 : vector<1x16xf32> to vector<16xf32>
          %parallel_loop3A_563 = vector.shape_cast %parallel_loop3A_557 : vector<16xf32> to vector<1x16xf32>
          tpu.vector_store %arg8[%parallel_loop3A_559, %parallel_loop3A_560], %parallel_loop3A_563 {strides = array<i32>} : memref<25x512xf32, #tpu.memory_space<vmem>>, vector<1x16xf32>,
          %parallel_loop3A_564 = arith.subf %parallel_loop3A_429, %parallel_loop3A_424 : vector<16xf32>
          %parallel_loop3A_565 = arith.constant 7 : i32
          %parallel_loop3A_566 = arith.index_cast %parallel_loop3A_565 : i32 to index
          %parallel_loop3A_567 = arith.index_cast %parallel_loop3A_389 : i32 to index
          %parallel_loop3A_568 = tpu.vector_load %arg8[%parallel_loop3A_566, %parallel_loop3A_567] {strides = array<i32>} : memref<25x512xf32, #tpu.memory_space<vmem>>, vector<1x16xf32>,
          %parallel_loop3A_569 = vector.shape_cast %parallel_loop3A_568 : vector<1x16xf32> to vector<16xf32>
          %parallel_loop3A_570 = vector.shape_cast %parallel_loop3A_564 : vector<16xf32> to vector<1x16xf32>
          tpu.vector_store %arg8[%parallel_loop3A_566, %parallel_loop3A_567], %parallel_loop3A_570 {strides = array<i32>} : memref<25x512xf32, #tpu.memory_space<vmem>>, vector<1x16xf32>,
          %parallel_loop3A_571 = arith.subf %parallel_loop3A_434, %parallel_loop3A_494 : vector<16xf32>
          %parallel_loop3A_572 = arith.constant 8 : i32
          %parallel_loop3A_573 = arith.index_cast %parallel_loop3A_572 : i32 to index
          %parallel_loop3A_574 = arith.index_cast %parallel_loop3A_389 : i32 to index
          %parallel_loop3A_575 = tpu.vector_load %arg8[%parallel_loop3A_573, %parallel_loop3A_574] {strides = array<i32>} : memref<25x512xf32, #tpu.memory_space<vmem>>, vector<1x16xf32>,
          %parallel_loop3A_576 = vector.shape_cast %parallel_loop3A_575 : vector<1x16xf32> to vector<16xf32>
          %parallel_loop3A_577 = vector.shape_cast %parallel_loop3A_571 : vector<16xf32> to vector<1x16xf32>
          tpu.vector_store %arg8[%parallel_loop3A_573, %parallel_loop3A_574], %parallel_loop3A_577 {strides = array<i32>} : memref<25x512xf32, #tpu.memory_space<vmem>>, vector<1x16xf32>,
          %parallel_loop3A_578 = arith.subf %parallel_loop3A_439, %parallel_loop3A_434 : vector<16xf32>
          %parallel_loop3A_579 = arith.constant 9 : i32
          %parallel_loop3A_580 = arith.index_cast %parallel_loop3A_579 : i32 to index
          %parallel_loop3A_581 = arith.index_cast %parallel_loop3A_389 : i32 to index
          %parallel_loop3A_582 = tpu.vector_load %arg8[%parallel_loop3A_580, %parallel_loop3A_581] {strides = array<i32>} : memref<25x512xf32, #tpu.memory_space<vmem>>, vector<1x16xf32>,
          %parallel_loop3A_583 = vector.shape_cast %parallel_loop3A_582 : vector<1x16xf32> to vector<16xf32>
          %parallel_loop3A_584 = vector.shape_cast %parallel_loop3A_578 : vector<16xf32> to vector<1x16xf32>
          tpu.vector_store %arg8[%parallel_loop3A_580, %parallel_loop3A_581], %parallel_loop3A_584 {strides = array<i32>} : memref<25x512xf32, #tpu.memory_space<vmem>>, vector<1x16xf32>,
          %parallel_loop3A_585 = arith.subf %parallel_loop3A_444, %parallel_loop3A_439 : vector<16xf32>
          %parallel_loop3A_586 = arith.constant 10 : i32
          %parallel_loop3A_587 = arith.index_cast %parallel_loop3A_586 : i32 to index
          %parallel_loop3A_588 = arith.index_cast %parallel_loop3A_389 : i32 to index
          %parallel_loop3A_589 = tpu.vector_load %arg8[%parallel_loop3A_587, %parallel_loop3A_588] {strides = array<i32>} : memref<25x512xf32, #tpu.memory_space<vmem>>, vector<1x16xf32>,
          %parallel_loop3A_590 = vector.shape_cast %parallel_loop3A_589 : vector<1x16xf32> to vector<16xf32>
          %parallel_loop3A_591 = vector.shape_cast %parallel_loop3A_585 : vector<16xf32> to vector<1x16xf32>
          tpu.vector_store %arg8[%parallel_loop3A_587, %parallel_loop3A_588], %parallel_loop3A_591 {strides = array<i32>} : memref<25x512xf32, #tpu.memory_space<vmem>>, vector<1x16xf32>,
          %parallel_loop3A_592 = arith.subf %parallel_loop3A_449, %parallel_loop3A_444 : vector<16xf32>
          %parallel_loop3A_593 = arith.constant 11 : i32
          %parallel_loop3A_594 = arith.index_cast %parallel_loop3A_593 : i32 to index
          %parallel_loop3A_595 = arith.index_cast %parallel_loop3A_389 : i32 to index
          %parallel_loop3A_596 = tpu.vector_load %arg8[%parallel_loop3A_594, %parallel_loop3A_595] {strides = array<i32>} : memref<25x512xf32, #tpu.memory_space<vmem>>, vector<1x16xf32>,
          %parallel_loop3A_597 = vector.shape_cast %parallel_loop3A_596 : vector<1x16xf32> to vector<16xf32>
          %parallel_loop3A_598 = vector.shape_cast %parallel_loop3A_592 : vector<16xf32> to vector<1x16xf32>
          tpu.vector_store %arg8[%parallel_loop3A_594, %parallel_loop3A_595], %parallel_loop3A_598 {strides = array<i32>} : memref<25x512xf32, #tpu.memory_space<vmem>>, vector<1x16xf32>,
          %parallel_loop3A_599 = arith.subf %parallel_loop3A_454, %parallel_loop3A_394 : vector<16xf32>
          %parallel_loop3A_600 = arith.constant 12 : i32
          %parallel_loop3A_601 = arith.index_cast %parallel_loop3A_600 : i32 to index
          %parallel_loop3A_602 = arith.index_cast %parallel_loop3A_389 : i32 to index
          %parallel_loop3A_603 = tpu.vector_load %arg8[%parallel_loop3A_601, %parallel_loop3A_602] {strides = array<i32>} : memref<25x512xf32, #tpu.memory_space<vmem>>, vector<1x16xf32>,
          %parallel_loop3A_604 = vector.shape_cast %parallel_loop3A_603 : vector<1x16xf32> to vector<16xf32>
          %parallel_loop3A_605 = vector.shape_cast %parallel_loop3A_599 : vector<16xf32> to vector<1x16xf32>
          tpu.vector_store %arg8[%parallel_loop3A_601, %parallel_loop3A_602], %parallel_loop3A_605 {strides = array<i32>} : memref<25x512xf32, #tpu.memory_space<vmem>>, vector<1x16xf32>,
          %parallel_loop3A_606 = arith.subf %parallel_loop3A_459, %parallel_loop3A_454 : vector<16xf32>
          %parallel_loop3A_607 = arith.constant 13 : i32
          %parallel_loop3A_608 = arith.index_cast %parallel_loop3A_607 : i32 to index
          %parallel_loop3A_609 = arith.index_cast %parallel_loop3A_389 : i32 to index
          %parallel_loop3A_610 = tpu.vector_load %arg8[%parallel_loop3A_608, %parallel_loop3A_609] {strides = array<i32>} : memref<25x512xf32, #tpu.memory_space<vmem>>, vector<1x16xf32>,
          %parallel_loop3A_611 = vector.shape_cast %parallel_loop3A_610 : vector<1x16xf32> to vector<16xf32>
          %parallel_loop3A_612 = vector.shape_cast %parallel_loop3A_606 : vector<16xf32> to vector<1x16xf32>
          tpu.vector_store %arg8[%parallel_loop3A_608, %parallel_loop3A_609], %parallel_loop3A_612 {strides = array<i32>} : memref<25x512xf32, #tpu.memory_space<vmem>>, vector<1x16xf32>,
          %parallel_loop3A_613 = arith.subf %parallel_loop3A_464, %parallel_loop3A_459 : vector<16xf32>
          %parallel_loop3A_614 = arith.constant 14 : i32
          %parallel_loop3A_615 = arith.index_cast %parallel_loop3A_614 : i32 to index
          %parallel_loop3A_616 = arith.index_cast %parallel_loop3A_389 : i32 to index
          %parallel_loop3A_617 = tpu.vector_load %arg8[%parallel_loop3A_615, %parallel_loop3A_616] {strides = array<i32>} : memref<25x512xf32, #tpu.memory_space<vmem>>, vector<1x16xf32>,
          %parallel_loop3A_618 = vector.shape_cast %parallel_loop3A_617 : vector<1x16xf32> to vector<16xf32>
          %parallel_loop3A_619 = vector.shape_cast %parallel_loop3A_613 : vector<16xf32> to vector<1x16xf32>
          tpu.vector_store %arg8[%parallel_loop3A_615, %parallel_loop3A_616], %parallel_loop3A_619 {strides = array<i32>} : memref<25x512xf32, #tpu.memory_space<vmem>>, vector<1x16xf32>,
          %parallel_loop3A_620 = arith.subf %parallel_loop3A_469, %parallel_loop3A_464 : vector<16xf32>
          %parallel_loop3A_621 = arith.constant 15 : i32
          %parallel_loop3A_622 = arith.index_cast %parallel_loop3A_621 : i32 to index
          %parallel_loop3A_623 = arith.index_cast %parallel_loop3A_389 : i32 to index
          %parallel_loop3A_624 = tpu.vector_load %arg8[%parallel_loop3A_622, %parallel_loop3A_623] {strides = array<i32>} : memref<25x512xf32, #tpu.memory_space<vmem>>, vector<1x16xf32>,
          %parallel_loop3A_625 = vector.shape_cast %parallel_loop3A_624 : vector<1x16xf32> to vector<16xf32>
          %parallel_loop3A_626 = vector.shape_cast %parallel_loop3A_620 : vector<16xf32> to vector<1x16xf32>
          tpu.vector_store %arg8[%parallel_loop3A_622, %parallel_loop3A_623], %parallel_loop3A_626 {strides = array<i32>} : memref<25x512xf32, #tpu.memory_space<vmem>>, vector<1x16xf32>,
          %parallel_loop3A_627 = arith.subf %parallel_loop3A_474, %parallel_loop3A_394 : vector<16xf32>
          %parallel_loop3A_628 = arith.constant 16 : i32
          %parallel_loop3A_629 = arith.index_cast %parallel_loop3A_628 : i32 to index
          %parallel_loop3A_630 = arith.index_cast %parallel_loop3A_389 : i32 to index
          %parallel_loop3A_631 = tpu.vector_load %arg8[%parallel_loop3A_629, %parallel_loop3A_630] {strides = array<i32>} : memref<25x512xf32, #tpu.memory_space<vmem>>, vector<1x16xf32>,
          %parallel_loop3A_632 = vector.shape_cast %parallel_loop3A_631 : vector<1x16xf32> to vector<16xf32>
          %parallel_loop3A_633 = vector.shape_cast %parallel_loop3A_627 : vector<16xf32> to vector<1x16xf32>
          tpu.vector_store %arg8[%parallel_loop3A_629, %parallel_loop3A_630], %parallel_loop3A_633 {strides = array<i32>} : memref<25x512xf32, #tpu.memory_space<vmem>>, vector<1x16xf32>,
          %parallel_loop3A_634 = arith.subf %parallel_loop3A_479, %parallel_loop3A_474 : vector<16xf32>
          %parallel_loop3A_635 = arith.constant 17 : i32
          %parallel_loop3A_636 = arith.index_cast %parallel_loop3A_635 : i32 to index
          %parallel_loop3A_637 = arith.index_cast %parallel_loop3A_389 : i32 to index
          %parallel_loop3A_638 = tpu.vector_load %arg8[%parallel_loop3A_636, %parallel_loop3A_637] {strides = array<i32>} : memref<25x512xf32, #tpu.memory_space<vmem>>, vector<1x16xf32>,
          %parallel_loop3A_639 = vector.shape_cast %parallel_loop3A_638 : vector<1x16xf32> to vector<16xf32>
          %parallel_loop3A_640 = vector.shape_cast %parallel_loop3A_634 : vector<16xf32> to vector<1x16xf32>
          tpu.vector_store %arg8[%parallel_loop3A_636, %parallel_loop3A_637], %parallel_loop3A_640 {strides = array<i32>} : memref<25x512xf32, #tpu.memory_space<vmem>>, vector<1x16xf32>,
          %parallel_loop3A_641 = arith.subf %parallel_loop3A_484, %parallel_loop3A_479 : vector<16xf32>
          %parallel_loop3A_642 = arith.constant 18 : i32
          %parallel_loop3A_643 = arith.index_cast %parallel_loop3A_642 : i32 to index
          %parallel_loop3A_644 = arith.index_cast %parallel_loop3A_389 : i32 to index
          %parallel_loop3A_645 = tpu.vector_load %arg8[%parallel_loop3A_643, %parallel_loop3A_644] {strides = array<i32>} : memref<25x512xf32, #tpu.memory_space<vmem>>, vector<1x16xf32>,
          %parallel_loop3A_646 = vector.shape_cast %parallel_loop3A_645 : vector<1x16xf32> to vector<16xf32>
          %parallel_loop3A_647 = vector.shape_cast %parallel_loop3A_641 : vector<16xf32> to vector<1x16xf32>
          tpu.vector_store %arg8[%parallel_loop3A_643, %parallel_loop3A_644], %parallel_loop3A_647 {strides = array<i32>} : memref<25x512xf32, #tpu.memory_space<vmem>>, vector<1x16xf32>,
          %parallel_loop3A_648 = arith.subf %parallel_loop3A_489, %parallel_loop3A_484 : vector<16xf32>
          %parallel_loop3A_649 = arith.constant 19 : i32
          %parallel_loop3A_650 = arith.index_cast %parallel_loop3A_649 : i32 to index
          %parallel_loop3A_651 = arith.index_cast %parallel_loop3A_389 : i32 to index
          %parallel_loop3A_652 = tpu.vector_load %arg8[%parallel_loop3A_650, %parallel_loop3A_651] {strides = array<i32>} : memref<25x512xf32, #tpu.memory_space<vmem>>, vector<1x16xf32>,
          %parallel_loop3A_653 = vector.shape_cast %parallel_loop3A_652 : vector<1x16xf32> to vector<16xf32>
          %parallel_loop3A_654 = vector.shape_cast %parallel_loop3A_648 : vector<16xf32> to vector<1x16xf32>
          tpu.vector_store %arg8[%parallel_loop3A_650, %parallel_loop3A_651], %parallel_loop3A_654 {strides = array<i32>} : memref<25x512xf32, #tpu.memory_space<vmem>>, vector<1x16xf32>,
          %parallel_loop3A_655 = arith.subf %parallel_loop3A_494, %parallel_loop3A_494 : vector<16xf32>
          %parallel_loop3A_656 = arith.constant 20 : i32
          %parallel_loop3A_657 = arith.index_cast %parallel_loop3A_656 : i32 to index
          %parallel_loop3A_658 = arith.index_cast %parallel_loop3A_389 : i32 to index
          %parallel_loop3A_659 = tpu.vector_load %arg8[%parallel_loop3A_657, %parallel_loop3A_658] {strides = array<i32>} : memref<25x512xf32, #tpu.memory_space<vmem>>, vector<1x16xf32>,
          %parallel_loop3A_660 = vector.shape_cast %parallel_loop3A_659 : vector<1x16xf32> to vector<16xf32>
          %parallel_loop3A_661 = vector.shape_cast %parallel_loop3A_655 : vector<16xf32> to vector<1x16xf32>
          tpu.vector_store %arg8[%parallel_loop3A_657, %parallel_loop3A_658], %parallel_loop3A_661 {strides = array<i32>} : memref<25x512xf32, #tpu.memory_space<vmem>>, vector<1x16xf32>,
          %parallel_loop3A_662 = arith.subf %parallel_loop3A_499, %parallel_loop3A_504 : vector<16xf32>
          %parallel_loop3A_663 = arith.constant 21 : i32
          %parallel_loop3A_664 = arith.index_cast %parallel_loop3A_663 : i32 to index
          %parallel_loop3A_665 = arith.index_cast %parallel_loop3A_389 : i32 to index
          %parallel_loop3A_666 = tpu.vector_load %arg8[%parallel_loop3A_664, %parallel_loop3A_665] {strides = array<i32>} : memref<25x512xf32, #tpu.memory_space<vmem>>, vector<1x16xf32>,
          %parallel_loop3A_667 = vector.shape_cast %parallel_loop3A_666 : vector<1x16xf32> to vector<16xf32>
          %parallel_loop3A_668 = vector.shape_cast %parallel_loop3A_662 : vector<16xf32> to vector<1x16xf32>
          tpu.vector_store %arg8[%parallel_loop3A_664, %parallel_loop3A_665], %parallel_loop3A_668 {strides = array<i32>} : memref<25x512xf32, #tpu.memory_space<vmem>>, vector<1x16xf32>,
          %parallel_loop3A_669 = arith.subf %parallel_loop3A_504, %parallel_loop3A_429 : vector<16xf32>
          %parallel_loop3A_670 = arith.constant 22 : i32
          %parallel_loop3A_671 = arith.index_cast %parallel_loop3A_670 : i32 to index
          %parallel_loop3A_672 = arith.index_cast %parallel_loop3A_389 : i32 to index
          %parallel_loop3A_673 = tpu.vector_load %arg8[%parallel_loop3A_671, %parallel_loop3A_672] {strides = array<i32>} : memref<25x512xf32, #tpu.memory_space<vmem>>, vector<1x16xf32>,
          %parallel_loop3A_674 = vector.shape_cast %parallel_loop3A_673 : vector<1x16xf32> to vector<16xf32>
          %parallel_loop3A_675 = vector.shape_cast %parallel_loop3A_669 : vector<16xf32> to vector<1x16xf32>
          tpu.vector_store %arg8[%parallel_loop3A_671, %parallel_loop3A_672], %parallel_loop3A_675 {strides = array<i32>} : memref<25x512xf32, #tpu.memory_space<vmem>>, vector<1x16xf32>,
          %parallel_loop3A_676 = arith.subf %parallel_loop3A_509, %parallel_loop3A_514 : vector<16xf32>
          %parallel_loop3A_677 = arith.constant 23 : i32
          %parallel_loop3A_678 = arith.index_cast %parallel_loop3A_677 : i32 to index
          %parallel_loop3A_679 = arith.index_cast %parallel_loop3A_389 : i32 to index
          %parallel_loop3A_680 = tpu.vector_load %arg8[%parallel_loop3A_678, %parallel_loop3A_679] {strides = array<i32>} : memref<25x512xf32, #tpu.memory_space<vmem>>, vector<1x16xf32>,
          %parallel_loop3A_681 = vector.shape_cast %parallel_loop3A_680 : vector<1x16xf32> to vector<16xf32>
          %parallel_loop3A_682 = vector.shape_cast %parallel_loop3A_676 : vector<16xf32> to vector<1x16xf32>
          tpu.vector_store %arg8[%parallel_loop3A_678, %parallel_loop3A_679], %parallel_loop3A_682 {strides = array<i32>} : memref<25x512xf32, #tpu.memory_space<vmem>>, vector<1x16xf32>,
          %parallel_loop3A_683 = arith.subf %parallel_loop3A_514, %parallel_loop3A_449 : vector<16xf32>
          %parallel_loop3A_684 = arith.constant 24 : i32
          %parallel_loop3A_685 = arith.index_cast %parallel_loop3A_684 : i32 to index
          %parallel_loop3A_686 = arith.index_cast %parallel_loop3A_389 : i32 to index
          %parallel_loop3A_687 = tpu.vector_load %arg8[%parallel_loop3A_685, %parallel_loop3A_686] {strides = array<i32>} : memref<25x512xf32, #tpu.memory_space<vmem>>, vector<1x16xf32>,
          %parallel_loop3A_688 = vector.shape_cast %parallel_loop3A_687 : vector<1x16xf32> to vector<16xf32>
          %parallel_loop3A_689 = vector.shape_cast %parallel_loop3A_683 : vector<16xf32> to vector<1x16xf32>
          tpu.vector_store %arg8[%parallel_loop3A_685, %parallel_loop3A_686], %parallel_loop3A_689 {strides = array<i32>} : memref<25x512xf32, #tpu.memory_space<vmem>>, vector<1x16xf32>,
        } {sc.loop_unroll_factor = 1 : i64, sc.parallel_access}
        %add3A_337 = arith.addi %add3A_4, %add3A_288 : i32
        %jit3A_338 = arith.constant 300 : i32
        %div3A_339 = arith.divsi %add3A_337, %jit3A_338 : i32
        %sign3A_340 = arith.constant 0 : i32
        %sign3A_341 = arith.cmpi sgt, %add3A_337, %sign3A_340 : i32
        %sign3A_342 = arith.extui %sign3A_341 : i1 to i32
        %sign3A_343 = arith.constant 0 : i32
        %sign3A_344 = arith.cmpi slt, %add3A_337, %sign3A_343 : i32
        %sign3A_345 = arith.extui %sign3A_344 : i1 to i32
        %sign3A_346 = arith.subi %sign3A_342, %sign3A_345 : i32
        %sign3A_347 = arith.constant 0 : i32
        %sign3A_348 = arith.cmpi sgt, %jit3A_338, %sign3A_347 : i32
        %sign3A_349 = arith.extui %sign3A_348 : i1 to i32
        %sign3A_350 = arith.constant 0 : i32
        %sign3A_351 = arith.cmpi slt, %jit3A_338, %sign3A_350 : i32
        %sign3A_352 = arith.extui %sign3A_351 : i1 to i32
        %sign3A_353 = arith.subi %sign3A_349, %sign3A_352 : i32
        %ne3A_354 = arith.cmpi ne, %sign3A_346, %sign3A_353 : i32
        %rem3A_355 = arith.remsi %add3A_337, %jit3A_338 : i32
        %ne3A_356 = arith.constant 0 : i32
        %ne3A_357 = arith.cmpi ne, %rem3A_355, %ne3A_356 : i32
        %and3A_358 = arith.andi %ne3A_354, %ne3A_357 : i1
        %sub3A_359 = arith.constant 1 : i32
        %sub3A_360 = arith.subi %div3A_339, %sub3A_359 : i32
        %select_n3A_361 = arith.select %and3A_358, %sub3A_360, %div3A_339 : i32
        %jit3A_362 = arith.constant 300 : i32
        %eq3A_363 = arith.constant 0 : i32
        %eq3A_364 = arith.cmpi eq, %jit3A_362, %eq3A_363 : i32
        %jit3A_365 = arith.constant 1 : i32
        %select_n3A_366 = arith.select %eq3A_364, %jit3A_365, %jit3A_362 : i32
        %rem3A_367 = arith.remsi %add3A_337, %select_n3A_366 : i32
        %ne3A_368 = arith.constant 0 : i32
        %ne3A_369 = arith.cmpi ne, %rem3A_367, %ne3A_368 : i32
        %lt3A_370 = arith.constant 0 : i32
        %lt3A_371 = arith.cmpi slt, %rem3A_367, %lt3A_370 : i32
        %lt3A_372 = arith.constant 0 : i32
        %lt3A_373 = arith.cmpi slt, %select_n3A_366, %lt3A_372 : i32
        %ne3A_374 = arith.xori %lt3A_371, %lt3A_373 : i1
        %and3A_375 = arith.andi %ne3A_374, %ne3A_369 : i1
        %add3A_376 = arith.addi %rem3A_367, %select_n3A_366 : i32
        %select_n3A_377 = arith.select %and3A_375, %add3A_376, %rem3A_367 : i32
        %dma_start3A_378 = arith.constant 0 : i32
        %dma_start3A_379 = arith.constant 0 : i32
        %dma_start3A_380 = tpu.memref_slice %arg3[%select_n3A_361, %dma_start3A_378, %select_n3A_377, %dma_start3A_379] : memref<3x25x300x512xf32, #tpu.memory_space<hbm>> -> memref<1x25x1x512xf32, #tpu.memory_space<hbm>>
        %dma_start3A_381 = tpu.memref_squeeze %dma_start3A_380 : memref<1x25x1x512xf32, #tpu.memory_space<hbm>> -> memref<25x512xf32, #tpu.memory_space<hbm>>
        %dma_start3A_382 = arith.constant 0 : i32
        %dma_start3A_383 = arith.constant 0 : i32
        %dma_start3A_384 = tpu.memref_slice %arg3[%select_n3A_361, %dma_start3A_382, %select_n3A_377, %dma_start3A_383] : memref<3x25x300x512xf32, #tpu.memory_space<hbm>> -> memref<1x25x1x512xf32, #tpu.memory_space<hbm>>
        %dma_start3A_385 = tpu.memref_squeeze %dma_start3A_384 : memref<1x25x1x512xf32, #tpu.memory_space<hbm>> -> memref<25x512xf32, #tpu.memory_space<hbm>>
        tpu.enqueue_dma source(%arg8 : memref<25x512xf32, #tpu.memory_space<vmem>>) target(%dma_start3A_385 : memref<25x512xf32, #tpu.memory_space<hbm>>) target_semaphore(%arg14 : memref<!tpu.dma_semaphore, #tpu.memory_space<semaphore_mem>>)
      } else {
      }
      %mul3A_310 = arith.constant 3 : i32
      %mul3A_311 = arith.muli %scan3A_261, %mul3A_310 : i32
      %add3A_312 = arith.constant 2 : i32
      %add3A_313 = arith.addi %mul3A_311, %add3A_312 : i32
      %add3A_314 = arith.constant 2 : i32
      %add3A_315 = arith.addi %add3A_313, %add3A_314 : i32
      %lt3A_316 = arith.cmpi slt, %add3A_315, %add3A_7 : i32
      %convert_element_type3A_317 = arith.extui %lt3A_316 : i1 to i32
      %cond3A_318 = arith.constant 0 : i32
      %cond3A_319 = arith.cmpi ne, %convert_element_type3A_317, %cond3A_318 : i32
      scf.if %cond3A_319 {
        %add3A_335 = arith.constant 2 : i32
        %add3A_336 = arith.addi %add3A_313, %add3A_335 : i32
        %add3A_337 = arith.addi %add3A_4, %add3A_336 : i32
        %jit3A_338 = arith.constant 300 : i32
        %div3A_339 = arith.divsi %add3A_337, %jit3A_338 : i32
        %sign3A_340 = arith.constant 0 : i32
        %sign3A_341 = arith.cmpi sgt, %add3A_337, %sign3A_340 : i32
        %sign3A_342 = arith.extui %sign3A_341 : i1 to i32
        %sign3A_343 = arith.constant 0 : i32
        %sign3A_344 = arith.cmpi slt, %add3A_337, %sign3A_343 : i32
        %sign3A_345 = arith.extui %sign3A_344 : i1 to i32
        %sign3A_346 = arith.subi %sign3A_342, %sign3A_345 : i32
        %sign3A_347 = arith.constant 0 : i32
        %sign3A_348 = arith.cmpi sgt, %jit3A_338, %sign3A_347 : i32
        %sign3A_349 = arith.extui %sign3A_348 : i1 to i32
        %sign3A_350 = arith.constant 0 : i32
        %sign3A_351 = arith.cmpi slt, %jit3A_338, %sign3A_350 : i32
        %sign3A_352 = arith.extui %sign3A_351 : i1 to i32
        %sign3A_353 = arith.subi %sign3A_349, %sign3A_352 : i32
        %ne3A_354 = arith.cmpi ne, %sign3A_346, %sign3A_353 : i32
        %rem3A_355 = arith.remsi %add3A_337, %jit3A_338 : i32
        %ne3A_356 = arith.constant 0 : i32
        %ne3A_357 = arith.cmpi ne, %rem3A_355, %ne3A_356 : i32
        %and3A_358 = arith.andi %ne3A_354, %ne3A_357 : i1
        %sub3A_359 = arith.constant 1 : i32
        %sub3A_360 = arith.subi %div3A_339, %sub3A_359 : i32
        %select_n3A_361 = arith.select %and3A_358, %sub3A_360, %div3A_339 : i32
        %jit3A_362 = arith.constant 300 : i32
        %eq3A_363 = arith.constant 0 : i32
        %eq3A_364 = arith.cmpi eq, %jit3A_362, %eq3A_363 : i32
        %jit3A_365 = arith.constant 1 : i32
        %select_n3A_366 = arith.select %eq3A_364, %jit3A_365, %jit3A_362 : i32
        %rem3A_367 = arith.remsi %add3A_337, %select_n3A_366 : i32
        %ne3A_368 = arith.constant 0 : i32
        %ne3A_369 = arith.cmpi ne, %rem3A_367, %ne3A_368 : i32
        %lt3A_370 = arith.constant 0 : i32
        %lt3A_371 = arith.cmpi slt, %rem3A_367, %lt3A_370 : i32
        %lt3A_372 = arith.constant 0 : i32
        %lt3A_373 = arith.cmpi slt, %select_n3A_366, %lt3A_372 : i32
        %ne3A_374 = arith.xori %lt3A_371, %lt3A_373 : i1
        %and3A_375 = arith.andi %ne3A_374, %ne3A_369 : i1
        %add3A_376 = arith.addi %rem3A_367, %select_n3A_366 : i32
        %select_n3A_377 = arith.select %and3A_375, %add3A_376, %rem3A_367 : i32
        %dma_start3A_378 = arith.constant 0 : i32
        %dma_start3A_379 = arith.constant 0 : i32
        %dma_start3A_380 = tpu.memref_slice %arg2[%select_n3A_361, %dma_start3A_378, %select_n3A_377, %dma_start3A_379] : memref<3x25x300x512xf32, #tpu.memory_space<hbm>> -> memref<1x25x1x512xf32, #tpu.memory_space<hbm>>
        %dma_start3A_381 = tpu.memref_squeeze %dma_start3A_380 : memref<1x25x1x512xf32, #tpu.memory_space<hbm>> -> memref<25x512xf32, #tpu.memory_space<hbm>>
        %dma_start3A_382 = arith.constant 0 : i32
        %dma_start3A_383 = arith.constant 0 : i32
        %dma_start3A_384 = tpu.memref_slice %arg2[%select_n3A_361, %dma_start3A_382, %select_n3A_377, %dma_start3A_383] : memref<3x25x300x512xf32, #tpu.memory_space<hbm>> -> memref<1x25x1x512xf32, #tpu.memory_space<hbm>>
        %dma_start3A_385 = tpu.memref_squeeze %dma_start3A_384 : memref<1x25x1x512xf32, #tpu.memory_space<hbm>> -> memref<25x512xf32, #tpu.memory_space<hbm>>
        tpu.enqueue_dma source(%dma_start3A_385 : memref<25x512xf32, #tpu.memory_space<hbm>>) target(%arg5 : memref<25x512xf32, #tpu.memory_space<vmem>>) target_semaphore(%arg11 : memref<!tpu.dma_semaphore, #tpu.memory_space<semaphore_mem>>)
      } else {
      }
      %lt3A_320 = arith.cmpi slt, %add3A_313, %add3A_7 : i32
      %convert_element_type3A_321 = arith.extui %lt3A_320 : i1 to i32
      %cond3A_322 = arith.constant 0 : i32
      %cond3A_323 = arith.cmpi ne, %convert_element_type3A_321, %cond3A_322 : i32
      scf.if %cond3A_323 {
        %add3A_335 = arith.addi %add3A_4, %add3A_313 : i32
        %jit3A_336 = arith.constant 300 : i32
        %div3A_337 = arith.divsi %add3A_335, %jit3A_336 : i32
        %sign3A_338 = arith.constant 0 : i32
        %sign3A_339 = arith.cmpi sgt, %add3A_335, %sign3A_338 : i32
        %sign3A_340 = arith.extui %sign3A_339 : i1 to i32
        %sign3A_341 = arith.constant 0 : i32
        %sign3A_342 = arith.cmpi slt, %add3A_335, %sign3A_341 : i32
        %sign3A_343 = arith.extui %sign3A_342 : i1 to i32
        %sign3A_344 = arith.subi %sign3A_340, %sign3A_343 : i32
        %sign3A_345 = arith.constant 0 : i32
        %sign3A_346 = arith.cmpi sgt, %jit3A_336, %sign3A_345 : i32
        %sign3A_347 = arith.extui %sign3A_346 : i1 to i32
        %sign3A_348 = arith.constant 0 : i32
        %sign3A_349 = arith.cmpi slt, %jit3A_336, %sign3A_348 : i32
        %sign3A_350 = arith.extui %sign3A_349 : i1 to i32
        %sign3A_351 = arith.subi %sign3A_347, %sign3A_350 : i32
        %ne3A_352 = arith.cmpi ne, %sign3A_344, %sign3A_351 : i32
        %rem3A_353 = arith.remsi %add3A_335, %jit3A_336 : i32
        %ne3A_354 = arith.constant 0 : i32
        %ne3A_355 = arith.cmpi ne, %rem3A_353, %ne3A_354 : i32
        %and3A_356 = arith.andi %ne3A_352, %ne3A_355 : i1
        %sub3A_357 = arith.constant 1 : i32
        %sub3A_358 = arith.subi %div3A_337, %sub3A_357 : i32
        %select_n3A_359 = arith.select %and3A_356, %sub3A_358, %div3A_337 : i32
        %jit3A_360 = arith.constant 300 : i32
        %eq3A_361 = arith.constant 0 : i32
        %eq3A_362 = arith.cmpi eq, %jit3A_360, %eq3A_361 : i32
        %jit3A_363 = arith.constant 1 : i32
        %select_n3A_364 = arith.select %eq3A_362, %jit3A_363, %jit3A_360 : i32
        %rem3A_365 = arith.remsi %add3A_335, %select_n3A_364 : i32
        %ne3A_366 = arith.constant 0 : i32
        %ne3A_367 = arith.cmpi ne, %rem3A_365, %ne3A_366 : i32
        %lt3A_368 = arith.constant 0 : i32
        %lt3A_369 = arith.cmpi slt, %rem3A_365, %lt3A_368 : i32
        %lt3A_370 = arith.constant 0 : i32
        %lt3A_371 = arith.cmpi slt, %select_n3A_364, %lt3A_370 : i32
        %ne3A_372 = arith.xori %lt3A_369, %lt3A_371 : i1
        %and3A_373 = arith.andi %ne3A_372, %ne3A_367 : i1
        %add3A_374 = arith.addi %rem3A_365, %select_n3A_364 : i32
        %select_n3A_375 = arith.select %and3A_373, %add3A_374, %rem3A_365 : i32
        %dma_wait3A_376 = arith.constant 0 : i32
        %dma_wait3A_377 = arith.constant 0 : i32
        %dma_wait3A_378 = tpu.memref_slice %arg2[%select_n3A_359, %dma_wait3A_376, %select_n3A_375, %dma_wait3A_377] : memref<3x25x300x512xf32, #tpu.memory_space<hbm>> -> memref<1x25x1x512xf32, #tpu.memory_space<hbm>>
        %dma_wait3A_379 = tpu.memref_squeeze %dma_wait3A_378 : memref<1x25x1x512xf32, #tpu.memory_space<hbm>> -> memref<25x512xf32, #tpu.memory_space<hbm>>
        %dma_wait3A_380 = arith.constant 0 : i32
        %dma_wait3A_381 = arith.constant 0 : i32
        %dma_wait3A_382 = tpu.memref_slice %arg2[%select_n3A_359, %dma_wait3A_380, %select_n3A_375, %dma_wait3A_381] : memref<3x25x300x512xf32, #tpu.memory_space<hbm>> -> memref<1x25x1x512xf32, #tpu.memory_space<hbm>>
        %dma_wait3A_383 = tpu.memref_squeeze %dma_wait3A_382 : memref<1x25x1x512xf32, #tpu.memory_space<hbm>> -> memref<25x512xf32, #tpu.memory_space<hbm>>
        tpu.wait_dma2 semaphore(%arg12 : memref<!tpu.dma_semaphore, #tpu.memory_space<semaphore_mem>>) src(%dma_wait3A_383 : memref<25x512xf32, #tpu.memory_space<hbm>>) dst(%arg6 : memref<25x512xf32, #tpu.memory_space<vmem>>)
      } else {
      }
      %ge3A_324 = arith.constant 3 : i32
      %ge3A_325 = arith.cmpi sge, %add3A_313, %ge3A_324 : i32
      %lt3A_326 = arith.cmpi slt, %add3A_313, %add3A_7 : i32
      %and3A_327 = arith.andi %ge3A_325, %lt3A_326 : i1
      %convert_element_type3A_328 = arith.extui %and3A_327 : i1 to i32
      %cond3A_329 = arith.constant 0 : i32
      %cond3A_330 = arith.cmpi ne, %convert_element_type3A_328, %cond3A_329 : i32
      scf.if %cond3A_330 {
        %sub3A_335 = arith.constant 3 : i32
        %sub3A_336 = arith.subi %add3A_313, %sub3A_335 : i32
        %add3A_337 = arith.addi %add3A_4, %sub3A_336 : i32
        %jit3A_338 = arith.constant 300 : i32
        %div3A_339 = arith.divsi %add3A_337, %jit3A_338 : i32
        %sign3A_340 = arith.constant 0 : i32
        %sign3A_341 = arith.cmpi sgt, %add3A_337, %sign3A_340 : i32
        %sign3A_342 = arith.extui %sign3A_341 : i1 to i32
        %sign3A_343 = arith.constant 0 : i32
        %sign3A_344 = arith.cmpi slt, %add3A_337, %sign3A_343 : i32
        %sign3A_345 = arith.extui %sign3A_344 : i1 to i32
        %sign3A_346 = arith.subi %sign3A_342, %sign3A_345 : i32
        %sign3A_347 = arith.constant 0 : i32
        %sign3A_348 = arith.cmpi sgt, %jit3A_338, %sign3A_347 : i32
        %sign3A_349 = arith.extui %sign3A_348 : i1 to i32
        %sign3A_350 = arith.constant 0 : i32
        %sign3A_351 = arith.cmpi slt, %jit3A_338, %sign3A_350 : i32
        %sign3A_352 = arith.extui %sign3A_351 : i1 to i32
        %sign3A_353 = arith.subi %sign3A_349, %sign3A_352 : i32
        %ne3A_354 = arith.cmpi ne, %sign3A_346, %sign3A_353 : i32
        %rem3A_355 = arith.remsi %add3A_337, %jit3A_338 : i32
        %ne3A_356 = arith.constant 0 : i32
        %ne3A_357 = arith.cmpi ne, %rem3A_355, %ne3A_356 : i32
        %and3A_358 = arith.andi %ne3A_354, %ne3A_357 : i1
        %sub3A_359 = arith.constant 1 : i32
        %sub3A_360 = arith.subi %div3A_339, %sub3A_359 : i32
        %select_n3A_361 = arith.select %and3A_358, %sub3A_360, %div3A_339 : i32
        %jit3A_362 = arith.constant 300 : i32
        %eq3A_363 = arith.constant 0 : i32
        %eq3A_364 = arith.cmpi eq, %jit3A_362, %eq3A_363 : i32
        %jit3A_365 = arith.constant 1 : i32
        %select_n3A_366 = arith.select %eq3A_364, %jit3A_365, %jit3A_362 : i32
        %rem3A_367 = arith.remsi %add3A_337, %select_n3A_366 : i32
        %ne3A_368 = arith.constant 0 : i32
        %ne3A_369 = arith.cmpi ne, %rem3A_367, %ne3A_368 : i32
        %lt3A_370 = arith.constant 0 : i32
        %lt3A_371 = arith.cmpi slt, %rem3A_367, %lt3A_370 : i32
        %lt3A_372 = arith.constant 0 : i32
        %lt3A_373 = arith.cmpi slt, %select_n3A_366, %lt3A_372 : i32
        %ne3A_374 = arith.xori %lt3A_371, %lt3A_373 : i1
        %and3A_375 = arith.andi %ne3A_374, %ne3A_369 : i1
        %add3A_376 = arith.addi %rem3A_367, %select_n3A_366 : i32
        %select_n3A_377 = arith.select %and3A_375, %add3A_376, %rem3A_367 : i32
        %dma_wait3A_378 = arith.constant 0 : i32
        %dma_wait3A_379 = arith.constant 0 : i32
        %dma_wait3A_380 = tpu.memref_slice %arg3[%select_n3A_361, %dma_wait3A_378, %select_n3A_377, %dma_wait3A_379] : memref<3x25x300x512xf32, #tpu.memory_space<hbm>> -> memref<1x25x1x512xf32, #tpu.memory_space<hbm>>
        %dma_wait3A_381 = tpu.memref_squeeze %dma_wait3A_380 : memref<1x25x1x512xf32, #tpu.memory_space<hbm>> -> memref<25x512xf32, #tpu.memory_space<hbm>>
        %dma_wait3A_382 = arith.constant 0 : i32
        %dma_wait3A_383 = arith.constant 0 : i32
        %dma_wait3A_384 = tpu.memref_slice %arg3[%select_n3A_361, %dma_wait3A_382, %select_n3A_377, %dma_wait3A_383] : memref<3x25x300x512xf32, #tpu.memory_space<hbm>> -> memref<1x25x1x512xf32, #tpu.memory_space<hbm>>
        %dma_wait3A_385 = tpu.memref_squeeze %dma_wait3A_384 : memref<1x25x1x512xf32, #tpu.memory_space<hbm>> -> memref<25x512xf32, #tpu.memory_space<hbm>>
        tpu.wait_dma2 semaphore(%arg15 : memref<!tpu.dma_semaphore, #tpu.memory_space<semaphore_mem>>) src(%arg9 : memref<25x512xf32, #tpu.memory_space<vmem>>) dst(%dma_wait3A_385 : memref<25x512xf32, #tpu.memory_space<hbm>>)
      } else {
      }
      %lt3A_331 = arith.cmpi slt, %add3A_313, %add3A_7 : i32
      %convert_element_type3A_332 = arith.extui %lt3A_331 : i1 to i32
      %cond3A_333 = arith.constant 0 : i32
      %cond3A_334 = arith.cmpi ne, %convert_element_type3A_332, %cond3A_333 : i32
      scf.if %cond3A_334 {
        %parallel_loop3A = arith.constant 0 : i32
        %parallel_loop3A_335 = arith.constant 32 : i32
        %parallel_loop3A_336 = arith.constant 1 : i32
        scf.for %parallel_loop3A_386 = %parallel_loop3A to %parallel_loop3A_335 step %parallel_loop3A_336  : i32 {
          %parallel_loop3A_387 = arith.constant 16 : i32
          %parallel_loop3A_388 = arith.muli %parallel_loop3A_386, %parallel_loop3A_387 : i32
          %parallel_loop3A_389 = tpu.assume_multiple %parallel_loop3A_388, 16 : i32
          %parallel_loop3A_390 = arith.constant 0 : i32
          %parallel_loop3A_391 = arith.index_cast %parallel_loop3A_390 : i32 to index
          %parallel_loop3A_392 = arith.index_cast %parallel_loop3A_389 : i32 to index
          %parallel_loop3A_393 = tpu.vector_load %arg6[%parallel_loop3A_391, %parallel_loop3A_392] {strides = array<i32>} : memref<25x512xf32, #tpu.memory_space<vmem>>, vector<1x16xf32>,
          %parallel_loop3A_394 = vector.shape_cast %parallel_loop3A_393 : vector<1x16xf32> to vector<16xf32>
          %parallel_loop3A_395 = arith.constant 1 : i32
          %parallel_loop3A_396 = arith.index_cast %parallel_loop3A_395 : i32 to index
          %parallel_loop3A_397 = arith.index_cast %parallel_loop3A_389 : i32 to index
          %parallel_loop3A_398 = tpu.vector_load %arg6[%parallel_loop3A_396, %parallel_loop3A_397] {strides = array<i32>} : memref<25x512xf32, #tpu.memory_space<vmem>>, vector<1x16xf32>,
          %parallel_loop3A_399 = vector.shape_cast %parallel_loop3A_398 : vector<1x16xf32> to vector<16xf32>
          %parallel_loop3A_400 = arith.constant 2 : i32
          %parallel_loop3A_401 = arith.index_cast %parallel_loop3A_400 : i32 to index
          %parallel_loop3A_402 = arith.index_cast %parallel_loop3A_389 : i32 to index
          %parallel_loop3A_403 = tpu.vector_load %arg6[%parallel_loop3A_401, %parallel_loop3A_402] {strides = array<i32>} : memref<25x512xf32, #tpu.memory_space<vmem>>, vector<1x16xf32>,
          %parallel_loop3A_404 = vector.shape_cast %parallel_loop3A_403 : vector<1x16xf32> to vector<16xf32>
          %parallel_loop3A_405 = arith.constant 3 : i32
          %parallel_loop3A_406 = arith.index_cast %parallel_loop3A_405 : i32 to index
          %parallel_loop3A_407 = arith.index_cast %parallel_loop3A_389 : i32 to index
          %parallel_loop3A_408 = tpu.vector_load %arg6[%parallel_loop3A_406, %parallel_loop3A_407] {strides = array<i32>} : memref<25x512xf32, #tpu.memory_space<vmem>>, vector<1x16xf32>,
          %parallel_loop3A_409 = vector.shape_cast %parallel_loop3A_408 : vector<1x16xf32> to vector<16xf32>
          %parallel_loop3A_410 = arith.constant 4 : i32
          %parallel_loop3A_411 = arith.index_cast %parallel_loop3A_410 : i32 to index
          %parallel_loop3A_412 = arith.index_cast %parallel_loop3A_389 : i32 to index
          %parallel_loop3A_413 = tpu.vector_load %arg6[%parallel_loop3A_411, %parallel_loop3A_412] {strides = array<i32>} : memref<25x512xf32, #tpu.memory_space<vmem>>, vector<1x16xf32>,
          %parallel_loop3A_414 = vector.shape_cast %parallel_loop3A_413 : vector<1x16xf32> to vector<16xf32>
          %parallel_loop3A_415 = arith.constant 5 : i32
          %parallel_loop3A_416 = arith.index_cast %parallel_loop3A_415 : i32 to index
          %parallel_loop3A_417 = arith.index_cast %parallel_loop3A_389 : i32 to index
          %parallel_loop3A_418 = tpu.vector_load %arg6[%parallel_loop3A_416, %parallel_loop3A_417] {strides = array<i32>} : memref<25x512xf32, #tpu.memory_space<vmem>>, vector<1x16xf32>,
          %parallel_loop3A_419 = vector.shape_cast %parallel_loop3A_418 : vector<1x16xf32> to vector<16xf32>
          %parallel_loop3A_420 = arith.constant 6 : i32
          %parallel_loop3A_421 = arith.index_cast %parallel_loop3A_420 : i32 to index
          %parallel_loop3A_422 = arith.index_cast %parallel_loop3A_389 : i32 to index
          %parallel_loop3A_423 = tpu.vector_load %arg6[%parallel_loop3A_421, %parallel_loop3A_422] {strides = array<i32>} : memref<25x512xf32, #tpu.memory_space<vmem>>, vector<1x16xf32>,
          %parallel_loop3A_424 = vector.shape_cast %parallel_loop3A_423 : vector<1x16xf32> to vector<16xf32>
          %parallel_loop3A_425 = arith.constant 7 : i32
          %parallel_loop3A_426 = arith.index_cast %parallel_loop3A_425 : i32 to index
          %parallel_loop3A_427 = arith.index_cast %parallel_loop3A_389 : i32 to index
          %parallel_loop3A_428 = tpu.vector_load %arg6[%parallel_loop3A_426, %parallel_loop3A_427] {strides = array<i32>} : memref<25x512xf32, #tpu.memory_space<vmem>>, vector<1x16xf32>,
          %parallel_loop3A_429 = vector.shape_cast %parallel_loop3A_428 : vector<1x16xf32> to vector<16xf32>
          %parallel_loop3A_430 = arith.constant 8 : i32
          %parallel_loop3A_431 = arith.index_cast %parallel_loop3A_430 : i32 to index
          %parallel_loop3A_432 = arith.index_cast %parallel_loop3A_389 : i32 to index
          %parallel_loop3A_433 = tpu.vector_load %arg6[%parallel_loop3A_431, %parallel_loop3A_432] {strides = array<i32>} : memref<25x512xf32, #tpu.memory_space<vmem>>, vector<1x16xf32>,
          %parallel_loop3A_434 = vector.shape_cast %parallel_loop3A_433 : vector<1x16xf32> to vector<16xf32>
          %parallel_loop3A_435 = arith.constant 9 : i32
          %parallel_loop3A_436 = arith.index_cast %parallel_loop3A_435 : i32 to index
          %parallel_loop3A_437 = arith.index_cast %parallel_loop3A_389 : i32 to index
          %parallel_loop3A_438 = tpu.vector_load %arg6[%parallel_loop3A_436, %parallel_loop3A_437] {strides = array<i32>} : memref<25x512xf32, #tpu.memory_space<vmem>>, vector<1x16xf32>,
          %parallel_loop3A_439 = vector.shape_cast %parallel_loop3A_438 : vector<1x16xf32> to vector<16xf32>
          %parallel_loop3A_440 = arith.constant 10 : i32
          %parallel_loop3A_441 = arith.index_cast %parallel_loop3A_440 : i32 to index
          %parallel_loop3A_442 = arith.index_cast %parallel_loop3A_389 : i32 to index
          %parallel_loop3A_443 = tpu.vector_load %arg6[%parallel_loop3A_441, %parallel_loop3A_442] {strides = array<i32>} : memref<25x512xf32, #tpu.memory_space<vmem>>, vector<1x16xf32>,
          %parallel_loop3A_444 = vector.shape_cast %parallel_loop3A_443 : vector<1x16xf32> to vector<16xf32>
          %parallel_loop3A_445 = arith.constant 11 : i32
          %parallel_loop3A_446 = arith.index_cast %parallel_loop3A_445 : i32 to index
          %parallel_loop3A_447 = arith.index_cast %parallel_loop3A_389 : i32 to index
          %parallel_loop3A_448 = tpu.vector_load %arg6[%parallel_loop3A_446, %parallel_loop3A_447] {strides = array<i32>} : memref<25x512xf32, #tpu.memory_space<vmem>>, vector<1x16xf32>,
          %parallel_loop3A_449 = vector.shape_cast %parallel_loop3A_448 : vector<1x16xf32> to vector<16xf32>
          %parallel_loop3A_450 = arith.constant 12 : i32
          %parallel_loop3A_451 = arith.index_cast %parallel_loop3A_450 : i32 to index
          %parallel_loop3A_452 = arith.index_cast %parallel_loop3A_389 : i32 to index
          %parallel_loop3A_453 = tpu.vector_load %arg6[%parallel_loop3A_451, %parallel_loop3A_452] {strides = array<i32>} : memref<25x512xf32, #tpu.memory_space<vmem>>, vector<1x16xf32>,
          %parallel_loop3A_454 = vector.shape_cast %parallel_loop3A_453 : vector<1x16xf32> to vector<16xf32>
          %parallel_loop3A_455 = arith.constant 13 : i32
          %parallel_loop3A_456 = arith.index_cast %parallel_loop3A_455 : i32 to index
          %parallel_loop3A_457 = arith.index_cast %parallel_loop3A_389 : i32 to index
          %parallel_loop3A_458 = tpu.vector_load %arg6[%parallel_loop3A_456, %parallel_loop3A_457] {strides = array<i32>} : memref<25x512xf32, #tpu.memory_space<vmem>>, vector<1x16xf32>,
          %parallel_loop3A_459 = vector.shape_cast %parallel_loop3A_458 : vector<1x16xf32> to vector<16xf32>
          %parallel_loop3A_460 = arith.constant 14 : i32
          %parallel_loop3A_461 = arith.index_cast %parallel_loop3A_460 : i32 to index
          %parallel_loop3A_462 = arith.index_cast %parallel_loop3A_389 : i32 to index
          %parallel_loop3A_463 = tpu.vector_load %arg6[%parallel_loop3A_461, %parallel_loop3A_462] {strides = array<i32>} : memref<25x512xf32, #tpu.memory_space<vmem>>, vector<1x16xf32>,
          %parallel_loop3A_464 = vector.shape_cast %parallel_loop3A_463 : vector<1x16xf32> to vector<16xf32>
          %parallel_loop3A_465 = arith.constant 15 : i32
          %parallel_loop3A_466 = arith.index_cast %parallel_loop3A_465 : i32 to index
          %parallel_loop3A_467 = arith.index_cast %parallel_loop3A_389 : i32 to index
          %parallel_loop3A_468 = tpu.vector_load %arg6[%parallel_loop3A_466, %parallel_loop3A_467] {strides = array<i32>} : memref<25x512xf32, #tpu.memory_space<vmem>>, vector<1x16xf32>,
          %parallel_loop3A_469 = vector.shape_cast %parallel_loop3A_468 : vector<1x16xf32> to vector<16xf32>
          %parallel_loop3A_470 = arith.constant 16 : i32
          %parallel_loop3A_471 = arith.index_cast %parallel_loop3A_470 : i32 to index
          %parallel_loop3A_472 = arith.index_cast %parallel_loop3A_389 : i32 to index
          %parallel_loop3A_473 = tpu.vector_load %arg6[%parallel_loop3A_471, %parallel_loop3A_472] {strides = array<i32>} : memref<25x512xf32, #tpu.memory_space<vmem>>, vector<1x16xf32>,
          %parallel_loop3A_474 = vector.shape_cast %parallel_loop3A_473 : vector<1x16xf32> to vector<16xf32>
          %parallel_loop3A_475 = arith.constant 17 : i32
          %parallel_loop3A_476 = arith.index_cast %parallel_loop3A_475 : i32 to index
          %parallel_loop3A_477 = arith.index_cast %parallel_loop3A_389 : i32 to index
          %parallel_loop3A_478 = tpu.vector_load %arg6[%parallel_loop3A_476, %parallel_loop3A_477] {strides = array<i32>} : memref<25x512xf32, #tpu.memory_space<vmem>>, vector<1x16xf32>,
          %parallel_loop3A_479 = vector.shape_cast %parallel_loop3A_478 : vector<1x16xf32> to vector<16xf32>
          %parallel_loop3A_480 = arith.constant 18 : i32
          %parallel_loop3A_481 = arith.index_cast %parallel_loop3A_480 : i32 to index
          %parallel_loop3A_482 = arith.index_cast %parallel_loop3A_389 : i32 to index
          %parallel_loop3A_483 = tpu.vector_load %arg6[%parallel_loop3A_481, %parallel_loop3A_482] {strides = array<i32>} : memref<25x512xf32, #tpu.memory_space<vmem>>, vector<1x16xf32>,
          %parallel_loop3A_484 = vector.shape_cast %parallel_loop3A_483 : vector<1x16xf32> to vector<16xf32>
          %parallel_loop3A_485 = arith.constant 19 : i32
          %parallel_loop3A_486 = arith.index_cast %parallel_loop3A_485 : i32 to index
          %parallel_loop3A_487 = arith.index_cast %parallel_loop3A_389 : i32 to index
          %parallel_loop3A_488 = tpu.vector_load %arg6[%parallel_loop3A_486, %parallel_loop3A_487] {strides = array<i32>} : memref<25x512xf32, #tpu.memory_space<vmem>>, vector<1x16xf32>,
          %parallel_loop3A_489 = vector.shape_cast %parallel_loop3A_488 : vector<1x16xf32> to vector<16xf32>
          %parallel_loop3A_490 = arith.constant 20 : i32
          %parallel_loop3A_491 = arith.index_cast %parallel_loop3A_490 : i32 to index
          %parallel_loop3A_492 = arith.index_cast %parallel_loop3A_389 : i32 to index
          %parallel_loop3A_493 = tpu.vector_load %arg6[%parallel_loop3A_491, %parallel_loop3A_492] {strides = array<i32>} : memref<25x512xf32, #tpu.memory_space<vmem>>, vector<1x16xf32>,
          %parallel_loop3A_494 = vector.shape_cast %parallel_loop3A_493 : vector<1x16xf32> to vector<16xf32>
          %parallel_loop3A_495 = arith.constant 21 : i32
          %parallel_loop3A_496 = arith.index_cast %parallel_loop3A_495 : i32 to index
          %parallel_loop3A_497 = arith.index_cast %parallel_loop3A_389 : i32 to index
          %parallel_loop3A_498 = tpu.vector_load %arg6[%parallel_loop3A_496, %parallel_loop3A_497] {strides = array<i32>} : memref<25x512xf32, #tpu.memory_space<vmem>>, vector<1x16xf32>,
          %parallel_loop3A_499 = vector.shape_cast %parallel_loop3A_498 : vector<1x16xf32> to vector<16xf32>
          %parallel_loop3A_500 = arith.constant 22 : i32
          %parallel_loop3A_501 = arith.index_cast %parallel_loop3A_500 : i32 to index
          %parallel_loop3A_502 = arith.index_cast %parallel_loop3A_389 : i32 to index
          %parallel_loop3A_503 = tpu.vector_load %arg6[%parallel_loop3A_501, %parallel_loop3A_502] {strides = array<i32>} : memref<25x512xf32, #tpu.memory_space<vmem>>, vector<1x16xf32>,
          %parallel_loop3A_504 = vector.shape_cast %parallel_loop3A_503 : vector<1x16xf32> to vector<16xf32>
          %parallel_loop3A_505 = arith.constant 23 : i32
          %parallel_loop3A_506 = arith.index_cast %parallel_loop3A_505 : i32 to index
          %parallel_loop3A_507 = arith.index_cast %parallel_loop3A_389 : i32 to index
          %parallel_loop3A_508 = tpu.vector_load %arg6[%parallel_loop3A_506, %parallel_loop3A_507] {strides = array<i32>} : memref<25x512xf32, #tpu.memory_space<vmem>>, vector<1x16xf32>,
          %parallel_loop3A_509 = vector.shape_cast %parallel_loop3A_508 : vector<1x16xf32> to vector<16xf32>
          %parallel_loop3A_510 = arith.constant 24 : i32
          %parallel_loop3A_511 = arith.index_cast %parallel_loop3A_510 : i32 to index
          %parallel_loop3A_512 = arith.index_cast %parallel_loop3A_389 : i32 to index
          %parallel_loop3A_513 = tpu.vector_load %arg6[%parallel_loop3A_511, %parallel_loop3A_512] {strides = array<i32>} : memref<25x512xf32, #tpu.memory_space<vmem>>, vector<1x16xf32>,
          %parallel_loop3A_514 = vector.shape_cast %parallel_loop3A_513 : vector<1x16xf32> to vector<16xf32>
          %parallel_loop3A_515 = arith.subf %parallel_loop3A_394, %parallel_loop3A_399 : vector<16xf32>
          %parallel_loop3A_516 = arith.constant 0 : i32
          %parallel_loop3A_517 = arith.index_cast %parallel_loop3A_516 : i32 to index
          %parallel_loop3A_518 = arith.index_cast %parallel_loop3A_389 : i32 to index
          %parallel_loop3A_519 = tpu.vector_load %arg9[%parallel_loop3A_517, %parallel_loop3A_518] {strides = array<i32>} : memref<25x512xf32, #tpu.memory_space<vmem>>, vector<1x16xf32>,
          %parallel_loop3A_520 = vector.shape_cast %parallel_loop3A_519 : vector<1x16xf32> to vector<16xf32>
          %parallel_loop3A_521 = vector.shape_cast %parallel_loop3A_515 : vector<16xf32> to vector<1x16xf32>
          tpu.vector_store %arg9[%parallel_loop3A_517, %parallel_loop3A_518], %parallel_loop3A_521 {strides = array<i32>} : memref<25x512xf32, #tpu.memory_space<vmem>>, vector<1x16xf32>,
          %parallel_loop3A_522 = arith.subf %parallel_loop3A_399, %parallel_loop3A_494 : vector<16xf32>
          %parallel_loop3A_523 = arith.constant 1 : i32
          %parallel_loop3A_524 = arith.index_cast %parallel_loop3A_523 : i32 to index
          %parallel_loop3A_525 = arith.index_cast %parallel_loop3A_389 : i32 to index
          %parallel_loop3A_526 = tpu.vector_load %arg9[%parallel_loop3A_524, %parallel_loop3A_525] {strides = array<i32>} : memref<25x512xf32, #tpu.memory_space<vmem>>, vector<1x16xf32>,
          %parallel_loop3A_527 = vector.shape_cast %parallel_loop3A_526 : vector<1x16xf32> to vector<16xf32>
          %parallel_loop3A_528 = vector.shape_cast %parallel_loop3A_522 : vector<16xf32> to vector<1x16xf32>
          tpu.vector_store %arg9[%parallel_loop3A_524, %parallel_loop3A_525], %parallel_loop3A_528 {strides = array<i32>} : memref<25x512xf32, #tpu.memory_space<vmem>>, vector<1x16xf32>,
          %parallel_loop3A_529 = arith.subf %parallel_loop3A_404, %parallel_loop3A_494 : vector<16xf32>
          %parallel_loop3A_530 = arith.constant 2 : i32
          %parallel_loop3A_531 = arith.index_cast %parallel_loop3A_530 : i32 to index
          %parallel_loop3A_532 = arith.index_cast %parallel_loop3A_389 : i32 to index
          %parallel_loop3A_533 = tpu.vector_load %arg9[%parallel_loop3A_531, %parallel_loop3A_532] {strides = array<i32>} : memref<25x512xf32, #tpu.memory_space<vmem>>, vector<1x16xf32>,
          %parallel_loop3A_534 = vector.shape_cast %parallel_loop3A_533 : vector<1x16xf32> to vector<16xf32>
          %parallel_loop3A_535 = vector.shape_cast %parallel_loop3A_529 : vector<16xf32> to vector<1x16xf32>
          tpu.vector_store %arg9[%parallel_loop3A_531, %parallel_loop3A_532], %parallel_loop3A_535 {strides = array<i32>} : memref<25x512xf32, #tpu.memory_space<vmem>>, vector<1x16xf32>,
          %parallel_loop3A_536 = arith.subf %parallel_loop3A_409, %parallel_loop3A_404 : vector<16xf32>
          %parallel_loop3A_537 = arith.constant 3 : i32
          %parallel_loop3A_538 = arith.index_cast %parallel_loop3A_537 : i32 to index
          %parallel_loop3A_539 = arith.index_cast %parallel_loop3A_389 : i32 to index
          %parallel_loop3A_540 = tpu.vector_load %arg9[%parallel_loop3A_538, %parallel_loop3A_539] {strides = array<i32>} : memref<25x512xf32, #tpu.memory_space<vmem>>, vector<1x16xf32>,
          %parallel_loop3A_541 = vector.shape_cast %parallel_loop3A_540 : vector<1x16xf32> to vector<16xf32>
          %parallel_loop3A_542 = vector.shape_cast %parallel_loop3A_536 : vector<16xf32> to vector<1x16xf32>
          tpu.vector_store %arg9[%parallel_loop3A_538, %parallel_loop3A_539], %parallel_loop3A_542 {strides = array<i32>} : memref<25x512xf32, #tpu.memory_space<vmem>>, vector<1x16xf32>,
          %parallel_loop3A_543 = arith.subf %parallel_loop3A_414, %parallel_loop3A_494 : vector<16xf32>
          %parallel_loop3A_544 = arith.constant 4 : i32
          %parallel_loop3A_545 = arith.index_cast %parallel_loop3A_544 : i32 to index
          %parallel_loop3A_546 = arith.index_cast %parallel_loop3A_389 : i32 to index
          %parallel_loop3A_547 = tpu.vector_load %arg9[%parallel_loop3A_545, %parallel_loop3A_546] {strides = array<i32>} : memref<25x512xf32, #tpu.memory_space<vmem>>, vector<1x16xf32>,
          %parallel_loop3A_548 = vector.shape_cast %parallel_loop3A_547 : vector<1x16xf32> to vector<16xf32>
          %parallel_loop3A_549 = vector.shape_cast %parallel_loop3A_543 : vector<16xf32> to vector<1x16xf32>
          tpu.vector_store %arg9[%parallel_loop3A_545, %parallel_loop3A_546], %parallel_loop3A_549 {strides = array<i32>} : memref<25x512xf32, #tpu.memory_space<vmem>>, vector<1x16xf32>,
          %parallel_loop3A_550 = arith.subf %parallel_loop3A_419, %parallel_loop3A_414 : vector<16xf32>
          %parallel_loop3A_551 = arith.constant 5 : i32
          %parallel_loop3A_552 = arith.index_cast %parallel_loop3A_551 : i32 to index
          %parallel_loop3A_553 = arith.index_cast %parallel_loop3A_389 : i32 to index
          %parallel_loop3A_554 = tpu.vector_load %arg9[%parallel_loop3A_552, %parallel_loop3A_553] {strides = array<i32>} : memref<25x512xf32, #tpu.memory_space<vmem>>, vector<1x16xf32>,
          %parallel_loop3A_555 = vector.shape_cast %parallel_loop3A_554 : vector<1x16xf32> to vector<16xf32>
          %parallel_loop3A_556 = vector.shape_cast %parallel_loop3A_550 : vector<16xf32> to vector<1x16xf32>
          tpu.vector_store %arg9[%parallel_loop3A_552, %parallel_loop3A_553], %parallel_loop3A_556 {strides = array<i32>} : memref<25x512xf32, #tpu.memory_space<vmem>>, vector<1x16xf32>,
          %parallel_loop3A_557 = arith.subf %parallel_loop3A_424, %parallel_loop3A_419 : vector<16xf32>
          %parallel_loop3A_558 = arith.constant 6 : i32
          %parallel_loop3A_559 = arith.index_cast %parallel_loop3A_558 : i32 to index
          %parallel_loop3A_560 = arith.index_cast %parallel_loop3A_389 : i32 to index
          %parallel_loop3A_561 = tpu.vector_load %arg9[%parallel_loop3A_559, %parallel_loop3A_560] {strides = array<i32>} : memref<25x512xf32, #tpu.memory_space<vmem>>, vector<1x16xf32>,
          %parallel_loop3A_562 = vector.shape_cast %parallel_loop3A_561 : vector<1x16xf32> to vector<16xf32>
          %parallel_loop3A_563 = vector.shape_cast %parallel_loop3A_557 : vector<16xf32> to vector<1x16xf32>
          tpu.vector_store %arg9[%parallel_loop3A_559, %parallel_loop3A_560], %parallel_loop3A_563 {strides = array<i32>} : memref<25x512xf32, #tpu.memory_space<vmem>>, vector<1x16xf32>,
          %parallel_loop3A_564 = arith.subf %parallel_loop3A_429, %parallel_loop3A_424 : vector<16xf32>
          %parallel_loop3A_565 = arith.constant 7 : i32
          %parallel_loop3A_566 = arith.index_cast %parallel_loop3A_565 : i32 to index
          %parallel_loop3A_567 = arith.index_cast %parallel_loop3A_389 : i32 to index
          %parallel_loop3A_568 = tpu.vector_load %arg9[%parallel_loop3A_566, %parallel_loop3A_567] {strides = array<i32>} : memref<25x512xf32, #tpu.memory_space<vmem>>, vector<1x16xf32>,
          %parallel_loop3A_569 = vector.shape_cast %parallel_loop3A_568 : vector<1x16xf32> to vector<16xf32>
          %parallel_loop3A_570 = vector.shape_cast %parallel_loop3A_564 : vector<16xf32> to vector<1x16xf32>
          tpu.vector_store %arg9[%parallel_loop3A_566, %parallel_loop3A_567], %parallel_loop3A_570 {strides = array<i32>} : memref<25x512xf32, #tpu.memory_space<vmem>>, vector<1x16xf32>,
          %parallel_loop3A_571 = arith.subf %parallel_loop3A_434, %parallel_loop3A_494 : vector<16xf32>
          %parallel_loop3A_572 = arith.constant 8 : i32
          %parallel_loop3A_573 = arith.index_cast %parallel_loop3A_572 : i32 to index
          %parallel_loop3A_574 = arith.index_cast %parallel_loop3A_389 : i32 to index
          %parallel_loop3A_575 = tpu.vector_load %arg9[%parallel_loop3A_573, %parallel_loop3A_574] {strides = array<i32>} : memref<25x512xf32, #tpu.memory_space<vmem>>, vector<1x16xf32>,
          %parallel_loop3A_576 = vector.shape_cast %parallel_loop3A_575 : vector<1x16xf32> to vector<16xf32>
          %parallel_loop3A_577 = vector.shape_cast %parallel_loop3A_571 : vector<16xf32> to vector<1x16xf32>
          tpu.vector_store %arg9[%parallel_loop3A_573, %parallel_loop3A_574], %parallel_loop3A_577 {strides = array<i32>} : memref<25x512xf32, #tpu.memory_space<vmem>>, vector<1x16xf32>,
          %parallel_loop3A_578 = arith.subf %parallel_loop3A_439, %parallel_loop3A_434 : vector<16xf32>
          %parallel_loop3A_579 = arith.constant 9 : i32
          %parallel_loop3A_580 = arith.index_cast %parallel_loop3A_579 : i32 to index
          %parallel_loop3A_581 = arith.index_cast %parallel_loop3A_389 : i32 to index
          %parallel_loop3A_582 = tpu.vector_load %arg9[%parallel_loop3A_580, %parallel_loop3A_581] {strides = array<i32>} : memref<25x512xf32, #tpu.memory_space<vmem>>, vector<1x16xf32>,
          %parallel_loop3A_583 = vector.shape_cast %parallel_loop3A_582 : vector<1x16xf32> to vector<16xf32>
          %parallel_loop3A_584 = vector.shape_cast %parallel_loop3A_578 : vector<16xf32> to vector<1x16xf32>
          tpu.vector_store %arg9[%parallel_loop3A_580, %parallel_loop3A_581], %parallel_loop3A_584 {strides = array<i32>} : memref<25x512xf32, #tpu.memory_space<vmem>>, vector<1x16xf32>,
          %parallel_loop3A_585 = arith.subf %parallel_loop3A_444, %parallel_loop3A_439 : vector<16xf32>
          %parallel_loop3A_586 = arith.constant 10 : i32
          %parallel_loop3A_587 = arith.index_cast %parallel_loop3A_586 : i32 to index
          %parallel_loop3A_588 = arith.index_cast %parallel_loop3A_389 : i32 to index
          %parallel_loop3A_589 = tpu.vector_load %arg9[%parallel_loop3A_587, %parallel_loop3A_588] {strides = array<i32>} : memref<25x512xf32, #tpu.memory_space<vmem>>, vector<1x16xf32>,
          %parallel_loop3A_590 = vector.shape_cast %parallel_loop3A_589 : vector<1x16xf32> to vector<16xf32>
          %parallel_loop3A_591 = vector.shape_cast %parallel_loop3A_585 : vector<16xf32> to vector<1x16xf32>
          tpu.vector_store %arg9[%parallel_loop3A_587, %parallel_loop3A_588], %parallel_loop3A_591 {strides = array<i32>} : memref<25x512xf32, #tpu.memory_space<vmem>>, vector<1x16xf32>,
          %parallel_loop3A_592 = arith.subf %parallel_loop3A_449, %parallel_loop3A_444 : vector<16xf32>
          %parallel_loop3A_593 = arith.constant 11 : i32
          %parallel_loop3A_594 = arith.index_cast %parallel_loop3A_593 : i32 to index
          %parallel_loop3A_595 = arith.index_cast %parallel_loop3A_389 : i32 to index
          %parallel_loop3A_596 = tpu.vector_load %arg9[%parallel_loop3A_594, %parallel_loop3A_595] {strides = array<i32>} : memref<25x512xf32, #tpu.memory_space<vmem>>, vector<1x16xf32>,
          %parallel_loop3A_597 = vector.shape_cast %parallel_loop3A_596 : vector<1x16xf32> to vector<16xf32>
          %parallel_loop3A_598 = vector.shape_cast %parallel_loop3A_592 : vector<16xf32> to vector<1x16xf32>
          tpu.vector_store %arg9[%parallel_loop3A_594, %parallel_loop3A_595], %parallel_loop3A_598 {strides = array<i32>} : memref<25x512xf32, #tpu.memory_space<vmem>>, vector<1x16xf32>,
          %parallel_loop3A_599 = arith.subf %parallel_loop3A_454, %parallel_loop3A_394 : vector<16xf32>
          %parallel_loop3A_600 = arith.constant 12 : i32
          %parallel_loop3A_601 = arith.index_cast %parallel_loop3A_600 : i32 to index
          %parallel_loop3A_602 = arith.index_cast %parallel_loop3A_389 : i32 to index
          %parallel_loop3A_603 = tpu.vector_load %arg9[%parallel_loop3A_601, %parallel_loop3A_602] {strides = array<i32>} : memref<25x512xf32, #tpu.memory_space<vmem>>, vector<1x16xf32>,
          %parallel_loop3A_604 = vector.shape_cast %parallel_loop3A_603 : vector<1x16xf32> to vector<16xf32>
          %parallel_loop3A_605 = vector.shape_cast %parallel_loop3A_599 : vector<16xf32> to vector<1x16xf32>
          tpu.vector_store %arg9[%parallel_loop3A_601, %parallel_loop3A_602], %parallel_loop3A_605 {strides = array<i32>} : memref<25x512xf32, #tpu.memory_space<vmem>>, vector<1x16xf32>,
          %parallel_loop3A_606 = arith.subf %parallel_loop3A_459, %parallel_loop3A_454 : vector<16xf32>
          %parallel_loop3A_607 = arith.constant 13 : i32
          %parallel_loop3A_608 = arith.index_cast %parallel_loop3A_607 : i32 to index
          %parallel_loop3A_609 = arith.index_cast %parallel_loop3A_389 : i32 to index
          %parallel_loop3A_610 = tpu.vector_load %arg9[%parallel_loop3A_608, %parallel_loop3A_609] {strides = array<i32>} : memref<25x512xf32, #tpu.memory_space<vmem>>, vector<1x16xf32>,
          %parallel_loop3A_611 = vector.shape_cast %parallel_loop3A_610 : vector<1x16xf32> to vector<16xf32>
          %parallel_loop3A_612 = vector.shape_cast %parallel_loop3A_606 : vector<16xf32> to vector<1x16xf32>
          tpu.vector_store %arg9[%parallel_loop3A_608, %parallel_loop3A_609], %parallel_loop3A_612 {strides = array<i32>} : memref<25x512xf32, #tpu.memory_space<vmem>>, vector<1x16xf32>,
          %parallel_loop3A_613 = arith.subf %parallel_loop3A_464, %parallel_loop3A_459 : vector<16xf32>
          %parallel_loop3A_614 = arith.constant 14 : i32
          %parallel_loop3A_615 = arith.index_cast %parallel_loop3A_614 : i32 to index
          %parallel_loop3A_616 = arith.index_cast %parallel_loop3A_389 : i32 to index
          %parallel_loop3A_617 = tpu.vector_load %arg9[%parallel_loop3A_615, %parallel_loop3A_616] {strides = array<i32>} : memref<25x512xf32, #tpu.memory_space<vmem>>, vector<1x16xf32>,
          %parallel_loop3A_618 = vector.shape_cast %parallel_loop3A_617 : vector<1x16xf32> to vector<16xf32>
          %parallel_loop3A_619 = vector.shape_cast %parallel_loop3A_613 : vector<16xf32> to vector<1x16xf32>
          tpu.vector_store %arg9[%parallel_loop3A_615, %parallel_loop3A_616], %parallel_loop3A_619 {strides = array<i32>} : memref<25x512xf32, #tpu.memory_space<vmem>>, vector<1x16xf32>,
          %parallel_loop3A_620 = arith.subf %parallel_loop3A_469, %parallel_loop3A_464 : vector<16xf32>
          %parallel_loop3A_621 = arith.constant 15 : i32
          %parallel_loop3A_622 = arith.index_cast %parallel_loop3A_621 : i32 to index
          %parallel_loop3A_623 = arith.index_cast %parallel_loop3A_389 : i32 to index
          %parallel_loop3A_624 = tpu.vector_load %arg9[%parallel_loop3A_622, %parallel_loop3A_623] {strides = array<i32>} : memref<25x512xf32, #tpu.memory_space<vmem>>, vector<1x16xf32>,
          %parallel_loop3A_625 = vector.shape_cast %parallel_loop3A_624 : vector<1x16xf32> to vector<16xf32>
          %parallel_loop3A_626 = vector.shape_cast %parallel_loop3A_620 : vector<16xf32> to vector<1x16xf32>
          tpu.vector_store %arg9[%parallel_loop3A_622, %parallel_loop3A_623], %parallel_loop3A_626 {strides = array<i32>} : memref<25x512xf32, #tpu.memory_space<vmem>>, vector<1x16xf32>,
          %parallel_loop3A_627 = arith.subf %parallel_loop3A_474, %parallel_loop3A_394 : vector<16xf32>
          %parallel_loop3A_628 = arith.constant 16 : i32
          %parallel_loop3A_629 = arith.index_cast %parallel_loop3A_628 : i32 to index
          %parallel_loop3A_630 = arith.index_cast %parallel_loop3A_389 : i32 to index
          %parallel_loop3A_631 = tpu.vector_load %arg9[%parallel_loop3A_629, %parallel_loop3A_630] {strides = array<i32>} : memref<25x512xf32, #tpu.memory_space<vmem>>, vector<1x16xf32>,
          %parallel_loop3A_632 = vector.shape_cast %parallel_loop3A_631 : vector<1x16xf32> to vector<16xf32>
          %parallel_loop3A_633 = vector.shape_cast %parallel_loop3A_627 : vector<16xf32> to vector<1x16xf32>
          tpu.vector_store %arg9[%parallel_loop3A_629, %parallel_loop3A_630], %parallel_loop3A_633 {strides = array<i32>} : memref<25x512xf32, #tpu.memory_space<vmem>>, vector<1x16xf32>,
          %parallel_loop3A_634 = arith.subf %parallel_loop3A_479, %parallel_loop3A_474 : vector<16xf32>
          %parallel_loop3A_635 = arith.constant 17 : i32
          %parallel_loop3A_636 = arith.index_cast %parallel_loop3A_635 : i32 to index
          %parallel_loop3A_637 = arith.index_cast %parallel_loop3A_389 : i32 to index
          %parallel_loop3A_638 = tpu.vector_load %arg9[%parallel_loop3A_636, %parallel_loop3A_637] {strides = array<i32>} : memref<25x512xf32, #tpu.memory_space<vmem>>, vector<1x16xf32>,
          %parallel_loop3A_639 = vector.shape_cast %parallel_loop3A_638 : vector<1x16xf32> to vector<16xf32>
          %parallel_loop3A_640 = vector.shape_cast %parallel_loop3A_634 : vector<16xf32> to vector<1x16xf32>
          tpu.vector_store %arg9[%parallel_loop3A_636, %parallel_loop3A_637], %parallel_loop3A_640 {strides = array<i32>} : memref<25x512xf32, #tpu.memory_space<vmem>>, vector<1x16xf32>,
          %parallel_loop3A_641 = arith.subf %parallel_loop3A_484, %parallel_loop3A_479 : vector<16xf32>
          %parallel_loop3A_642 = arith.constant 18 : i32
          %parallel_loop3A_643 = arith.index_cast %parallel_loop3A_642 : i32 to index
          %parallel_loop3A_644 = arith.index_cast %parallel_loop3A_389 : i32 to index
          %parallel_loop3A_645 = tpu.vector_load %arg9[%parallel_loop3A_643, %parallel_loop3A_644] {strides = array<i32>} : memref<25x512xf32, #tpu.memory_space<vmem>>, vector<1x16xf32>,
          %parallel_loop3A_646 = vector.shape_cast %parallel_loop3A_645 : vector<1x16xf32> to vector<16xf32>
          %parallel_loop3A_647 = vector.shape_cast %parallel_loop3A_641 : vector<16xf32> to vector<1x16xf32>
          tpu.vector_store %arg9[%parallel_loop3A_643, %parallel_loop3A_644], %parallel_loop3A_647 {strides = array<i32>} : memref<25x512xf32, #tpu.memory_space<vmem>>, vector<1x16xf32>,
          %parallel_loop3A_648 = arith.subf %parallel_loop3A_489, %parallel_loop3A_484 : vector<16xf32>
          %parallel_loop3A_649 = arith.constant 19 : i32
          %parallel_loop3A_650 = arith.index_cast %parallel_loop3A_649 : i32 to index
          %parallel_loop3A_651 = arith.index_cast %parallel_loop3A_389 : i32 to index
          %parallel_loop3A_652 = tpu.vector_load %arg9[%parallel_loop3A_650, %parallel_loop3A_651] {strides = array<i32>} : memref<25x512xf32, #tpu.memory_space<vmem>>, vector<1x16xf32>,
          %parallel_loop3A_653 = vector.shape_cast %parallel_loop3A_652 : vector<1x16xf32> to vector<16xf32>
          %parallel_loop3A_654 = vector.shape_cast %parallel_loop3A_648 : vector<16xf32> to vector<1x16xf32>
          tpu.vector_store %arg9[%parallel_loop3A_650, %parallel_loop3A_651], %parallel_loop3A_654 {strides = array<i32>} : memref<25x512xf32, #tpu.memory_space<vmem>>, vector<1x16xf32>,
          %parallel_loop3A_655 = arith.subf %parallel_loop3A_494, %parallel_loop3A_494 : vector<16xf32>
          %parallel_loop3A_656 = arith.constant 20 : i32
          %parallel_loop3A_657 = arith.index_cast %parallel_loop3A_656 : i32 to index
          %parallel_loop3A_658 = arith.index_cast %parallel_loop3A_389 : i32 to index
          %parallel_loop3A_659 = tpu.vector_load %arg9[%parallel_loop3A_657, %parallel_loop3A_658] {strides = array<i32>} : memref<25x512xf32, #tpu.memory_space<vmem>>, vector<1x16xf32>,
          %parallel_loop3A_660 = vector.shape_cast %parallel_loop3A_659 : vector<1x16xf32> to vector<16xf32>
          %parallel_loop3A_661 = vector.shape_cast %parallel_loop3A_655 : vector<16xf32> to vector<1x16xf32>
          tpu.vector_store %arg9[%parallel_loop3A_657, %parallel_loop3A_658], %parallel_loop3A_661 {strides = array<i32>} : memref<25x512xf32, #tpu.memory_space<vmem>>, vector<1x16xf32>,
          %parallel_loop3A_662 = arith.subf %parallel_loop3A_499, %parallel_loop3A_504 : vector<16xf32>
          %parallel_loop3A_663 = arith.constant 21 : i32
          %parallel_loop3A_664 = arith.index_cast %parallel_loop3A_663 : i32 to index
          %parallel_loop3A_665 = arith.index_cast %parallel_loop3A_389 : i32 to index
          %parallel_loop3A_666 = tpu.vector_load %arg9[%parallel_loop3A_664, %parallel_loop3A_665] {strides = array<i32>} : memref<25x512xf32, #tpu.memory_space<vmem>>, vector<1x16xf32>,
          %parallel_loop3A_667 = vector.shape_cast %parallel_loop3A_666 : vector<1x16xf32> to vector<16xf32>
          %parallel_loop3A_668 = vector.shape_cast %parallel_loop3A_662 : vector<16xf32> to vector<1x16xf32>
          tpu.vector_store %arg9[%parallel_loop3A_664, %parallel_loop3A_665], %parallel_loop3A_668 {strides = array<i32>} : memref<25x512xf32, #tpu.memory_space<vmem>>, vector<1x16xf32>,
          %parallel_loop3A_669 = arith.subf %parallel_loop3A_504, %parallel_loop3A_429 : vector<16xf32>
          %parallel_loop3A_670 = arith.constant 22 : i32
          %parallel_loop3A_671 = arith.index_cast %parallel_loop3A_670 : i32 to index
          %parallel_loop3A_672 = arith.index_cast %parallel_loop3A_389 : i32 to index
          %parallel_loop3A_673 = tpu.vector_load %arg9[%parallel_loop3A_671, %parallel_loop3A_672] {strides = array<i32>} : memref<25x512xf32, #tpu.memory_space<vmem>>, vector<1x16xf32>,
          %parallel_loop3A_674 = vector.shape_cast %parallel_loop3A_673 : vector<1x16xf32> to vector<16xf32>
          %parallel_loop3A_675 = vector.shape_cast %parallel_loop3A_669 : vector<16xf32> to vector<1x16xf32>
          tpu.vector_store %arg9[%parallel_loop3A_671, %parallel_loop3A_672], %parallel_loop3A_675 {strides = array<i32>} : memref<25x512xf32, #tpu.memory_space<vmem>>, vector<1x16xf32>,
          %parallel_loop3A_676 = arith.subf %parallel_loop3A_509, %parallel_loop3A_514 : vector<16xf32>
          %parallel_loop3A_677 = arith.constant 23 : i32
          %parallel_loop3A_678 = arith.index_cast %parallel_loop3A_677 : i32 to index
          %parallel_loop3A_679 = arith.index_cast %parallel_loop3A_389 : i32 to index
          %parallel_loop3A_680 = tpu.vector_load %arg9[%parallel_loop3A_678, %parallel_loop3A_679] {strides = array<i32>} : memref<25x512xf32, #tpu.memory_space<vmem>>, vector<1x16xf32>,
          %parallel_loop3A_681 = vector.shape_cast %parallel_loop3A_680 : vector<1x16xf32> to vector<16xf32>
          %parallel_loop3A_682 = vector.shape_cast %parallel_loop3A_676 : vector<16xf32> to vector<1x16xf32>
          tpu.vector_store %arg9[%parallel_loop3A_678, %parallel_loop3A_679], %parallel_loop3A_682 {strides = array<i32>} : memref<25x512xf32, #tpu.memory_space<vmem>>, vector<1x16xf32>,
          %parallel_loop3A_683 = arith.subf %parallel_loop3A_514, %parallel_loop3A_449 : vector<16xf32>
          %parallel_loop3A_684 = arith.constant 24 : i32
          %parallel_loop3A_685 = arith.index_cast %parallel_loop3A_684 : i32 to index
          %parallel_loop3A_686 = arith.index_cast %parallel_loop3A_389 : i32 to index
          %parallel_loop3A_687 = tpu.vector_load %arg9[%parallel_loop3A_685, %parallel_loop3A_686] {strides = array<i32>} : memref<25x512xf32, #tpu.memory_space<vmem>>, vector<1x16xf32>,
          %parallel_loop3A_688 = vector.shape_cast %parallel_loop3A_687 : vector<1x16xf32> to vector<16xf32>
          %parallel_loop3A_689 = vector.shape_cast %parallel_loop3A_683 : vector<16xf32> to vector<1x16xf32>
          tpu.vector_store %arg9[%parallel_loop3A_685, %parallel_loop3A_686], %parallel_loop3A_689 {strides = array<i32>} : memref<25x512xf32, #tpu.memory_space<vmem>>, vector<1x16xf32>,
        } {sc.loop_unroll_factor = 1 : i64, sc.parallel_access}
        %add3A_337 = arith.addi %add3A_4, %add3A_313 : i32
        %jit3A_338 = arith.constant 300 : i32
        %div3A_339 = arith.divsi %add3A_337, %jit3A_338 : i32
        %sign3A_340 = arith.constant 0 : i32
        %sign3A_341 = arith.cmpi sgt, %add3A_337, %sign3A_340 : i32
        %sign3A_342 = arith.extui %sign3A_341 : i1 to i32
        %sign3A_343 = arith.constant 0 : i32
        %sign3A_344 = arith.cmpi slt, %add3A_337, %sign3A_343 : i32
        %sign3A_345 = arith.extui %sign3A_344 : i1 to i32
        %sign3A_346 = arith.subi %sign3A_342, %sign3A_345 : i32
        %sign3A_347 = arith.constant 0 : i32
        %sign3A_348 = arith.cmpi sgt, %jit3A_338, %sign3A_347 : i32
        %sign3A_349 = arith.extui %sign3A_348 : i1 to i32
        %sign3A_350 = arith.constant 0 : i32
        %sign3A_351 = arith.cmpi slt, %jit3A_338, %sign3A_350 : i32
        %sign3A_352 = arith.extui %sign3A_351 : i1 to i32
        %sign3A_353 = arith.subi %sign3A_349, %sign3A_352 : i32
        %ne3A_354 = arith.cmpi ne, %sign3A_346, %sign3A_353 : i32
        %rem3A_355 = arith.remsi %add3A_337, %jit3A_338 : i32
        %ne3A_356 = arith.constant 0 : i32
        %ne3A_357 = arith.cmpi ne, %rem3A_355, %ne3A_356 : i32
        %and3A_358 = arith.andi %ne3A_354, %ne3A_357 : i1
        %sub3A_359 = arith.constant 1 : i32
        %sub3A_360 = arith.subi %div3A_339, %sub3A_359 : i32
        %select_n3A_361 = arith.select %and3A_358, %sub3A_360, %div3A_339 : i32
        %jit3A_362 = arith.constant 300 : i32
        %eq3A_363 = arith.constant 0 : i32
        %eq3A_364 = arith.cmpi eq, %jit3A_362, %eq3A_363 : i32
        %jit3A_365 = arith.constant 1 : i32
        %select_n3A_366 = arith.select %eq3A_364, %jit3A_365, %jit3A_362 : i32
        %rem3A_367 = arith.remsi %add3A_337, %select_n3A_366 : i32
        %ne3A_368 = arith.constant 0 : i32
        %ne3A_369 = arith.cmpi ne, %rem3A_367, %ne3A_368 : i32
        %lt3A_370 = arith.constant 0 : i32
        %lt3A_371 = arith.cmpi slt, %rem3A_367, %lt3A_370 : i32
        %lt3A_372 = arith.constant 0 : i32
        %lt3A_373 = arith.cmpi slt, %select_n3A_366, %lt3A_372 : i32
        %ne3A_374 = arith.xori %lt3A_371, %lt3A_373 : i1
        %and3A_375 = arith.andi %ne3A_374, %ne3A_369 : i1
        %add3A_376 = arith.addi %rem3A_367, %select_n3A_366 : i32
        %select_n3A_377 = arith.select %and3A_375, %add3A_376, %rem3A_367 : i32
        %dma_start3A_378 = arith.constant 0 : i32
        %dma_start3A_379 = arith.constant 0 : i32
        %dma_start3A_380 = tpu.memref_slice %arg3[%select_n3A_361, %dma_start3A_378, %select_n3A_377, %dma_start3A_379] : memref<3x25x300x512xf32, #tpu.memory_space<hbm>> -> memref<1x25x1x512xf32, #tpu.memory_space<hbm>>
        %dma_start3A_381 = tpu.memref_squeeze %dma_start3A_380 : memref<1x25x1x512xf32, #tpu.memory_space<hbm>> -> memref<25x512xf32, #tpu.memory_space<hbm>>
        %dma_start3A_382 = arith.constant 0 : i32
        %dma_start3A_383 = arith.constant 0 : i32
        %dma_start3A_384 = tpu.memref_slice %arg3[%select_n3A_361, %dma_start3A_382, %select_n3A_377, %dma_start3A_383] : memref<3x25x300x512xf32, #tpu.memory_space<hbm>> -> memref<1x25x1x512xf32, #tpu.memory_space<hbm>>
        %dma_start3A_385 = tpu.memref_squeeze %dma_start3A_384 : memref<1x25x1x512xf32, #tpu.memory_space<hbm>> -> memref<25x512xf32, #tpu.memory_space<hbm>>
        tpu.enqueue_dma source(%arg9 : memref<25x512xf32, #tpu.memory_space<vmem>>) target(%dma_start3A_385 : memref<25x512xf32, #tpu.memory_space<hbm>>) target_semaphore(%arg15 : memref<!tpu.dma_semaphore, #tpu.memory_space<semaphore_mem>>)
      } else {
      }
    }
    %scan3A_102 = arith.constant 11 : i32
    %sub3A_103 = arith.constant 3 : i32
    %sub3A_104 = arith.subi %add3A_7, %sub3A_103 : i32
    %add3A_105 = arith.constant 0 : i32
    %add3A_106 = arith.addi %sub3A_104, %add3A_105 : i32
    %add3A_107 = arith.addi %add3A_4, %add3A_106 : i32
    %jit3A_108 = arith.constant 300 : i32
    %div3A_109 = arith.divsi %add3A_107, %jit3A_108 : i32
    %sign3A_110 = arith.constant 0 : i32
    %sign3A_111 = arith.cmpi sgt, %add3A_107, %sign3A_110 : i32
    %sign3A_112 = arith.extui %sign3A_111 : i1 to i32
    %sign3A_113 = arith.constant 0 : i32
    %sign3A_114 = arith.cmpi slt, %add3A_107, %sign3A_113 : i32
    %sign3A_115 = arith.extui %sign3A_114 : i1 to i32
    %sign3A_116 = arith.subi %sign3A_112, %sign3A_115 : i32
    %sign3A_117 = arith.constant 0 : i32
    %sign3A_118 = arith.cmpi sgt, %jit3A_108, %sign3A_117 : i32
    %sign3A_119 = arith.extui %sign3A_118 : i1 to i32
    %sign3A_120 = arith.constant 0 : i32
    %sign3A_121 = arith.cmpi slt, %jit3A_108, %sign3A_120 : i32
    %sign3A_122 = arith.extui %sign3A_121 : i1 to i32
    %sign3A_123 = arith.subi %sign3A_119, %sign3A_122 : i32
    %ne3A_124 = arith.cmpi ne, %sign3A_116, %sign3A_123 : i32
    %rem3A_125 = arith.remsi %add3A_107, %jit3A_108 : i32
    %ne3A_126 = arith.constant 0 : i32
    %ne3A_127 = arith.cmpi ne, %rem3A_125, %ne3A_126 : i32
    %and3A_128 = arith.andi %ne3A_124, %ne3A_127 : i1
    %sub3A_129 = arith.constant 1 : i32
    %sub3A_130 = arith.subi %div3A_109, %sub3A_129 : i32
    %select_n3A_131 = arith.select %and3A_128, %sub3A_130, %div3A_109 : i32
    %jit3A_132 = arith.constant 300 : i32
    %eq3A_133 = arith.constant 0 : i32
    %eq3A_134 = arith.cmpi eq, %jit3A_132, %eq3A_133 : i32
    %jit3A_135 = arith.constant 1 : i32
    %select_n3A_136 = arith.select %eq3A_134, %jit3A_135, %jit3A_132 : i32
    %rem3A_137 = arith.remsi %add3A_107, %select_n3A_136 : i32
    %ne3A_138 = arith.constant 0 : i32
    %ne3A_139 = arith.cmpi ne, %rem3A_137, %ne3A_138 : i32
    %lt3A_140 = arith.constant 0 : i32
    %lt3A_141 = arith.cmpi slt, %rem3A_137, %lt3A_140 : i32
    %lt3A_142 = arith.constant 0 : i32
    %lt3A_143 = arith.cmpi slt, %select_n3A_136, %lt3A_142 : i32
    %ne3A_144 = arith.xori %lt3A_141, %lt3A_143 : i1
    %and3A_145 = arith.andi %ne3A_144, %ne3A_139 : i1
    %add3A_146 = arith.addi %rem3A_137, %select_n3A_136 : i32
    %select_n3A_147 = arith.select %and3A_145, %add3A_146, %rem3A_137 : i32
    %dma_wait3A = arith.constant 0 : i32
    %dma_wait3A_148 = arith.constant 0 : i32
    %dma_wait3A_149 = tpu.memref_slice %arg3[%select_n3A_131, %dma_wait3A, %select_n3A_147, %dma_wait3A_148] : memref<3x25x300x512xf32, #tpu.memory_space<hbm>> -> memref<1x25x1x512xf32, #tpu.memory_space<hbm>>
    %dma_wait3A_150 = tpu.memref_squeeze %dma_wait3A_149 : memref<1x25x1x512xf32, #tpu.memory_space<hbm>> -> memref<25x512xf32, #tpu.memory_space<hbm>>
    %dma_wait3A_151 = arith.constant 0 : i32
    %dma_wait3A_152 = arith.constant 0 : i32
    %dma_wait3A_153 = tpu.memref_slice %arg3[%select_n3A_131, %dma_wait3A_151, %select_n3A_147, %dma_wait3A_152] : memref<3x25x300x512xf32, #tpu.memory_space<hbm>> -> memref<1x25x1x512xf32, #tpu.memory_space<hbm>>
    %dma_wait3A_154 = tpu.memref_squeeze %dma_wait3A_153 : memref<1x25x1x512xf32, #tpu.memory_space<hbm>> -> memref<25x512xf32, #tpu.memory_space<hbm>>
    tpu.wait_dma2 semaphore(%arg13 : memref<!tpu.dma_semaphore, #tpu.memory_space<semaphore_mem>>) src(%arg7 : memref<25x512xf32, #tpu.memory_space<vmem>>) dst(%dma_wait3A_154 : memref<25x512xf32, #tpu.memory_space<hbm>>)
    %sub3A_155 = arith.constant 3 : i32
    %sub3A_156 = arith.subi %add3A_7, %sub3A_155 : i32
    %add3A_157 = arith.constant 1 : i32
    %add3A_158 = arith.addi %sub3A_156, %add3A_157 : i32
    %add3A_159 = arith.addi %add3A_4, %add3A_158 : i32
    %jit3A_160 = arith.constant 300 : i32
    %div3A_161 = arith.divsi %add3A_159, %jit3A_160 : i32
    %sign3A_162 = arith.constant 0 : i32
    %sign3A_163 = arith.cmpi sgt, %add3A_159, %sign3A_162 : i32
    %sign3A_164 = arith.extui %sign3A_163 : i1 to i32
    %sign3A_165 = arith.constant 0 : i32
    %sign3A_166 = arith.cmpi slt, %add3A_159, %sign3A_165 : i32
    %sign3A_167 = arith.extui %sign3A_166 : i1 to i32
    %sign3A_168 = arith.subi %sign3A_164, %sign3A_167 : i32
    %sign3A_169 = arith.constant 0 : i32
    %sign3A_170 = arith.cmpi sgt, %jit3A_160, %sign3A_169 : i32
    %sign3A_171 = arith.extui %sign3A_170 : i1 to i32
    %sign3A_172 = arith.constant 0 : i32
    %sign3A_173 = arith.cmpi slt, %jit3A_160, %sign3A_172 : i32
    %sign3A_174 = arith.extui %sign3A_173 : i1 to i32
    %sign3A_175 = arith.subi %sign3A_171, %sign3A_174 : i32
    %ne3A_176 = arith.cmpi ne, %sign3A_168, %sign3A_175 : i32
    %rem3A_177 = arith.remsi %add3A_159, %jit3A_160 : i32
    %ne3A_178 = arith.constant 0 : i32
    %ne3A_179 = arith.cmpi ne, %rem3A_177, %ne3A_178 : i32
    %and3A_180 = arith.andi %ne3A_176, %ne3A_179 : i1
    %sub3A_181 = arith.constant 1 : i32
    %sub3A_182 = arith.subi %div3A_161, %sub3A_181 : i32
    %select_n3A_183 = arith.select %and3A_180, %sub3A_182, %div3A_161 : i32
    %jit3A_184 = arith.constant 300 : i32
    %eq3A_185 = arith.constant 0 : i32
    %eq3A_186 = arith.cmpi eq, %jit3A_184, %eq3A_185 : i32
    %jit3A_187 = arith.constant 1 : i32
    %select_n3A_188 = arith.select %eq3A_186, %jit3A_187, %jit3A_184 : i32
    %rem3A_189 = arith.remsi %add3A_159, %select_n3A_188 : i32
    %ne3A_190 = arith.constant 0 : i32
    %ne3A_191 = arith.cmpi ne, %rem3A_189, %ne3A_190 : i32
    %lt3A_192 = arith.constant 0 : i32
    %lt3A_193 = arith.cmpi slt, %rem3A_189, %lt3A_192 : i32
    %lt3A_194 = arith.constant 0 : i32
    %lt3A_195 = arith.cmpi slt, %select_n3A_188, %lt3A_194 : i32
    %ne3A_196 = arith.xori %lt3A_193, %lt3A_195 : i1
    %and3A_197 = arith.andi %ne3A_196, %ne3A_191 : i1
    %add3A_198 = arith.addi %rem3A_189, %select_n3A_188 : i32
    %select_n3A_199 = arith.select %and3A_197, %add3A_198, %rem3A_189 : i32
    %dma_wait3A_200 = arith.constant 0 : i32
    %dma_wait3A_201 = arith.constant 0 : i32
    %dma_wait3A_202 = tpu.memref_slice %arg3[%select_n3A_183, %dma_wait3A_200, %select_n3A_199, %dma_wait3A_201] : memref<3x25x300x512xf32, #tpu.memory_space<hbm>> -> memref<1x25x1x512xf32, #tpu.memory_space<hbm>>
    %dma_wait3A_203 = tpu.memref_squeeze %dma_wait3A_202 : memref<1x25x1x512xf32, #tpu.memory_space<hbm>> -> memref<25x512xf32, #tpu.memory_space<hbm>>
    %dma_wait3A_204 = arith.constant 0 : i32
    %dma_wait3A_205 = arith.constant 0 : i32
    %dma_wait3A_206 = tpu.memref_slice %arg3[%select_n3A_183, %dma_wait3A_204, %select_n3A_199, %dma_wait3A_205] : memref<3x25x300x512xf32, #tpu.memory_space<hbm>> -> memref<1x25x1x512xf32, #tpu.memory_space<hbm>>
    %dma_wait3A_207 = tpu.memref_squeeze %dma_wait3A_206 : memref<1x25x1x512xf32, #tpu.memory_space<hbm>> -> memref<25x512xf32, #tpu.memory_space<hbm>>
    tpu.wait_dma2 semaphore(%arg14 : memref<!tpu.dma_semaphore, #tpu.memory_space<semaphore_mem>>) src(%arg8 : memref<25x512xf32, #tpu.memory_space<vmem>>) dst(%dma_wait3A_207 : memref<25x512xf32, #tpu.memory_space<hbm>>)
    %sub3A_208 = arith.constant 3 : i32
    %sub3A_209 = arith.subi %add3A_7, %sub3A_208 : i32
    %add3A_210 = arith.constant 2 : i32
    %add3A_211 = arith.addi %sub3A_209, %add3A_210 : i32
    %add3A_212 = arith.addi %add3A_4, %add3A_211 : i32
    %jit3A_213 = arith.constant 300 : i32
    %div3A_214 = arith.divsi %add3A_212, %jit3A_213 : i32
    %sign3A_215 = arith.constant 0 : i32
    %sign3A_216 = arith.cmpi sgt, %add3A_212, %sign3A_215 : i32
    %sign3A_217 = arith.extui %sign3A_216 : i1 to i32
    %sign3A_218 = arith.constant 0 : i32
    %sign3A_219 = arith.cmpi slt, %add3A_212, %sign3A_218 : i32
    %sign3A_220 = arith.extui %sign3A_219 : i1 to i32
    %sign3A_221 = arith.subi %sign3A_217, %sign3A_220 : i32
    %sign3A_222 = arith.constant 0 : i32
    %sign3A_223 = arith.cmpi sgt, %jit3A_213, %sign3A_222 : i32
    %sign3A_224 = arith.extui %sign3A_223 : i1 to i32
    %sign3A_225 = arith.constant 0 : i32
    %sign3A_226 = arith.cmpi slt, %jit3A_213, %sign3A_225 : i32
    %sign3A_227 = arith.extui %sign3A_226 : i1 to i32
    %sign3A_228 = arith.subi %sign3A_224, %sign3A_227 : i32
    %ne3A_229 = arith.cmpi ne, %sign3A_221, %sign3A_228 : i32
    %rem3A_230 = arith.remsi %add3A_212, %jit3A_213 : i32
    %ne3A_231 = arith.constant 0 : i32
    %ne3A_232 = arith.cmpi ne, %rem3A_230, %ne3A_231 : i32
    %and3A_233 = arith.andi %ne3A_229, %ne3A_232 : i1
    %sub3A_234 = arith.constant 1 : i32
    %sub3A_235 = arith.subi %div3A_214, %sub3A_234 : i32
    %select_n3A_236 = arith.select %and3A_233, %sub3A_235, %div3A_214 : i32
    %jit3A_237 = arith.constant 300 : i32
    %eq3A_238 = arith.constant 0 : i32
    %eq3A_239 = arith.cmpi eq, %jit3A_237, %eq3A_238 : i32
    %jit3A_240 = arith.constant 1 : i32
    %select_n3A_241 = arith.select %eq3A_239, %jit3A_240, %jit3A_237 : i32
    %rem3A_242 = arith.remsi %add3A_212, %select_n3A_241 : i32
    %ne3A_243 = arith.constant 0 : i32
    %ne3A_244 = arith.cmpi ne, %rem3A_242, %ne3A_243 : i32
    %lt3A_245 = arith.constant 0 : i32
    %lt3A_246 = arith.cmpi slt, %rem3A_242, %lt3A_245 : i32
    %lt3A_247 = arith.constant 0 : i32
    %lt3A_248 = arith.cmpi slt, %select_n3A_241, %lt3A_247 : i32
    %ne3A_249 = arith.xori %lt3A_246, %lt3A_248 : i1
    %and3A_250 = arith.andi %ne3A_249, %ne3A_244 : i1
    %add3A_251 = arith.addi %rem3A_242, %select_n3A_241 : i32
    %select_n3A_252 = arith.select %and3A_250, %add3A_251, %rem3A_242 : i32
    %dma_wait3A_253 = arith.constant 0 : i32
    %dma_wait3A_254 = arith.constant 0 : i32
    %dma_wait3A_255 = tpu.memref_slice %arg3[%select_n3A_236, %dma_wait3A_253, %select_n3A_252, %dma_wait3A_254] : memref<3x25x300x512xf32, #tpu.memory_space<hbm>> -> memref<1x25x1x512xf32, #tpu.memory_space<hbm>>
    %dma_wait3A_256 = tpu.memref_squeeze %dma_wait3A_255 : memref<1x25x1x512xf32, #tpu.memory_space<hbm>> -> memref<25x512xf32, #tpu.memory_space<hbm>>
    %dma_wait3A_257 = arith.constant 0 : i32
    %dma_wait3A_258 = arith.constant 0 : i32
    %dma_wait3A_259 = tpu.memref_slice %arg3[%select_n3A_236, %dma_wait3A_257, %select_n3A_252, %dma_wait3A_258] : memref<3x25x300x512xf32, #tpu.memory_space<hbm>> -> memref<1x25x1x512xf32, #tpu.memory_space<hbm>>
    %dma_wait3A_260 = tpu.memref_squeeze %dma_wait3A_259 : memref<1x25x1x512xf32, #tpu.memory_space<hbm>> -> memref<25x512xf32, #tpu.memory_space<hbm>>
    tpu.wait_dma2 semaphore(%arg15 : memref<!tpu.dma_semaphore, #tpu.memory_space<semaphore_mem>>) src(%arg9 : memref<25x512xf32, #tpu.memory_space<vmem>>) dst(%dma_wait3A_260 : memref<25x512xf32, #tpu.memory_space<hbm>>)
    return
  }
}

</mosaic_0001>

<sc_bundles>
// kernel: kernel.3.cloned.1.call-start
scs
__scs_entry_jumppad:
0x0: {  	(pc) =	sbr.rel $0x88, $3  }
0x1: {  	(tag) =	ssettag $0x0;
	lr =	simm.s32 $0x1  }
0x2: {  	[smem:$0x3FA0] =	sst lr;
	_ =	strace $0xD0000000  }
0x3: {  	_ = 	snop  }
0x4: {  	_ = 	snop  }
0x5: {  	_ = 	snop  }
0x6: {  	_ = 	snop  }
0x7: {  	_ = 	snop  }
__scs_overlays_trampoline_lowered:
0x8: {  	[smem:$0x3FAF] =	sst s0  }
0x9: {  	[smem:$0x3FB0] =	sst s1  }
0xa: {  	[smem:$0x3FB1] =	sst s2  }
0xb: {  	[smem:$0x3FB2] =	sst s3  }
0xc: {  	[smem:$0x3FB3] =	sst s4  }
0xd: {  	[smem:$0x3FB4] =	sst s5  }
0xe: {  	[smem:$0x3FB5] =	sst s6  }
0xf: {  	[smem:$0x3FB6] =	sst s7  }
0x10: {  	[smem:$0x3FB7] =	sst s8  }
0x11: {  	[smem:$0x3FB8] =	sst s9;
	s0 =	simm.s32 @!p0 $0x0  }
0x12: {  	s1 =	sld [smem:$0x3F9E];
	s0 =	simm.s32 @p0 $0x1  }
0x13: {  	[smem:$0x3FB9] =	sst s0;
	s0 =	simm.s32 @!p1 $0x0  }
0x14: {  	s2 =	sld [smem:$0x3F9D];
	s0 =	simm.s32 @p1 $0x1  }
0x15: {  	[smem:$0x3FBA] =	sst s0;
	s0 =	simm.s32 @!p2 $0x0  }
0x16: {  	s3 =	sld [smem:$0x3FDB];
	s0 =	simm.s32 @p2 $0x1  }
0x17: {  	s4 =	simm.s32 $0x1BF5;
	[smem:$0x3FBC] =	sst s0  }
0x18: {  	s0 =	sld [smem:$0x3F9F];
	_ =	swait.ge [sflag:s4], $0x0  }
0x19: {  	s7 =	sld [smem:$0x3FA0]  }
0x1a: {  	s8 =	sadd.s32 $0xFFFFE003, lr  }
0x1b: {  	s9 =	sadd.s32 $0xFFFFFEF7, lr;
	s5 =	simm.s32 $0xFFFFFFFF;
	p2 =	slt.u32 s8, $0xFFFFF086  }
0x1c: {  	p1 =	slt.u32 s9, $0xF7A;
	s5 =	simm.s32 @!p2 $0x0  }
0x1d: {  	s5 =	simm.s32 @p1 $0x1;
	p0 =	seq.s32 s7, s2  }
0x1e: {  	s7 =	smul.u32 @!p0 $0xF7A, s2;
	p2 =	seq.s32 @!p0 s5, $0x0  }
0x1f: {  	s9 =	smul.u32 $0xF7A, s1;
	s8 =	simm.s32 @!p0 $0x1BF5;
	p2 =	por !p2, p0  }
0x20: {  	[sflag:s8] =	ssyncset.s32 @!p0 $0xFFFFF086;
	s6 =	sadd.s32 @!p0 s3, s7;
	s7 =	simm.s32 @!p0 $0x108  }
0x21: {  	s3 =	sadd.s32 s3, s9;
	s6 =	sadd.s32 @!p0 $0x88, s6;
	s7 =	simm.s32 @p2 $0x1082  }
0x22: {  	[simem:s7], [sflag:s8] =	dma.local @!p0 [hbm:s6], $0xF7A  }
0x23: {  	s9 =	sor.u32 $0xD0000000, s2;
	s6 =	simm.s32 $0x108;
	_ =	swait.ge @!p0 [sflag:s8], $0x0  }
0x24: {  	s3 =	sadd.s32 $0x88, s3;
	s6 =	simm.s32 @!p1 $0x1082;
	[sflag:s4] =	ssyncset.s32 $0xFFFFF086  }
0x25: {  	[simem:s6], [sflag:s4] =	dma.local [hbm:s3], $0xF7A  }
0x26: {  	[smem:$0x3FA0] =	sst s1;
	(tag) =	ssettag s2;
	_ =	strace s9  }
0x27: {  	s1 =	sld [smem:$0x3FB0]  }
0x28: {  	s2 =	sld [smem:$0x3FB1]  }
0x29: {  	s4 =	sld [smem:$0x3FB3]  }
0x2a: {  	p0 =	seq.s32 s5, $0x0;
	s5 =	sld [smem:$0x3FB4]  }
0x2b: {  	s6 =	sld [smem:$0x3FB5]  }
0x2c: {  	s7 =	sld [smem:$0x3FB6]  }
0x2d: {  	s3 =	simm.s32 $0x108;
	s8 =	sld [smem:$0x3FB7]  }
0x2e: {  	s3 =	simm.s32 @!p0 $0x1082;
	s9 =	sld [smem:$0x3FB8]  }
0x2f: {  	lr =	sadd.s32 s0, s3;
	s0 =	sld [smem:$0x3FAF]  }
0x30: {  	s3 =	sld [smem:$0x3FB2]  }
0x31: {  	[smem:$0x3FBB] =	sst s10  }
0x32: {  	s10 =	sld [smem:$0x3FB9];
	_ =	sdelay $0x3  }
0x33: {  	p0 =	seq.s32 s10, $0x1;
	s10 =	sld [smem:$0x3FBB];
	_ =	sdelay $0x3  }
0x34: {  	[smem:$0x3FBB] =	sst s10  }
0x35: {  	s10 =	sld [smem:$0x3FBA];
	_ =	sdelay $0x3  }
0x36: {  	p1 =	seq.s32 s10, $0x1;
	s10 =	sld [smem:$0x3FBB];
	_ =	sdelay $0x3  }
0x37: {  	[smem:$0x3FBB] =	sst s10  }
0x38: {  	s10 =	sld [smem:$0x3FBC]  }
0x39: {  	_ = 	snop;
	(pc) =	sbr.ind lr, $3  }
0x3a: {  	_ = 	snop  }
0x3b: {  	_ = 	snop  }
0x3c: {  	p2 =	seq.s32 s10, $0x1;
	s10 =	sld [smem:$0x3FBB]  }
0x3d: {  	_ =	shalt  }
0x3e: {  	_ =	shalt  }
0x3f: {  	_ =	shalt  }
0x40: {  	_ =	shalt  }
0x41: {  	_ =	shalt  }
0x42: {  	_ =	shalt  }
0x43: {  	_ =	shalt  }
0x44: {  	_ =	shalt  }
0x45: {  	_ =	shalt  }
0x46: {  	_ =	shalt  }
0x47: {  	_ =	shalt  }
0x48: {  	_ =	shalt  }
0x49: {  	_ =	shalt  }
0x4a: {  	_ =	shalt  }
0x4b: {  	_ =	shalt  }
0x4c: {  	_ =	shalt  }
0x4d: {  	_ =	shalt  }
0x4e: {  	_ =	shalt  }
0x4f: {  	_ =	shalt  }
0x50: {  	_ =	shalt  }
0x51: {  	_ =	shalt  }
0x52: {  	_ =	shalt  }
0x53: {  	_ =	shalt  }
0x54: {  	_ =	shalt  }
0x55: {  	_ =	shalt  }
0x56: {  	_ =	shalt  }
0x57: {  	_ =	shalt  }
0x58: {  	_ =	shalt  }
0x59: {  	_ =	shalt  }
0x5a: {  	_ =	shalt  }
0x5b: {  	_ =	shalt  }
0x5c: {  	_ =	shalt  }
0x5d: {  	_ =	shalt  }
0x5e: {  	_ =	shalt  }
0x5f: {  	_ =	shalt  }
0x60: {  	_ =	shalt  }
0x61: {  	_ =	shalt  }
0x62: {  	_ =	shalt  }
0x63: {  	_ =	shalt  }
0x64: {  	_ =	shalt  }
0x65: {  	_ =	shalt  }
0x66: {  	_ =	shalt  }
0x67: {  	_ =	shalt  }
0x68: {  	_ =	shalt  }
0x69: {  	_ =	shalt  }
0x6a: {  	_ =	shalt  }
0x6b: {  	_ =	shalt  }
0x6c: {  	_ =	shalt  }
0x6d: {  	_ =	shalt  }
0x6e: {  	_ =	shalt  }
0x6f: {  	_ =	shalt  }
0x70: {  	_ =	shalt  }
0x71: {  	_ =	shalt  }
0x72: {  	_ =	shalt  }
0x73: {  	_ =	shalt  }
0x74: {  	_ =	shalt  }
0x75: {  	_ =	shalt  }
0x76: {  	_ =	shalt  }
0x77: {  	_ =	shalt  }
0x78: {  	_ =	shalt  }
0x79: {  	_ =	shalt  }
0x7a: {  	_ =	shalt  }
0x7b: {  	_ =	shalt  }
0x7c: {  	_ =	shalt  }
0x7d: {  	_ =	shalt  }
0x7e: {  	_ =	shalt  }
0x7f: {  	_ =	shalt  }
0x80: {  	_ =	shalt  }
0x81: {  	_ =	shalt  }
0x82: {  	_ =	shalt  }
0x83: {  	_ =	shalt  }
0x84: {  	_ =	shalt  }
0x85: {  	_ =	shalt  }
0x86: {  	_ =	shalt  }
0x87: {  	_ =	shalt  }
.Lfunc_end0:
.L_simem_size_0:
called_computation_lowered:
.L_overlay_start_0:
0x88: {  	s2 =	sld [smem:$0x3FD9]  }
0x89: {  	s3 =	sld [smem:$0x3FFE];
	_ =	sdelay $0x1  }
0x8a: {  	s1 =	srdreg.scid  }
0x8b: {  	s0 =	sand.u32 $0x1, s1  }
0x8c: {  	s18 =	sshll.u32 s0, $0xA;
	s2 =	sadd.s32 s3, s2  }
0x8d: {  	s2 =	sadd.s32 s2, s18  }
0x8e: {  	[smem:$0x3FC7] =	sst s2  }
0x8f: {  	_ = 	snop  }
0x90: {  	s2 =	sld [smem:$0x3FC9]  }
0x91: {  	s19 =	sld [smem:$0x3FD0];
	(tm) =	ssettm $0x1  }
0x92: {  	s4 =	sld [smem:$0x3FFB];
	_ =	sdelay $0x3  }
0x93: {  	_ =	strace s4  }
0x94: {  	s4 =	sld [smem:$0x3FFC];
	_ =	sdelay $0x3  }
0x95: {  	_ =	strace s4  }
0x96: {  	s4 =	sld [smem:$0x3FFD];
	_ =	sdelay $0x3  }
0x97: {  	_ =	strace s4  }
0x98: {  	_ =	strace $0x8FFFFFFF  }
0x99: {  	s20 =	sld [smem:$0x3FDB];
	_ =	sdelay $0x1  }
0x9a: {  	s5 =	simm.s32 $_scs_section_size  }
0x9b: {  	s6 =	simm.s32 $_size__tile_overlayer_lowered;
	s7 =	simm.s32 $_tile_overlayer_lowered  }
0x9c: {  	s23 =	simm.s32 $0x1BFF;
	s22 =	sshll.u32 s7, $0x1;
	s4 =	sadd.s32 s5, s20  }
0x9d: {  	s8 =	simm.s32 $0x0;
	s21 =	sshll.u32 s6, $0x1;
	s6 =	sadd.s32 s22, s4  }
0x9e: {  	[timem:s8], [sflag:s23] =	dma.local [hbm:s6], s21  }
0x9f: {  	_ =	swait.ge [sflag:s23], s21  }
0xa0: {  	s5 =	ssub.s32 $0x0, s21;
	[sflag:s23] =	ssyncset.done $0x0  }
0xa1: {  	[sflag:s23] =	ssyncadd.s32 s5;
	_ =	sdelay $0x1  }
0xa2: {  	s24 =	simm.s32 $0x1B8B  }
0xa3: {  	_ =	swait.ge [sflag:s24], $0x1  }
0xa4: {  	[sflag:s24] =	ssyncset.done $0x0  }
0xa5: {  	s25 =	simm.s32 $0x1B8E;
	[sflag:s24] =	ssyncadd.s32 $0xFFFFFFFF  }
0xa6: {  	s26 =	simm.s32 $execute0_lowered;
	[smem:$0x3FD2] =	sst s25  }
0xa7: {  	s5 =	sshll.u32 s26, $0x1;
	_ =	strace $0x80000046;
	[dreg:$0x1] =	wrdreg $0xFFFFFFFF  }
0xa8: {  	s28 =	simm.s32 $_size_execute0_lowered;
	s4 =	sadd.s32 s4, s5;
	[dreg:$0x0] =	wrdreg $0x0  }
0xa9: {  	s5 =	sshll.u32 s28, $0x1;
	[dreg:$0x2] =	wrdreg s4  }
0xaa: {  	[dreg:$0x3] =	wrdreg s5  }
0xab: {  	[dreg:$0x4] =	wrdreg $0xC0  }
0xac: {  	_ =	task [dreg:s8], $0x5FFFF  }
0xad: {  	[dreg:$0x1] =	wrdreg $0xFFFFFFFF  }
0xae: {  	[dreg:$0x0] =	wrdreg $0x60  }
0xaf: {  	[dreg:$0x2] =	wrdreg s2  }
0xb0: {  	[dreg:$0x3] =	wrdreg s19  }
0xb1: {  	[dreg:$0x4] =	wrdreg $0x9  }
0xb2: {  	_ =	task.clear_ibuf [dreg:s8], $0x5FFFF;
	_ =	strace $0x90000046  }
0xb3: {  	s29 =	simm.s32 $0x9;
	_ =	strace $0x80000048  }
0xb4: {  	_ =	swait.ge [sflag:s29], $0x1  }
0xb5: {  	[sflag:s29] =	ssyncadd.s32 $0xFFFFFFFF  }
0xb6: {  	_ =	strace $0x90000048  }
0xb7: {  	_ =	sfence  }
0xb8: {  	s30 =	sld [smem:$0x0];
	_ =	sdelay $0x2  }
0xb9: {  	s31 =	sshll.u32 s1, $0xD;
	s1 =	sshrl.u32 s1, $0x2  }
0xba: {  	s3 =	sand.u32 $0x4000, s31;
	s1 =	sadd.s32 s1, s30  }
0xbb: {  	s0 =	sor.u32 s3, s0;
	s1 =	sshll.u32 s1, $0x11  }
0xbc: {  	s0 =	sor.u32 s1, s0  }
0xbd: {  	s0 =	sadd.s32 $0x8F2B, s0  }
0xbe: {  	[sflag:s0] =	ssyncadd.remote.s32 $0x1  }
0xbf: {  	_ =	sfence.sel $0xFFFF  }
0xc0: {  	[dreg:$0x0] =	wrdreg $0xFFFFFFFF;
	(pc) =	sbr.abs _section_cstart, $3  }
0xc1: {  	[dreg:$0x1] =	wrdreg $0xFFFFFFFF  }
0xc2: {  	_ =	task.clear_ibuf [dreg:s8], $0x2FFFF;
	_ =	strace $0x9FFFFFFF  }
0xc3: {  	(tm) =	ssettm $0x7FFFFFFF  }
tec
execute0_lowered:
.L_overlay_start_1:
0x0: {  	(tag) =	ssettag $0x1  }
0x1: {  	s0 =	srdreg.scid;
	s4 =	stileid.u32  }
0x2: {  	s0 =	sand.u32 $0x1, s0;
	s1 =	sshll.u32 s4, $0x1  }
0x3: {  	s1 =	sor.u32 s0, s1  }
0x4: {  	s2 =	smul.u32 $0x1C, s1  }
0x5: {  	s1 =	smin.u32 s1, $0x4  }
0x6: {  	s1 =	sadd.s32 s1, s2  }
0x7: {  	s2 =	smul.u32 $0x1B5, s1;
	_ =	sdelay $0x1  }
0x8: {  	s2 =	sshrl.u32 s2, $0x11  }
0x9: {  	s0 =	ssub.s32 $0x2, s0;
	s7 =	smul.u32 $0x12C, s2  }
0xa: {  	s9 =	sshrl.u32 s0, $0x1  }
0xb: {  	s3 =	rddreg [dreg:$0x0];
	s0 =	ssub.s32 s0, s9;
	s7 =	ssub.s32 s1, s7  }
0xc: {  	s0 =	smax.u32 s0, $0x1;
	s2 =	smul.u32 $0x3B6000, s2;
	s10 =	sshll.u32 s7, $0x9  }
0xd: {  	s6 =	sadd.s32 $0x1, s1;
	s7 =	sshll.u32 s7, $0x7;
	s17 =	sand.u32 $0x3F000, s10  }
0xe: {  	s5 =	sand.u32 $0xFFC, s6;
	s7 =	sand.u32 $0x380, s7;
	s2 =	sadd.s32 s2, s17  }
0xf: {  	s8 =	sshrl.u32 s5, $0x2;
	s5 =	simm.s32 $0x0;
	s2 =	sor.u32 s7, s2  }
0x10: {  	s8 =	smul.u32 $0x6D3B, s8;
	[smem:$0x7FF] =	sst s5;
	s2 =	sshrl.u32 s2, $0x3  }
0x11: {  	_ =	strace $0x80000047;
	[dreg:$0x5] =	wrdreg s0;
	s21 =	sadd.s32 s3, s2  }
0x12: {  	s23 =	sadd.s32 $0x80, s21;
	[dreg:$0x3] =	wrdreg s21  }
0x13: {  	s8 =	sshrl.u32 s8, $0x15;
	s24 =	sadd.s32 $0x100, s21;
	[dreg:$0x6] =	wrdreg s23  }
0x14: {  	s11 =	smul.u32 $0x12C, s8;
	s25 =	sadd.s32 $0x180, s21;
	[dreg:$0x7] =	wrdreg s24  }
0x15: {  	s8 =	smul.u32 $0x3B6000, s8;
	s26 =	sadd.s32 $0x26000, s21;
	[dreg:$0x8] =	wrdreg s25  }
0x16: {  	s6 =	ssub.s32 s6, s11;
	s28 =	sadd.s32 $0x26080, s21;
	[dreg:$0x9] =	wrdreg s26  }
0x17: {  	s18 =	sshll.u32 s6, $0x9;
	s29 =	sadd.s32 $0x26100, s21;
	[dreg:$0xa] =	wrdreg s28  }
0x18: {  	s9 =	sand.u32 $0x3F000, s18;
	s31 =	sadd.s32 $0x26180, s21;
	[dreg:$0xb] =	wrdreg s29  }
0x19: {  	s19 =	sadd.s32 s8, s9;
	s8 =	sadd.s32 $0x4C080, s21;
	[dreg:$0xc] =	wrdreg s31  }
0x1a: {  	s9 =	sadd.s32 $0x4C100, s21;
	[dreg:$0xe] =	wrdreg s8  }
0x1b: {  	s10 =	sadd.s32 $0x4C180, s21;
	[dreg:$0xf] =	wrdreg s9  }
0x1c: {  	s11 =	sadd.s32 $0x72000, s21;
	[dreg:$0x10] =	wrdreg s10  }
0x1d: {  	s6 =	sshll.u32 s6, $0x7;
	s12 =	sadd.s32 $0x72080, s21;
	[dreg:$0x11] =	wrdreg s11  }
0x1e: {  	s20 =	sand.u32 $0x380, s6;
	s13 =	sadd.s32 $0x72100, s21;
	[dreg:$0x12] =	wrdreg s12  }
0x1f: {  	s7 =	sor.u32 s20, s19;
	s14 =	sadd.s32 $0x72180, s21;
	[dreg:$0x13] =	wrdreg s13  }
0x20: {  	s22 =	sshrl.u32 s7, $0x3;
	s7 =	sadd.s32 $0x4C000, s21;
	[dreg:$0x14] =	wrdreg s14  }
0x21: {  	s2 =	sadd.s32 s3, s22;
	[dreg:$0xd] =	wrdreg s7  }
0x22: {  	s15 =	sadd.s32 $0x80, s2;
	[dreg:$0x4] =	wrdreg s2  }
0x23: {  	s16 =	sadd.s32 $0x100, s2;
	[dreg:$0x15] =	wrdreg s15  }
0x24: {  	s17 =	sadd.s32 $0x180, s2;
	[dreg:$0x16] =	wrdreg s16  }
0x25: {  	s18 =	sadd.s32 $0x26000, s2;
	[dreg:$0x17] =	wrdreg s17  }
0x26: {  	s19 =	sadd.s32 $0x26080, s2;
	[dreg:$0x18] =	wrdreg s18  }
0x27: {  	s20 =	sadd.s32 $0x26100, s2;
	[dreg:$0x19] =	wrdreg s19  }
0x28: {  	s21 =	sadd.s32 $0x26180, s2;
	[dreg:$0x1a] =	wrdreg s20  }
0x29: {  	s22 =	sadd.s32 $0x4C000, s2;
	[dreg:$0x1b] =	wrdreg s21  }
0x2a: {  	s30 =	simm.s32 $0x3;
	s23 =	sadd.s32 $0x4C080, s2;
	[dreg:$0x1c] =	wrdreg s22  }
0x2b: {  	p0 =	slt.u32 s4, $0x2;
	s24 =	sadd.s32 $0x4C100, s2;
	[dreg:$0x1d] =	wrdreg s23  }
0x2c: {  	s4 =	simm.s32 $0x0;
	s25 =	sadd.s32 $0x4C180, s2;
	[dreg:$0x1e] =	wrdreg s24  }
.Ltmp0:
0x2d: {  	s26 =	sadd.s32 $0x72000, s2;
	[dreg:$0x1f] =	wrdreg s25;
	(pc) =	sbr.rel .LBB2_1-.Ltmp0, $4  }
0x2e: {  	s6 =	simm.s32 $0x1D;
	s28 =	sadd.s32 $0x72080, s2;
	[smem:$0x7FA] =	sst s26  }
0x2f: {  	s6 =	simm.s32 @!p0 $0x1C;
	s29 =	sadd.s32 $0x72100, s2;
	[smem:$0x7FB] =	sst s28  }
0x30: {  	s11 =	simm.s32 $0x2;
	s31 =	sadd.s32 $0x72180, s2;
	[smem:$0x7FC] =	sst s29  }
0x31: {  	[smem:$0x7FD] =	sst s31;
	s16 =	simm.s32 $0x80;
	s17 =	simm.s32 $0x26000  }
.LBB2_15:
0x32: {  	s0 =	simm.s32 $0x4  }
0x33: {  	_ =	swait.ge [sflag:s0], $0x3200  }
0x34: {  	[sflag:s0] =	ssyncset.done $0x0  }
0x35: {  	s29 =	simm.s32 $0x5;
	[sflag:s0] =	ssyncadd.s32 $0xFFFFCE00  }
0x36: {  	_ =	swait.ge [sflag:s29], $0x3200  }
0x37: {  	[sflag:s29] =	ssyncset.done $0x0  }
0x38: {  	s2 =	simm.s32 $0x6;
	[sflag:s29] =	ssyncadd.s32 $0xFFFFCE00  }
0x39: {  	_ =	swait.ge [sflag:s2], $0x3200  }
0x3a: {  	s4 =	sld [smem:$0x7F9];
	_ =	sdelay $0x2  }
0x3b: {  	s31 =	rddreg [dreg:$0x5];
	s4 =	sadd.s32 $0x1, s4  }
0x3c: {  	p0 =	sne.s32 s4, s31  }
.Ltmp1:
0x3d: {  	_ = 	snop;
	(pc) =	sbr.rel @!p0 .LBB2_16-.Ltmp1, $3  }
0x3e: {  	_ =	sdelay $0x1  }
0x3f: {  	[sflag:s2] =	ssyncset.done $0x0  }
0x40: {  	[sflag:s2] =	ssyncadd.s32 $0xFFFFCE00  }
.LBB2_1:
0x41: {  	[smem:$0x7F9] =	sst s4  }
0x42: {  	s0 =	rddreg [dreg:$0x3]  }
0x43: {  	s10 =	rddreg [dreg:$0x6]  }
0x44: {  	[tilespmem:s5], [sflag:$0x1] =	stream.strided.gather [hbm4b:s0+s16], $0x400, s17, s16, $0x38;
	[tilespmem:$0x18000] =	vst v63  }
0x45: {  	s2 =	simm.s32 $0x400;
	s12 =	rddreg [dreg:$0x7]  }
0x46: {  	[tilespmem:s2], [sflag:$0x1] =	stream.strided.gather [hbm4b:s10+s16], $0x400, s17, s16, $0x38;
	[tilespmem:$0x18000] =	vst v63  }
0x47: {  	s13 =	simm.s32 $0x800;
	s14 =	rddreg [dreg:$0x8]  }
0x48: {  	[tilespmem:s13], [sflag:$0x1] =	stream.strided.gather [hbm4b:s12+s16], $0x400, s17, s16, $0x38;
	[tilespmem:$0x18000] =	vst v63  }
0x49: {  	s15 =	simm.s32 $0xC00;
	s18 =	rddreg [dreg:$0x9]  }
0x4a: {  	[tilespmem:s15], [sflag:$0x1] =	stream.strided.gather [hbm4b:s14+s16], $0x400, s17, s16, $0x38;
	[tilespmem:$0x18000] =	vst v63  }
0x4b: {  	s19 =	simm.s32 $0x1000;
	s20 =	rddreg [dreg:$0xa]  }
0x4c: {  	[tilespmem:s19], [sflag:$0x1] =	stream.strided.gather [hbm4b:s18+s16], $0x400, s17, s16, $0x38;
	[tilespmem:$0x18000] =	vst v63  }
0x4d: {  	s21 =	simm.s32 $0x1400;
	s22 =	rddreg [dreg:$0xb]  }
0x4e: {  	[tilespmem:s21], [sflag:$0x1] =	stream.strided.gather [hbm4b:s20+s16], $0x400, s17, s16, $0x38;
	[tilespmem:$0x18000] =	vst v63  }
0x4f: {  	s23 =	simm.s32 $0x1800;
	s24 =	rddreg [dreg:$0xc]  }
0x50: {  	[tilespmem:s23], [sflag:$0x1] =	stream.strided.gather [hbm4b:s22+s16], $0x400, s17, s16, $0x38;
	[tilespmem:$0x18000] =	vst v63  }
0x51: {  	s25 =	simm.s32 $0x1C00;
	s26 =	rddreg [dreg:$0xd]  }
0x52: {  	[tilespmem:s25], [sflag:$0x1] =	stream.strided.gather [hbm4b:s24+s16], $0x400, s17, s16, $0x38;
	[tilespmem:$0x18000] =	vst v63  }
0x53: {  	s28 =	simm.s32 $0x2000;
	s29 =	rddreg [dreg:$0xe]  }
0x54: {  	[tilespmem:s28], [sflag:$0x1] =	stream.strided.gather [hbm4b:s26+s16], $0x400, s17, s16, $0x38;
	[tilespmem:$0x18000] =	vst v63  }
0x55: {  	s31 =	simm.s32 $0x2400;
	s7 =	rddreg [dreg:$0x10]  }
0x56: {  	[tilespmem:s31], [sflag:$0x1] =	stream.strided.gather [hbm4b:s29+s16], $0x400, s17, s16, $0x38;
	[tilespmem:$0x18000] =	vst v63  }
0x57: {  	s4 =	simm.s32 $0x2800;
	s2 =	rddreg [dreg:$0xf]  }
0x58: {  	[tilespmem:s4], [sflag:$0x1] =	stream.strided.gather [hbm4b:s2+s16], $0x400, s17, s16, $0x38;
	[tilespmem:$0x18000] =	vst v63  }
0x59: {  	s8 =	simm.s32 $0x2C00;
	s9 =	rddreg [dreg:$0x11]  }
0x5a: {  	[tilespmem:s8], [sflag:$0x1] =	stream.strided.gather [hbm4b:s7+s16], $0x400, s17, s16, $0x38;
	[tilespmem:$0x18000] =	vst v63  }
0x5b: {  	s10 =	simm.s32 $0x3000;
	s12 =	rddreg [dreg:$0x12]  }
0x5c: {  	[tilespmem:s10], [sflag:$0x1] =	stream.linear.gather [hbm4b:s9+s5], $0x80, $0x38;
	[tilespmem:$0x18000] =	vst v63  }
0x5d: {  	s13 =	simm.s32 $0x3400;
	s14 =	rddreg [dreg:$0x13]  }
0x5e: {  	[tilespmem:s13], [sflag:$0x1] =	stream.linear.gather [hbm4b:s12+s5], $0x80, $0x38;
	[tilespmem:$0x18000] =	vst v63  }
0x5f: {  	s15 =	simm.s32 $0x3800;
	s18 =	rddreg [dreg:$0x14]  }
0x60: {  	[tilespmem:s15], [sflag:$0x1] =	stream.linear.gather [hbm4b:s14+s5], $0x80, $0x38;
	[tilespmem:$0x18000] =	vst v63  }
0x61: {  	s19 =	simm.s32 $0x3C00;
	s20 =	rddreg [dreg:$0x4]  }
0x62: {  	[tilespmem:s19], [sflag:$0x1] =	stream.linear.gather [hbm4b:s18+s5], $0x80, $0x38;
	[tilespmem:$0x18000] =	vst v63  }
0x63: {  	s21 =	simm.s32 $0x4000;
	s22 =	rddreg [dreg:$0x15]  }
0x64: {  	[tilespmem:s21], [sflag:$0x2] =	stream.strided.gather [hbm4b:s20+s16], $0x400, s17, s16, $0x38;
	[tilespmem:$0x18000] =	vst v63  }
0x65: {  	s23 =	simm.s32 $0x4400;
	s24 =	rddreg [dreg:$0x16]  }
0x66: {  	[tilespmem:s23], [sflag:$0x2] =	stream.strided.gather [hbm4b:s22+s16], $0x400, s17, s16, $0x38;
	[tilespmem:$0x18000] =	vst v63  }
0x67: {  	s25 =	simm.s32 $0x4800;
	s26 =	rddreg [dreg:$0x17]  }
0x68: {  	[tilespmem:s25], [sflag:$0x2] =	stream.strided.gather [hbm4b:s24+s16], $0x400, s17, s16, $0x38;
	[tilespmem:$0x18000] =	vst v63  }
0x69: {  	s28 =	simm.s32 $0x4C00;
	s29 =	rddreg [dreg:$0x18]  }
0x6a: {  	[tilespmem:s28], [sflag:$0x2] =	stream.strided.gather [hbm4b:s26+s16], $0x400, s17, s16, $0x38;
	[tilespmem:$0x18000] =	vst v63  }
0x6b: {  	s31 =	simm.s32 $0x5000;
	s2 =	rddreg [dreg:$0x19]  }
0x6c: {  	[tilespmem:s31], [sflag:$0x2] =	stream.strided.gather [hbm4b:s29+s16], $0x400, s17, s16, $0x38;
	[tilespmem:$0x18000] =	vst v63  }
0x6d: {  	s4 =	simm.s32 $0x5400;
	s7 =	rddreg [dreg:$0x1a]  }
0x6e: {  	[tilespmem:s4], [sflag:$0x2] =	stream.strided.gather [hbm4b:s2+s16], $0x400, s17, s16, $0x38;
	[tilespmem:$0x18000] =	vst v63  }
0x6f: {  	s8 =	simm.s32 $0x5800;
	s9 =	rddreg [dreg:$0x1b]  }
0x70: {  	[tilespmem:s8], [sflag:$0x2] =	stream.strided.gather [hbm4b:s7+s16], $0x400, s17, s16, $0x38;
	[tilespmem:$0x18000] =	vst v63  }
0x71: {  	s10 =	simm.s32 $0x5C00;
	s12 =	rddreg [dreg:$0x1c]  }
0x72: {  	[tilespmem:s10], [sflag:$0x2] =	stream.strided.gather [hbm4b:s9+s16], $0x400, s17, s16, $0x38;
	[tilespmem:$0x18000] =	vst v63  }
0x73: {  	s13 =	simm.s32 $0x6000;
	s14 =	rddreg [dreg:$0x1d]  }
0x74: {  	[tilespmem:s13], [sflag:$0x2] =	stream.strided.gather [hbm4b:s12+s16], $0x400, s17, s16, $0x38;
	[tilespmem:$0x18000] =	vst v63  }
0x75: {  	s15 =	simm.s32 $0x6400;
	s18 =	rddreg [dreg:$0x1e]  }
0x76: {  	[tilespmem:s15], [sflag:$0x2] =	stream.strided.gather [hbm4b:s14+s16], $0x400, s17, s16, $0x38;
	[tilespmem:$0x18000] =	vst v63  }
0x77: {  	s19 =	simm.s32 $0x6800;
	s20 =	rddreg [dreg:$0x1f]  }
0x78: {  	[tilespmem:s19], [sflag:$0x2] =	stream.strided.gather [hbm4b:s18+s16], $0x400, s17, s16, $0x38;
	[tilespmem:$0x18000] =	vst v63  }
0x79: {  	s21 =	simm.s32 $0x6C00;
	s22 =	sld [smem:$0x7FA]  }
0x7a: {  	[tilespmem:s21], [sflag:$0x2] =	stream.strided.gather [hbm4b:s20+s16], $0x400, s17, s16, $0x38;
	[tilespmem:$0x18000] =	vst v63  }
0x7b: {  	s23 =	simm.s32 $0x7000;
	s24 =	sld [smem:$0x7FB]  }
0x7c: {  	[tilespmem:s23], [sflag:$0x2] =	stream.linear.gather [hbm4b:s22+s5], $0x80, $0x38;
	[tilespmem:$0x18000] =	vst v63  }
0x7d: {  	s25 =	simm.s32 $0x7400;
	s26 =	sld [smem:$0x7FC]  }
0x7e: {  	[tilespmem:s25], [sflag:$0x2] =	stream.linear.gather [hbm4b:s24+s5], $0x80, $0x38;
	[tilespmem:$0x18000] =	vst v63  }
.Ltmp2:
0x7f: {  	_ = 	snop;
	(pc) =	sbr.rel .LBB2_2-.Ltmp2, $4  }
0x80: {  	s28 =	simm.s32 $0x7800;
	s29 =	sld [smem:$0x7FD]  }
0x81: {  	[tilespmem:s28], [sflag:$0x2] =	stream.linear.gather [hbm4b:s26+s5], $0x80, $0x38;
	[tilespmem:$0x18000] =	vst v63  }
0x82: {  	s31 =	simm.s32 $0x7C00;
	s24 =	simm.s32 $0x0  }
0x83: {  	[tilespmem:s31], [sflag:$0x2] =	stream.linear.gather [hbm4b:s29+s5], $0x80, $0x38;
	[tilespmem:$0x18000] =	vst v63  }
.LBB2_14:
0x84: {  	s24 =	sadd.s32 $0x1, s24  }
0x85: {  	p0 =	sne.s32 s24, $0xB  }
.Ltmp3:
0x86: {  	_ = 	snop;
	(pc) =	sbr.rel @!p0 .LBB2_15-.Ltmp3, $1  }
0x87: {  	_ =	sdelay $0x3  }
.LBB2_2:
0x88: {  	s26 =	smul.u32 $0x3, s24;
	_ =	sdelay $0x1  }
0x89: {  	s25 =	sadd.s32 $0x2, s26  }
0x8a: {  	p0 =	sge.u32 s25, s6  }
0x8b: {  	s0 =	sadd.s32 @!p0 s1, s25  }
0x8c: {  	s2 =	smulhi.u32 @!p0 $0x1B4E81B5, s0;
	_ =	sdelay $0x1  }
0x8d: {  	s2 =	sshrl.u32 @!p0 s2, $0x5  }
0x8e: {  	s7 =	smul.u32 @!p0 $0x12C, s2;
	_ =	sdelay $0x1  }
0x8f: {  	s0 =	ssub.s32 @!p0 s0, s7  }
0x90: {  	s2 =	smul.u32 @!p0 $0x3B6000, s2;
	s7 =	sshll.u32 @!p0 s0, $0x9  }
0x91: {  	s0 =	sshll.u32 @!p0 s0, $0x7;
	s7 =	sand.u32 @!p0 $0x3F000, s7  }
0x92: {  	s0 =	sand.u32 @!p0 $0x380, s0;
	s2 =	sadd.s32 @!p0 s2, s7  }
0x93: {  	s0 =	sor.u32 @!p0 s0, s2  }
0x94: {  	s8 =	simm.s32 @!p0 $0x8000;
	s0 =	sshrl.u32 @!p0 s0, $0x3  }
0x95: {  	s7 =	simm.s32 @!p0 $0x26000;
	s2 =	simm.s32 @!p0 $0x80;
	s0 =	sadd.s32 @!p0 s3, s0  }
0x96: {  	[tilespmem:s8], [sflag:$0x3] =	stream.strided.gather @!p0 [hbm4b:s0+s2], $0x400, s7, s2, $0x38;
	[tilespmem:$0x18000] =	vst v63  }
0x97: {  	s9 =	simm.s32 @!p0 $0x8400;
	s8 =	sadd.s32 @!p0 $0x80, s0  }
0x98: {  	[tilespmem:s9], [sflag:$0x3] =	stream.strided.gather @!p0 [hbm4b:s8+s2], $0x400, s7, s2, $0x38;
	[tilespmem:$0x18000] =	vst v63  }
0x99: {  	s8 =	sadd.s32 @!p0 $0x100, s0;
	s9 =	simm.s32 @!p0 $0x8800  }
0x9a: {  	[tilespmem:s9], [sflag:$0x3] =	stream.strided.gather @!p0 [hbm4b:s8+s2], $0x400, s7, s2, $0x38;
	[tilespmem:$0x18000] =	vst v63  }
0x9b: {  	s8 =	sadd.s32 @!p0 $0x180, s0;
	s9 =	simm.s32 @!p0 $0x8C00  }
0x9c: {  	[tilespmem:s9], [sflag:$0x3] =	stream.strided.gather @!p0 [hbm4b:s8+s2], $0x400, s7, s2, $0x38;
	[tilespmem:$0x18000] =	vst v63  }
0x9d: {  	s8 =	sadd.s32 @!p0 $0x26000, s0;
	s9 =	simm.s32 @!p0 $0x9000  }
0x9e: {  	[tilespmem:s9], [sflag:$0x3] =	stream.strided.gather @!p0 [hbm4b:s8+s2], $0x400, s7, s2, $0x38;
	[tilespmem:$0x18000] =	vst v63  }
0x9f: {  	s10 =	simm.s32 @!p0 $0x9400;
	s9 =	sadd.s32 @!p0 $0x80, s8  }
0xa0: {  	[tilespmem:s10], [sflag:$0x3] =	stream.strided.gather @!p0 [hbm4b:s9+s2], $0x400, s7, s2, $0x38;
	[tilespmem:$0x18000] =	vst v63  }
0xa1: {  	s9 =	sadd.s32 @!p0 $0x100, s8;
	s10 =	simm.s32 @!p0 $0x9800  }
0xa2: {  	[tilespmem:s10], [sflag:$0x3] =	stream.strided.gather @!p0 [hbm4b:s9+s2], $0x400, s7, s2, $0x38;
	[tilespmem:$0x18000] =	vst v63  }
0xa3: {  	s8 =	sadd.s32 @!p0 $0x180, s8;
	s9 =	simm.s32 @!p0 $0x9C00  }
0xa4: {  	[tilespmem:s9], [sflag:$0x3] =	stream.strided.gather @!p0 [hbm4b:s8+s2], $0x400, s7, s2, $0x38;
	[tilespmem:$0x18000] =	vst v63  }
0xa5: {  	s8 =	sadd.s32 @!p0 $0x4C000, s0;
	s9 =	simm.s32 @!p0 $0xA000  }
0xa6: {  	[tilespmem:s9], [sflag:$0x3] =	stream.strided.gather @!p0 [hbm4b:s8+s2], $0x400, s7, s2, $0x38;
	[tilespmem:$0x18000] =	vst v63  }
0xa7: {  	s10 =	simm.s32 @!p0 $0xA400;
	s9 =	sadd.s32 @!p0 $0x80, s8  }
0xa8: {  	[tilespmem:s10], [sflag:$0x3] =	stream.strided.gather @!p0 [hbm4b:s9+s2], $0x400, s7, s2, $0x38;
	[tilespmem:$0x18000] =	vst v63  }
0xa9: {  	s9 =	sadd.s32 @!p0 $0x100, s8;
	s10 =	simm.s32 @!p0 $0xA800  }
0xaa: {  	[tilespmem:s10], [sflag:$0x3] =	stream.strided.gather @!p0 [hbm4b:s9+s2], $0x400, s7, s2, $0x38;
	[tilespmem:$0x18000] =	vst v63  }
0xab: {  	s8 =	sadd.s32 @!p0 $0x180, s8;
	s9 =	simm.s32 @!p0 $0xAC00  }
0xac: {  	[tilespmem:s9], [sflag:$0x3] =	stream.strided.gather @!p0 [hbm4b:s8+s2], $0x400, s7, s2, $0x38;
	[tilespmem:$0x18000] =	vst v63  }
0xad: {  	s0 =	sadd.s32 @!p0 $0x72000, s0;
	s2 =	simm.s32 @!p0 $0x0;
	s7 =	simm.s32 @!p0 $0xB000  }
0xae: {  	[tilespmem:s7], [sflag:$0x3] =	stream.linear.gather @!p0 [hbm4b:s0+s2], $0x80, $0x38;
	[tilespmem:$0x18000] =	vst v63  }
0xaf: {  	p2 =	slt.u32 s26, s6;
	s8 =	simm.s32 @!p0 $0xB400;
	s7 =	sadd.s32 @!p0 $0x80, s0  }
0xb0: {  	[tilespmem:s8], [sflag:$0x3] =	stream.linear.gather @!p0 [hbm4b:s7+s2], $0x80, $0x38;
	[tilespmem:$0x18000] =	vst v63  }
.Ltmp4:
0xb1: {  	_ = 	snop;
	(pc) =	sbr.rel @!p2 .LBB2_6-.Ltmp4, $4  }
0xb2: {  	s7 =	sadd.s32 @!p0 $0x100, s0;
	s8 =	simm.s32 @!p0 $0xB800  }
0xb3: {  	[tilespmem:s8], [sflag:$0x3] =	stream.linear.gather @!p0 [hbm4b:s7+s2], $0x80, $0x38;
	[tilespmem:$0x18000] =	vst v63  }
0xb4: {  	p1 =	sne.s32 s24, $0x0;
	s0 =	sadd.s32 @!p0 $0x180, s0;
	s7 =	simm.s32 @!p0 $0xBC00  }
0xb5: {  	[tilespmem:s7], [sflag:$0x3] =	stream.linear.gather @!p0 [hbm4b:s0+s2], $0x80, $0x38;
	[tilespmem:$0x18000] =	vst v63  }
0xb6: {  	s0 =	simm.s32 $0x1  }
0xb7: {  	_ =	swait.ge [sflag:s0], $0x3200  }
0xb8: {  	p2 =	seq.s32 s24, $0x0;
	[sflag:s0] =	ssyncset.done $0x0  }
0xb9: {  	[sflag:s0] =	ssyncadd.s32 $0xFFFFCE00;
	s0 =	simm.s32 @!p2 $0x4  }
0xba: {  	s7 =	simm.s32 $0x0;
	_ =	swait.ge @!p2 [sflag:s0], $0x3200  }
0xbb: {  	s9 =	sor.u32 s7, s7;
	s19 =	sand.u32 $0x70, s7;
	[sflag:s0] =	ssyncset.done @!p2 $0x0  }
0xbc: {  	s2 =	sand.u32 $0xC00, s7;
	s8 =	sor.u32 $0x380, s9;
	[sflag:s0] =	ssyncadd.s32 @!p2 $0xFFFFCE00  }
0xbd: {  	s31 =	sor.u32 s19, s2;
	v6 =	vld [tilespmem:s8+$0x0]  }
0xbe: {  	s2 =	sor.u32 $0x2380, s9;
	v8 =	vld [tilespmem:s31+$0x1300]  }
0xbf: {  	v13 =	vld [tilespmem:s2+$0x0]  }
0xc0: {  	v2 =	vld [tilespmem:s31+$0x200]  }
0xc1: {  	v5 =	vld [tilespmem:s31+$0x280]  }
0xc2: {  	v7 =	vld [tilespmem:s31+$0x300]  }
0xc3: {  	v9 =	vld [tilespmem:s31+$0x100]  }
0xc4: {  	v10 =	vld [tilespmem:s31+$0x80]  }
0xc5: {  	v15 =	vld [tilespmem:s31+$0x0]  }
0xc6: {  	v3 =	vld [tilespmem:s31+$0x2200]  }
0xc7: {  	v12 =	vld [tilespmem:s31+$0x1100]  }
0xc8: {  	v17 =	vld [tilespmem:s31+$0x1000]  }
0xc9: {  	v18 =	vld [tilespmem:s31+$0x1080]  }
0xca: {  	v19 =	vld [tilespmem:s31+$0x1280]  }
0xcb: {  	v20 =	vld [tilespmem:s31+$0x1200]  }
0xcc: {  	v22 =	vld [tilespmem:s31+$0x3000]  }
0xcd: {  	v21 =	vld [tilespmem:s31+$0x2300]  }
0xce: {  	v23 =	vld [tilespmem:s31+$0x2280]  }
0xcf: {  	v24 =	vld [tilespmem:s31+$0x2100]  }
0xd0: {  	s12 =	simm.s32 $0x10;
	s13 =	simm.s32 $0x80;
	v25 =	vld [tilespmem:s31+$0x2080]  }
0xd1: {  	s15 =	sor.u32 s12, s13;
	s10 =	sor.u32 $0x1380, s9;
	v26 =	vld [tilespmem:s31+$0x2000]  }
0xd2: {  	s12 =	sand.u32 $0x70, s12;
	s14 =	sand.u32 $0xC00, s13;
	s9 =	sor.u32 $0x380, s15;
	v27 =	vld [tilespmem:s10+$0x0]  }
0xd3: {  	s28 =	sor.u32 s12, s14;
	v1 =	vld [tilespmem:s9+$0x0]  }
0xd4: {  	s29 =	sor.u32 $0x2380, s15;
	v4 =	vld [tilespmem:s28+$0x1300]  }
0xd5: {  	v0 =	vld [tilespmem:s29+$0x0]  }
0xd6: {  	v31 =	vld [tilespmem:s28+$0x200]  }
0xd7: {  	s20 =	sand.u32 $0xFFFFFC00, s7;
	v30 =	vld [tilespmem:s28+$0x280]  }
0xd8: {  	s0 =	sadd.s32 $0x0, s20;
	v33 =	vld [tilespmem:s28+$0x300]  }
0xd9: {  	s22 =	sand.u32 $0xFFFFFC00, s13;
	s19 =	sor.u32 $0x180, s0;
	v35 =	vld [tilespmem:s28+$0x100]  }
0xda: {  	s23 =	sadd.s32 $0x10, s22;
	v11 =	vld [tilespmem:s19+$0x0];
	v28 =	vsub.f32 v7, v5;
	v29 =	vsub.f32 v5, v2  }
0xdb: {  	s13 =	sor.u32 $0x180, s23;
	v39 =	vld [tilespmem:s28+$0x80];
	v32 =	vsub.f32 v15, v10;
	v10 =	vsub.f32 v10, v3  }
0xdc: {  	s21 =	sor.u32 $0x1180, s0;
	v43 =	vld [tilespmem:s13+$0x0];
	v5 =	vsub.f32 v9, v3;
	v34 =	vsub.f32 v6, v7  }
0xdd: {  	s0 =	sor.u32 $0x2180, s0;
	v14 =	vld [tilespmem:s21+$0x0];
	v38 =	vsub.f32 v18, v17;
	v37 =	vsub.f32 v12, v18  }
0xde: {  	v16 =	vld [tilespmem:s0+$0x0];
	v42 =	vsub.f32 v20, v15;
	v44 =	vsub.f32 v19, v20;
	[tilespmem:s31+$0xC100] =	vst v5  }
0xdf: {  	v7 =	vsub.f32 v23, v21;
	v23 =	vld [tilespmem:s28+$0x1100];
	v11 =	vsub.f32 v11, v9;
	[tilespmem:s31+$0xC080] =	vst v10  }
0xe0: {  	s12 =	sor.u32 $0x1180, s23;
	v20 =	vsub.f32 v24, v25;
	v18 =	vsub.f32 v25, v26;
	v25 =	vld [tilespmem:s28+$0x1080];
	[tilespmem:s31+$0xC000] =	vst v32  }
0xe1: {  	v36 =	vsub.f32 v17, v3;
	v9 =	vsub.f32 v2, v3;
	v2 =	vld [tilespmem:s12+$0x0];
	[tilespmem:s19+$0xC000] =	vst v11  }
0xe2: {  	v40 =	vsub.f32 v8, v19;
	v6 =	vsub.f32 v21, v6;
	v5 =	vld [tilespmem:s28+$0x0];
	[tilespmem:s31+$0xC300] =	vst v28  }
0xe3: {  	s14 =	sor.u32 $0x2180, s23;
	v21 =	vsub.f32 v26, v15;
	v27 =	vsub.f32 v27, v8;
	v10 =	vld [tilespmem:s28+$0x2200];
	[tilespmem:s31+$0xC200] =	vst v9  }
0xe4: {  	v8 =	vsub.f32 v30, v31;
	v41 =	vsub.f32 v14, v12;
	v12 =	vld [tilespmem:s14+$0x0];
	[tilespmem:s31+$0xC280] =	vst v29  }
0xe5: {  	v19 =	vsub.f32 v43, v35;
	v11 =	vsub.f32 v16, v24;
	v16 =	vld [tilespmem:s28+$0x1000];
	[tilespmem:s8+$0xC000] =	vst v34  }
0xe6: {  	v15 =	vsub.f32 v1, v33;
	v32 =	vsub.f32 v22, v14;
	v34 =	vld [tilespmem:s28+$0x1280];
	[tilespmem:s31+$0xD100] =	vst v37  }
0xe7: {  	v9 =	vsub.f32 v33, v30;
	v29 =	vsub.f32 v13, v22;
	v37 =	vld [tilespmem:s28+$0x1200];
	[tilespmem:s31+$0xD080] =	vst v38  }
0xe8: {  	v30 =	vld [tilespmem:s28+$0x3000];
	[tilespmem:s31+$0xD000] =	vst v36;
	v17 =	vsub.f32 v5, v39;
	v26 =	vsub.f32 v39, v10  }
0xe9: {  	v33 =	vld [tilespmem:s28+$0x2280];
	v28 =	vsub.f32 v35, v10;
	v24 =	vsub.f32 v31, v10;
	[tilespmem:s21+$0xC000] =	vst v41  }
0xea: {  	v31 =	vld [tilespmem:s28+$0x2300];
	v13 =	vsub.f32 v16, v10;
	v22 =	vsub.f32 v25, v16;
	[tilespmem:s31+$0xD300] =	vst v40  }
0xeb: {  	v36 =	vld [tilespmem:s28+$0x2080];
	v25 =	vsub.f32 v23, v25;
	[tilespmem:s31+$0xD280] =	vst v44;
	v23 =	vsub.f32 v2, v23  }
0xec: {  	s7 =	simm.s32 $0x20;
	s15 =	sor.u32 $0x1380, s15;
	s8 =	simm.s32 $0x100;
	v35 =	vld [tilespmem:s28+$0x2100];
	[tilespmem:s31+$0xD200] =	vst v42;
	v16 =	vsub.f32 v4, v34;
	v14 =	vsub.f32 v37, v5  }
.LBB2_4:
0xed: {  	s19 =	sand.u32 $0x70, s7;
	s20 =	sand.u32 $0xC00, s8  }
0xee: {  	s21 =	sor.u32 s7, s8;
	v38 =	vld [tilespmem:s28+$0x2000];
	v39 =	vsub.f32 v34, v37;
	[tilespmem:s10+$0xC000] =	vst v27;
	v40 =	vmov v30;
	s10 =	smov.u32 s15;
	s22 =	smov.u32 s7  }
0xef: {  	s23 =	sor.u32 s19, s20;
	s19 =	sor.u32 $0x380, s21;
	s4 =	sor.u32 $0x2380, s21;
	v27 =	vld [tilespmem:s10+$0x0];
	v30 =	vsub.f32 v31, v1;
	[tilespmem:s31+$0xE100] =	vst v20  }
0xf0: {  	p2 =	sne.s32 s7, $0x1F0;
	s7 =	sadd.s32 $0x10, s7;
	s15 =	sor.u32 $0x1380, s21;
	v1 =	vld [tilespmem:s19+$0x0];
	v31 =	vsub.f32 v33, v31;
	[tilespmem:s31+$0xE000] =	vst v21  }
0xf1: {  	s20 =	sand.u32 $0xFFFFFC00, s8;
	v33 =	vld [tilespmem:s23+$0x1300];
	v12 =	vsub.f32 v12, v35;
	[tilespmem:s31+$0xE080] =	vst v18  }
0xf2: {  	v34 =	vsub.f32 v3, v3;
	v3 =	vmov v10;
	s21 =	sadd.s32 s20, s22;
	v37 =	vld [tilespmem:s4+$0x0];
	v20 =	vsub.f32 v35, v36;
	[tilespmem:s0+$0xC000] =	vst v11;
	s0 =	smov.u32 s14  }
0xf3: {  	s22 =	sor.u32 $0x180, s21;
	v35 =	vld [tilespmem:s23+$0x200];
	v21 =	vsub.f32 v38, v5;
	v18 =	vsub.f32 v36, v38;
	[tilespmem:s31+$0xE300] =	vst v6;
	v6 =	vmovc v30;
	v11 =	vmov v12  }
0xf4: {  	v30 =	vld [tilespmem:s23+$0x280];
	v27 =	vsub.f32 v27, v4;
	[tilespmem:s31+$0xE200] =	vst v34  }
0xf5: {  	v36 =	vld [tilespmem:s23+$0x300];
	[tilespmem:s31+$0xE280] =	vst v7;
	v7 =	vmov v31  }
0xf6: {  	s20 =	sor.u32 $0x1180, s21;
	v31 =	vld [tilespmem:s23+$0x100];
	[tilespmem:s2+$0xC000] =	vst v29;
	v4 =	vmov v33;
	s2 =	smov.u32 s29;
	s29 =	smov.u32 s4  }
0xf7: {  	s14 =	sor.u32 $0x2180, s21;
	v33 =	vld [tilespmem:s20+$0x0];
	[tilespmem:s31+$0xF000] =	vst v32;
	s31 =	smov.u32 s28;
	s28 =	smov.u32 s23  }
0xf8: {  	v32 =	vld [tilespmem:s28+$0x80];
	[tilespmem:s31+$0xC100] =	vst v28  }
0xf9: {  	v5 =	vld [tilespmem:s28+$0x0];
	[tilespmem:s31+$0xC080] =	vst v26  }
0xfa: {  	v26 =	vld [tilespmem:s22+$0x0];
	[tilespmem:s31+$0xC000] =	vst v17  }
0xfb: {  	v17 =	vsub.f32 v36, v30;
	v12 =	vld [tilespmem:s14+$0x0];
	[tilespmem:s13+$0xC000] =	vst v19;
	s13 =	smov.u32 s22  }
0xfc: {  	v19 =	vsub.f32 v30, v35;
	v10 =	vld [tilespmem:s28+$0x2200];
	[tilespmem:s31+$0xC300] =	vst v9  }
0xfd: {  	v9 =	vmov v17;
	v38 =	vld [tilespmem:s28+$0x1100];
	[tilespmem:s31+$0xC200] =	vst v24  }
0xfe: {  	v41 =	vld [tilespmem:s28+$0x1000];
	v17 =	vsub.f32 v5, v32;
	[tilespmem:s31+$0xC280] =	vst v8;
	v8 =	vmov v19  }
0xff: {  	v42 =	vld [tilespmem:s28+$0x1080];
	v19 =	vsub.f32 v26, v31;
	[tilespmem:s9+$0xC000] =	vst v15;
	s9 =	smov.u32 s19  }
0x100: {  	v29 =	vsub.f32 v0, v40;
	v0 =	vmov v37;
	v34 =	vld [tilespmem:s28+$0x1280];
	[tilespmem:s31+$0xD100] =	vst v25  }
0x101: {  	v15 =	vsub.f32 v1, v36;
	v37 =	vld [tilespmem:s28+$0x1200];
	v26 =	vsub.f32 v32, v10;
	[tilespmem:s31+$0xD080] =	vst v22  }
.Ltmp5:
0x102: {  	v28 =	vsub.f32 v31, v10;
	v24 =	vsub.f32 v35, v10;
	v30 =	vld [tilespmem:s28+$0x3000];
	[tilespmem:s31+$0xD000] =	vst v13;
	(pc) =	sbr.rel @p2 .LBB2_4-.Ltmp5, $4  }
0x103: {  	v32 =	vsub.f32 v40, v2;
	v2 =	vmov v33;
	v31 =	vld [tilespmem:s28+$0x2300];
	v13 =	vsub.f32 v41, v10;
	[tilespmem:s12+$0xC000] =	vst v23;
	s12 =	smov.u32 s20  }
0x104: {  	v33 =	vld [tilespmem:s28+$0x2280];
	v22 =	vsub.f32 v42, v41;
	v25 =	vsub.f32 v38, v42;
	[tilespmem:s31+$0xD300] =	vst v16  }
0x105: {  	v35 =	vld [tilespmem:s28+$0x2100];
	v16 =	vsub.f32 v4, v34;
	[tilespmem:s31+$0xD280] =	vst v39  }
0x106: {  	s8 =	sadd.s32 $0x80, s8;
	v23 =	vsub.f32 v2, v38;
	v36 =	vld [tilespmem:s28+$0x2080];
	[tilespmem:s31+$0xD200] =	vst v14;
	v14 =	vsub.f32 v37, v5  }
0x107: {  	[tilespmem:s10+$0xC000] =	vst v27  }
0x108: {  	v57 =	vld [tilespmem:s15+$0x0];
	[tilespmem:s28+$0xC100] =	vst v28  }
0x109: {  	[tilespmem:s28+$0xC080] =	vst v26  }
0x10a: {  	[tilespmem:s28+$0xC000] =	vst v17  }
0x10b: {  	[tilespmem:s31+$0xE100] =	vst v20  }
0x10c: {  	[tilespmem:s31+$0xE000] =	vst v21  }
0x10d: {  	[tilespmem:s31+$0xE080] =	vst v18  }
0x10e: {  	v56 =	vld [tilespmem:s28+$0x2000];
	[tilespmem:s13+$0xC000] =	vst v19  }
0x10f: {  	[tilespmem:s0+$0xC000] =	vst v11  }
0x110: {  	[tilespmem:s28+$0xC300] =	vst v9  }
0x111: {  	[tilespmem:s28+$0xC200] =	vst v24  }
0x112: {  	v3 =	vsub.f32 v3, v3;
	[tilespmem:s28+$0xC280] =	vst v8  }
0x113: {  	[tilespmem:s31+$0xE300] =	vst v6  }
0x114: {  	[tilespmem:s31+$0xE200] =	vst v3  }
0x115: {  	[tilespmem:s31+$0xE280] =	vst v7  }
0x116: {  	[tilespmem:s9+$0xC000] =	vst v15  }
0x117: {  	[tilespmem:s2+$0xC000] =	vst v29  }
0x118: {  	[tilespmem:s28+$0xD100] =	vst v25  }
0x119: {  	[tilespmem:s28+$0xD080] =	vst v22  }
0x11a: {  	[tilespmem:s28+$0xD000] =	vst v13  }
0x11b: {  	[tilespmem:s31+$0xF000] =	vst v32  }
0x11c: {  	v58 =	vsub.f32 v34, v37;
	[tilespmem:s12+$0xC000] =	vst v23  }
0x11d: {  	s12 =	sadd.s32 s1, s26;
	[tilespmem:s28+$0xD300] =	vst v16  }
0x11e: {  	v4 =	vsub.f32 v57, v4;
	[tilespmem:s28+$0xD280] =	vst v58;
	s13 =	smulhi.u32 $0x1B4E81B5, s12  }
0x11f: {  	v59 =	vsub.f32 v35, v36;
	[tilespmem:s28+$0xD200] =	vst v14  }
0x120: {  	v5 =	vsub.f32 v56, v5;
	[tilespmem:s15+$0xC000] =	vst v4;
	s2 =	sshrl.u32 s13, $0x5  }
0x121: {  	v3 =	vsub.f32 v36, v56;
	[tilespmem:s28+$0xE100] =	vst v59;
	s4 =	smul.u32 $0x12C, s2  }
0x122: {  	v60 =	vsub.f32 v12, v35;
	[tilespmem:s28+$0xE000] =	vst v5  }
0x123: {  	v1 =	vsub.f32 v31, v1;
	[tilespmem:s28+$0xE080] =	vst v3;
	s0 =	ssub.s32 s12, s4  }
0x124: {  	v61 =	vsub.f32 v10, v10;
	[tilespmem:s14+$0xC000] =	vst v60;
	s2 =	smul.u32 $0x3B6000, s2;
	s4 =	sshll.u32 s0, $0x9  }
0x125: {  	v62 =	vsub.f32 v33, v31;
	[tilespmem:s28+$0xE300] =	vst v1;
	s0 =	sshll.u32 s0, $0x7;
	s4 =	sand.u32 $0x3F000, s4  }
0x126: {  	v0 =	vsub.f32 v0, v30;
	[tilespmem:s28+$0xE200] =	vst v61;
	s0 =	sand.u32 $0x380, s0;
	s2 =	sadd.s32 s2, s4  }
0x127: {  	v63 =	vsub.f32 v30, v2;
	[tilespmem:s28+$0xE280] =	vst v62;
	s0 =	sor.u32 s0, s2  }
0x128: {  	s14 =	rddreg [dreg:$0x1];
	[tilespmem:s29+$0xC000] =	vst v0;
	s0 =	sshrl.u32 s0, $0x3  }
0x129: {  	s15 =	simm.s32 $0xC000;
	[tilespmem:s28+$0xF000] =	vst v63;
	s0 =	sadd.s32 s14, s0  }
0x12a: {  	[hbm4b:s0+s16] =	stream.strided.scatter [tilespmem:s15], [sflag:$0x4], $0x400, s17, s16, $0x38;
	[tilespmem:$0x18000] =	vst v63  }
0x12b: {  	s19 =	simm.s32 $0xC400;
	s18 =	sadd.s32 $0x80, s0  }
0x12c: {  	[hbm4b:s18+s16] =	stream.strided.scatter [tilespmem:s19], [sflag:$0x4], $0x400, s17, s16, $0x38;
	[tilespmem:$0x18000] =	vst v63  }
0x12d: {  	s21 =	simm.s32 $0xC800;
	s20 =	sadd.s32 $0x100, s0  }
0x12e: {  	[hbm4b:s20+s16] =	stream.strided.scatter [tilespmem:s21], [sflag:$0x4], $0x400, s17, s16, $0x38;
	[tilespmem:$0x18000] =	vst v63  }
0x12f: {  	s23 =	simm.s32 $0xCC00;
	s22 =	sadd.s32 $0x180, s0  }
0x130: {  	[hbm4b:s22+s16] =	stream.strided.scatter [tilespmem:s23], [sflag:$0x4], $0x400, s17, s16, $0x38;
	[tilespmem:$0x18000] =	vst v63  }
0x131: {  	s29 =	simm.s32 $0xD000;
	s28 =	sadd.s32 $0x26000, s0  }
0x132: {  	[hbm4b:s28+s16] =	stream.strided.scatter [tilespmem:s29], [sflag:$0x4], $0x400, s17, s16, $0x38;
	[tilespmem:$0x18000] =	vst v63  }
0x133: {  	s7 =	simm.s32 $0xD400;
	s31 =	sadd.s32 $0x80, s28  }
0x134: {  	[hbm4b:s31+s16] =	stream.strided.scatter [tilespmem:s7], [sflag:$0x4], $0x400, s17, s16, $0x38;
	[tilespmem:$0x18000] =	vst v63  }
0x135: {  	s9 =	simm.s32 $0xD800;
	s8 =	sadd.s32 $0x100, s28  }
0x136: {  	[hbm4b:s8+s16] =	stream.strided.scatter [tilespmem:s9], [sflag:$0x4], $0x400, s17, s16, $0x38;
	[tilespmem:$0x18000] =	vst v63  }
0x137: {  	s10 =	simm.s32 $0xDC00;
	s2 =	sadd.s32 $0x180, s28  }
0x138: {  	[hbm4b:s2+s16] =	stream.strided.scatter [tilespmem:s10], [sflag:$0x4], $0x400, s17, s16, $0x38;
	[tilespmem:$0x18000] =	vst v63  }
0x139: {  	s13 =	simm.s32 $0xE000;
	s12 =	sadd.s32 $0x4C000, s0  }
0x13a: {  	[hbm4b:s12+s16] =	stream.strided.scatter [tilespmem:s13], [sflag:$0x4], $0x400, s17, s16, $0x38;
	[tilespmem:$0x18000] =	vst v63  }
0x13b: {  	s15 =	simm.s32 $0xE400;
	s14 =	sadd.s32 $0x80, s12  }
0x13c: {  	[hbm4b:s14+s16] =	stream.strided.scatter [tilespmem:s15], [sflag:$0x4], $0x400, s17, s16, $0x38;
	[tilespmem:$0x18000] =	vst v63  }
0x13d: {  	s18 =	sadd.s32 $0x100, s12;
	s19 =	simm.s32 $0xE800  }
0x13e: {  	[hbm4b:s18+s16] =	stream.strided.scatter [tilespmem:s19], [sflag:$0x4], $0x400, s17, s16, $0x38;
	[tilespmem:$0x18000] =	vst v63  }
0x13f: {  	s20 =	simm.s32 $0xEC00;
	s2 =	sadd.s32 $0x180, s12  }
0x140: {  	[hbm4b:s2+s16] =	stream.strided.scatter [tilespmem:s20], [sflag:$0x4], $0x400, s17, s16, $0x38;
	[tilespmem:$0x18000] =	vst v63  }
0x141: {  	s0 =	sadd.s32 $0x72000, s0;
	s21 =	simm.s32 $0xF000  }
0x142: {  	[hbm4b:s0+s5] =	stream.linear.scatter [tilespmem:s21], [sflag:$0x4], $0x80, $0x38;
	[tilespmem:$0x18000] =	vst v63  }
0x143: {  	s22 =	sadd.s32 $0x80, s0;
	s23 =	simm.s32 $0xF400  }
0x144: {  	[hbm4b:s22+s5] =	stream.linear.scatter [tilespmem:s23], [sflag:$0x4], $0x80, $0x38;
	[tilespmem:$0x18000] =	vst v63  }
0x145: {  	s28 =	sadd.s32 $0x100, s0;
	s29 =	simm.s32 $0xF800  }
0x146: {  	[hbm4b:s28+s5] =	stream.linear.scatter [tilespmem:s29], [sflag:$0x4], $0x80, $0x38;
	[tilespmem:$0x18000] =	vst v63  }
0x147: {  	s31 =	simm.s32 $0xFC00;
	s0 =	sadd.s32 $0x180, s0  }
0x148: {  	[hbm4b:s0+s5] =	stream.linear.scatter [tilespmem:s31], [sflag:$0x4], $0x80, $0x38;
	[tilespmem:$0x18000] =	vst v63  }
.LBB2_6:
0x149: {  	s0 =	sadd.s32 $0x3, s26  }
0x14a: {  	p2 =	sge.u32 s0, s6  }
0x14b: {  	s0 =	sadd.s32 @!p2 s1, s0  }
0x14c: {  	s2 =	smulhi.u32 @!p2 $0x1B4E81B5, s0;
	_ =	sdelay $0x1  }
0x14d: {  	s2 =	sshrl.u32 @!p2 s2, $0x5  }
0x14e: {  	s4 =	smul.u32 @!p2 $0x12C, s2;
	_ =	sdelay $0x1  }
0x14f: {  	s0 =	ssub.s32 @!p2 s0, s4  }
0x150: {  	s2 =	smul.u32 @!p2 $0x3B6000, s2;
	s4 =	sshll.u32 @!p2 s0, $0x9  }
0x151: {  	s0 =	sshll.u32 @!p2 s0, $0x7;
	s4 =	sand.u32 @!p2 $0x3F000, s4  }
0x152: {  	s0 =	sand.u32 @!p2 $0x380, s0;
	s2 =	sadd.s32 @!p2 s2, s4  }
0x153: {  	s0 =	sor.u32 @!p2 s0, s2  }
0x154: {  	s7 =	simm.s32 @!p2 $0x0;
	s0 =	sshrl.u32 @!p2 s0, $0x3  }
0x155: {  	s4 =	simm.s32 @!p2 $0x26000;
	s2 =	simm.s32 @!p2 $0x80;
	s0 =	sadd.s32 @!p2 s3, s0  }
0x156: {  	[tilespmem:s7], [sflag:$0x1] =	stream.strided.gather @!p2 [hbm4b:s0+s2], $0x400, s4, s2, $0x38;
	[tilespmem:$0x18000] =	vst v63  }
0x157: {  	s9 =	simm.s32 @!p2 $0x400;
	s8 =	sadd.s32 @!p2 $0x80, s0  }
0x158: {  	[tilespmem:s9], [sflag:$0x1] =	stream.strided.gather @!p2 [hbm4b:s8+s2], $0x400, s4, s2, $0x38;
	[tilespmem:$0x18000] =	vst v63  }
0x159: {  	s8 =	sadd.s32 @!p2 $0x100, s0;
	s9 =	simm.s32 @!p2 $0x800  }
0x15a: {  	[tilespmem:s9], [sflag:$0x1] =	stream.strided.gather @!p2 [hbm4b:s8+s2], $0x400, s4, s2, $0x38;
	[tilespmem:$0x18000] =	vst v63  }
0x15b: {  	s8 =	sadd.s32 @!p2 $0x180, s0;
	s9 =	simm.s32 @!p2 $0xC00  }
0x15c: {  	[tilespmem:s9], [sflag:$0x1] =	stream.strided.gather @!p2 [hbm4b:s8+s2], $0x400, s4, s2, $0x38;
	[tilespmem:$0x18000] =	vst v63  }
0x15d: {  	s8 =	sadd.s32 @!p2 $0x26000, s0;
	s9 =	simm.s32 @!p2 $0x1000  }
0x15e: {  	[tilespmem:s9], [sflag:$0x1] =	stream.strided.gather @!p2 [hbm4b:s8+s2], $0x400, s4, s2, $0x38;
	[tilespmem:$0x18000] =	vst v63  }
0x15f: {  	s10 =	simm.s32 @!p2 $0x1400;
	s9 =	sadd.s32 @!p2 $0x80, s8  }
0x160: {  	[tilespmem:s10], [sflag:$0x1] =	stream.strided.gather @!p2 [hbm4b:s9+s2], $0x400, s4, s2, $0x38;
	[tilespmem:$0x18000] =	vst v63  }
0x161: {  	s9 =	sadd.s32 @!p2 $0x100, s8;
	s10 =	simm.s32 @!p2 $0x1800  }
0x162: {  	[tilespmem:s10], [sflag:$0x1] =	stream.strided.gather @!p2 [hbm4b:s9+s2], $0x400, s4, s2, $0x38;
	[tilespmem:$0x18000] =	vst v63  }
0x163: {  	s8 =	sadd.s32 @!p2 $0x180, s8;
	s9 =	simm.s32 @!p2 $0x1C00  }
0x164: {  	[tilespmem:s9], [sflag:$0x1] =	stream.strided.gather @!p2 [hbm4b:s8+s2], $0x400, s4, s2, $0x38;
	[tilespmem:$0x18000] =	vst v63  }
0x165: {  	s8 =	sadd.s32 @!p2 $0x4C000, s0;
	s9 =	simm.s32 @!p2 $0x2000  }
0x166: {  	[tilespmem:s9], [sflag:$0x1] =	stream.strided.gather @!p2 [hbm4b:s8+s2], $0x400, s4, s2, $0x38;
	[tilespmem:$0x18000] =	vst v63  }
0x167: {  	s10 =	simm.s32 @!p2 $0x2400;
	s9 =	sadd.s32 @!p2 $0x80, s8  }
0x168: {  	[tilespmem:s10], [sflag:$0x1] =	stream.strided.gather @!p2 [hbm4b:s9+s2], $0x400, s4, s2, $0x38;
	[tilespmem:$0x18000] =	vst v63  }
0x169: {  	s9 =	sadd.s32 @!p2 $0x100, s8;
	s10 =	simm.s32 @!p2 $0x2800  }
0x16a: {  	[tilespmem:s10], [sflag:$0x1] =	stream.strided.gather @!p2 [hbm4b:s9+s2], $0x400, s4, s2, $0x38;
	[tilespmem:$0x18000] =	vst v63  }
0x16b: {  	s8 =	sadd.s32 @!p2 $0x180, s8;
	s9 =	simm.s32 @!p2 $0x2C00  }
0x16c: {  	[tilespmem:s9], [sflag:$0x1] =	stream.strided.gather @!p2 [hbm4b:s8+s2], $0x400, s4, s2, $0x38;
	[tilespmem:$0x18000] =	vst v63  }
0x16d: {  	s0 =	sadd.s32 @!p2 $0x72000, s0;
	s2 =	simm.s32 @!p2 $0x3000  }
0x16e: {  	[tilespmem:s2], [sflag:$0x1] =	stream.linear.gather @!p2 [hbm4b:s0+s7], $0x80, $0x38;
	[tilespmem:$0x18000] =	vst v63  }
0x16f: {  	s4 =	simm.s32 @!p2 $0x3400;
	s2 =	sadd.s32 @!p2 $0x80, s0  }
0x170: {  	[tilespmem:s4], [sflag:$0x1] =	stream.linear.gather @!p2 [hbm4b:s2+s7], $0x80, $0x38;
	[tilespmem:$0x18000] =	vst v63  }
0x171: {  	s2 =	sadd.s32 @!p2 $0x100, s0;
	s4 =	simm.s32 @!p2 $0x3800  }
0x172: {  	[tilespmem:s4], [sflag:$0x1] =	stream.linear.gather @!p2 [hbm4b:s2+s7], $0x80, $0x38;
	[tilespmem:$0x18000] =	vst v63  }
0x173: {  	s28 =	sadd.s32 $0x1, s26;
	s0 =	sadd.s32 @!p2 $0x180, s0;
	s2 =	simm.s32 @!p2 $0x3C00  }
0x174: {  	[tilespmem:s2], [sflag:$0x1] =	stream.linear.gather @!p2 [hbm4b:s0+s7], $0x80, $0x38;
	[tilespmem:$0x18000] =	vst v63  }
0x175: {  	p2 =	sge.u32 s28, s6  }
.Ltmp6:
0x176: {  	_ = 	snop;
	(pc) =	sbr.rel @p2 .LBB2_10-.Ltmp6, $1  }
0x177: {  	_ =	sdelay $0x3  }
0x178: {  	_ =	swait.ge [sflag:s11], $0x3200  }
0x179: {  	[sflag:s11] =	ssyncset.done $0x0  }
0x17a: {  	s0 =	simm.s32 @p1 $0x5;
	[sflag:s11] =	ssyncadd.s32 $0xFFFFCE00  }
0x17b: {  	s4 =	simm.s32 $0x0;
	_ =	swait.ge @p1 [sflag:s0], $0x3200  }
0x17c: {  	s10 =	sor.u32 s4, s4;
	s21 =	sand.u32 $0x70, s4;
	[sflag:s0] =	ssyncset.done @p1 $0x0  }
0x17d: {  	s2 =	sand.u32 $0xC00, s4;
	s8 =	sor.u32 $0x380, s10;
	[sflag:s0] =	ssyncadd.s32 @p1 $0xFFFFCE00  }
0x17e: {  	s2 =	sor.u32 s21, s2;
	v6 =	vld [tilespmem:s8+$0x4000]  }
0x17f: {  	s0 =	sor.u32 $0x2380, s10;
	v8 =	vld [tilespmem:s2+$0x5300]  }
0x180: {  	v13 =	vld [tilespmem:s0+$0x4000]  }
0x181: {  	v2 =	vld [tilespmem:s2+$0x4200]  }
0x182: {  	s4 =	sand.u32 $0xFFFFFC00, s4;
	v5 =	vld [tilespmem:s2+$0x4280]  }
0x183: {  	s4 =	sadd.s32 $0x0, s4;
	v7 =	vld [tilespmem:s2+$0x4300]  }
0x184: {  	s7 =	sor.u32 $0x1180, s4;
	v9 =	vld [tilespmem:s2+$0x4100]  }
0x185: {  	v14 =	vld [tilespmem:s7+$0x4000]  }
0x186: {  	v10 =	vld [tilespmem:s2+$0x4080]  }
0x187: {  	s20 =	sor.u32 $0x180, s4;
	v15 =	vld [tilespmem:s2+$0x4000]  }
0x188: {  	s9 =	sor.u32 $0x2180, s4;
	v11 =	vld [tilespmem:s20+$0x4000]  }
0x189: {  	v16 =	vld [tilespmem:s9+$0x4000]  }
0x18a: {  	v3 =	vld [tilespmem:s2+$0x6200]  }
0x18b: {  	v12 =	vld [tilespmem:s2+$0x5100]  }
0x18c: {  	v17 =	vld [tilespmem:s2+$0x5000]  }
0x18d: {  	v18 =	vld [tilespmem:s2+$0x5080]  }
0x18e: {  	v19 =	vld [tilespmem:s2+$0x5280]  }
0x18f: {  	v20 =	vld [tilespmem:s2+$0x5200]  }
0x190: {  	v22 =	vld [tilespmem:s2+$0x7000]  }
0x191: {  	v21 =	vld [tilespmem:s2+$0x6300]  }
0x192: {  	v23 =	vld [tilespmem:s2+$0x6280]  }
0x193: {  	v24 =	vld [tilespmem:s2+$0x6100]  }
0x194: {  	s22 =	simm.s32 $0x10;
	s13 =	simm.s32 $0x80;
	v25 =	vld [tilespmem:s2+$0x6080]  }
0x195: {  	s19 =	sor.u32 s22, s13;
	s12 =	sor.u32 $0x1380, s10;
	v26 =	vld [tilespmem:s2+$0x6000]  }
0x196: {  	s14 =	sand.u32 $0xC00, s13;
	s4 =	sand.u32 $0x70, s22;
	s10 =	sor.u32 $0x380, s19;
	v27 =	vld [tilespmem:s12+$0x4000]  }
0x197: {  	s29 =	sor.u32 s4, s14;
	v1 =	vld [tilespmem:s10+$0x4000]  }
0x198: {  	s31 =	sor.u32 $0x2380, s19;
	v4 =	vld [tilespmem:s29+$0x5300]  }
0x199: {  	v0 =	vld [tilespmem:s31+$0x4000]  }
0x19a: {  	v31 =	vld [tilespmem:s29+$0x4200]  }
0x19b: {  	v30 =	vld [tilespmem:s29+$0x4280];
	v28 =	vsub.f32 v7, v5;
	v29 =	vsub.f32 v5, v2  }
0x19c: {  	s23 =	sand.u32 $0xFFFFFC00, s13;
	v33 =	vld [tilespmem:s29+$0x4300];
	v32 =	vsub.f32 v15, v10;
	v11 =	vsub.f32 v11, v9  }
0x19d: {  	s4 =	sadd.s32 $0x10, s23;
	v35 =	vld [tilespmem:s29+$0x4100];
	v10 =	vsub.f32 v10, v3;
	v5 =	vsub.f32 v9, v3  }
0x19e: {  	s14 =	sor.u32 $0x180, s4;
	v39 =	vld [tilespmem:s29+$0x4080];
	v34 =	vsub.f32 v6, v7;
	v9 =	vsub.f32 v2, v3  }
0x19f: {  	s13 =	sor.u32 $0x1180, s4;
	v43 =	vld [tilespmem:s14+$0x4000];
	v36 =	vsub.f32 v17, v3;
	v38 =	vsub.f32 v18, v17;
	[tilespmem:s2+$0x10100] =	vst v5  }
0x1a0: {  	s15 =	sor.u32 $0x2180, s4;
	v2 =	vld [tilespmem:s13+$0x4000];
	v37 =	vsub.f32 v12, v18;
	v40 =	vsub.f32 v8, v19;
	[tilespmem:s2+$0x10080] =	vst v10  }
0x1a1: {  	v41 =	vsub.f32 v14, v12;
	v42 =	vsub.f32 v20, v15;
	v12 =	vld [tilespmem:s15+$0x4000];
	[tilespmem:s2+$0x10000] =	vst v32  }
0x1a2: {  	v44 =	vsub.f32 v19, v20;
	v7 =	vsub.f32 v23, v21;
	v23 =	vld [tilespmem:s29+$0x5100];
	[tilespmem:s20+$0x10000] =	vst v11  }
0x1a3: {  	v6 =	vsub.f32 v21, v6;
	v20 =	vsub.f32 v24, v25;
	v5 =	vld [tilespmem:s29+$0x4000];
	[tilespmem:s2+$0x10300] =	vst v28  }
0x1a4: {  	v21 =	vsub.f32 v26, v15;
	v18 =	vsub.f32 v25, v26;
	v10 =	vld [tilespmem:s29+$0x6200];
	[tilespmem:s2+$0x10200] =	vst v9  }
0x1a5: {  	v27 =	vsub.f32 v27, v8;
	v8 =	vsub.f32 v30, v31;
	v25 =	vld [tilespmem:s29+$0x5080];
	[tilespmem:s2+$0x10280] =	vst v29  }
0x1a6: {  	v19 =	vsub.f32 v43, v35;
	v11 =	vsub.f32 v16, v24;
	v16 =	vld [tilespmem:s29+$0x5000];
	[tilespmem:s8+$0x10000] =	vst v34  }
0x1a7: {  	v15 =	vsub.f32 v1, v33;
	v32 =	vsub.f32 v22, v14;
	v34 =	vld [tilespmem:s29+$0x5280];
	[tilespmem:s2+$0x11100] =	vst v37  }
0x1a8: {  	v9 =	vsub.f32 v33, v30;
	v29 =	vsub.f32 v13, v22;
	v37 =	vld [tilespmem:s29+$0x5200];
	[tilespmem:s2+$0x11080] =	vst v38  }
0x1a9: {  	v30 =	vld [tilespmem:s29+$0x7000];
	[tilespmem:s2+$0x11000] =	vst v36;
	v17 =	vsub.f32 v5, v39;
	v26 =	vsub.f32 v39, v10  }
0x1aa: {  	v33 =	vld [tilespmem:s29+$0x6280];
	v28 =	vsub.f32 v35, v10;
	v24 =	vsub.f32 v31, v10;
	[tilespmem:s7+$0x10000] =	vst v41  }
0x1ab: {  	v31 =	vld [tilespmem:s29+$0x6300];
	v13 =	vsub.f32 v16, v10;
	v22 =	vsub.f32 v25, v16;
	[tilespmem:s2+$0x11300] =	vst v40  }
0x1ac: {  	v36 =	vld [tilespmem:s29+$0x6080];
	v25 =	vsub.f32 v23, v25;
	[tilespmem:s2+$0x11280] =	vst v44;
	v23 =	vsub.f32 v2, v23  }
0x1ad: {  	s8 =	simm.s32 $0x20;
	v35 =	vld [tilespmem:s29+$0x6100];
	s7 =	sor.u32 $0x1380, s19;
	s19 =	simm.s32 $0x100;
	[tilespmem:s2+$0x11200] =	vst v42;
	v16 =	vsub.f32 v4, v34;
	v14 =	vsub.f32 v37, v5  }
.LBB2_8:
0x1ae: {  	s4 =	sand.u32 $0x70, s8;
	s20 =	sand.u32 $0xC00, s19  }
0x1af: {  	s21 =	sor.u32 s8, s19;
	v38 =	vld [tilespmem:s29+$0x6000];
	v39 =	vsub.f32 v34, v37;
	[tilespmem:s12+$0x10000] =	vst v27;
	v40 =	vmov v30;
	s12 =	smov.u32 s7;
	s22 =	smov.u32 s8  }
0x1b0: {  	s4 =	sor.u32 s4, s20;
	s20 =	sor.u32 $0x380, s21;
	s23 =	sor.u32 $0x2380, s21;
	v27 =	vld [tilespmem:s12+$0x4000];
	v30 =	vsub.f32 v31, v1;
	[tilespmem:s2+$0x12100] =	vst v20  }
0x1b1: {  	p2 =	sne.s32 s8, $0x1F0;
	s8 =	sadd.s32 $0x10, s8;
	s7 =	sor.u32 $0x1380, s21;
	v1 =	vld [tilespmem:s20+$0x4000];
	v31 =	vsub.f32 v33, v31;
	[tilespmem:s2+$0x12000] =	vst v21  }
0x1b2: {  	s21 =	sand.u32 $0xFFFFFC00, s19;
	v33 =	vld [tilespmem:s4+$0x5300];
	v12 =	vsub.f32 v12, v35;
	[tilespmem:s2+$0x12080] =	vst v18  }
0x1b3: {  	v34 =	vsub.f32 v3, v3;
	v3 =	vmov v10;
	s22 =	sadd.s32 s21, s22;
	v37 =	vld [tilespmem:s23+$0x4000];
	v20 =	vsub.f32 v35, v36;
	[tilespmem:s9+$0x10000] =	vst v11;
	s9 =	smov.u32 s15  }
0x1b4: {  	s18 =	sor.u32 $0x180, s22;
	v35 =	vld [tilespmem:s4+$0x4200];
	v21 =	vsub.f32 v38, v5;
	v18 =	vsub.f32 v36, v38;
	[tilespmem:s2+$0x12300] =	vst v6;
	v6 =	vmovc v30;
	v11 =	vmov v12  }
0x1b5: {  	v30 =	vld [tilespmem:s4+$0x4280];
	v27 =	vsub.f32 v27, v4;
	[tilespmem:s2+$0x12200] =	vst v34  }
0x1b6: {  	v36 =	vld [tilespmem:s4+$0x4300];
	[tilespmem:s2+$0x12280] =	vst v7;
	v7 =	vmov v31  }
0x1b7: {  	s21 =	sor.u32 $0x1180, s22;
	v31 =	vld [tilespmem:s4+$0x4100];
	[tilespmem:s0+$0x10000] =	vst v29;
	v4 =	vmov v33;
	s0 =	smov.u32 s31;
	s31 =	smov.u32 s23  }
0x1b8: {  	s15 =	sor.u32 $0x2180, s22;
	v33 =	vld [tilespmem:s21+$0x4000];
	[tilespmem:s2+$0x13000] =	vst v32;
	s2 =	smov.u32 s29;
	s29 =	smov.u32 s4  }
0x1b9: {  	v32 =	vld [tilespmem:s29+$0x4080];
	[tilespmem:s2+$0x10100] =	vst v28  }
0x1ba: {  	v5 =	vld [tilespmem:s29+$0x4000];
	[tilespmem:s2+$0x10080] =	vst v26  }
0x1bb: {  	v26 =	vld [tilespmem:s18+$0x4000];
	[tilespmem:s2+$0x10000] =	vst v17  }
0x1bc: {  	v17 =	vsub.f32 v36, v30;
	v12 =	vld [tilespmem:s15+$0x4000];
	[tilespmem:s14+$0x10000] =	vst v19;
	s14 =	smov.u32 s18  }
0x1bd: {  	v19 =	vsub.f32 v30, v35;
	v10 =	vld [tilespmem:s29+$0x6200];
	[tilespmem:s2+$0x10300] =	vst v9  }
0x1be: {  	v9 =	vmov v17;
	v38 =	vld [tilespmem:s29+$0x5100];
	[tilespmem:s2+$0x10200] =	vst v24  }
0x1bf: {  	v41 =	vld [tilespmem:s29+$0x5000];
	v17 =	vsub.f32 v5, v32;
	[tilespmem:s2+$0x10280] =	vst v8;
	v8 =	vmov v19  }
0x1c0: {  	v42 =	vld [tilespmem:s29+$0x5080];
	v19 =	vsub.f32 v26, v31;
	[tilespmem:s10+$0x10000] =	vst v15;
	s10 =	smov.u32 s20  }
0x1c1: {  	v29 =	vsub.f32 v0, v40;
	v0 =	vmov v37;
	v34 =	vld [tilespmem:s29+$0x5280];
	[tilespmem:s2+$0x11100] =	vst v25  }
0x1c2: {  	v15 =	vsub.f32 v1, v36;
	v37 =	vld [tilespmem:s29+$0x5200];
	v26 =	vsub.f32 v32, v10;
	[tilespmem:s2+$0x11080] =	vst v22  }
.Ltmp7:
0x1c3: {  	v28 =	vsub.f32 v31, v10;
	v24 =	vsub.f32 v35, v10;
	v30 =	vld [tilespmem:s29+$0x7000];
	[tilespmem:s2+$0x11000] =	vst v13;
	(pc) =	sbr.rel @p2 .LBB2_8-.Ltmp7, $4  }
0x1c4: {  	v32 =	vsub.f32 v40, v2;
	v2 =	vmov v33;
	v31 =	vld [tilespmem:s29+$0x6300];
	v13 =	vsub.f32 v41, v10;
	[tilespmem:s13+$0x10000] =	vst v23;
	s13 =	smov.u32 s21  }
0x1c5: {  	v33 =	vld [tilespmem:s29+$0x6280];
	v22 =	vsub.f32 v42, v41;
	v25 =	vsub.f32 v38, v42;
	[tilespmem:s2+$0x11300] =	vst v16  }
0x1c6: {  	v35 =	vld [tilespmem:s29+$0x6100];
	v16 =	vsub.f32 v4, v34;
	[tilespmem:s2+$0x11280] =	vst v39  }
0x1c7: {  	s19 =	sadd.s32 $0x80, s19;
	v23 =	vsub.f32 v2, v38;
	v36 =	vld [tilespmem:s29+$0x6080];
	[tilespmem:s2+$0x11200] =	vst v14;
	v14 =	vsub.f32 v37, v5  }
0x1c8: {  	[tilespmem:s12+$0x10000] =	vst v27  }
0x1c9: {  	v57 =	vld [tilespmem:s7+$0x4000];
	[tilespmem:s29+$0x10100] =	vst v28  }
0x1ca: {  	[tilespmem:s29+$0x10080] =	vst v26  }
0x1cb: {  	[tilespmem:s29+$0x10000] =	vst v17  }
0x1cc: {  	[tilespmem:s2+$0x12100] =	vst v20  }
0x1cd: {  	[tilespmem:s2+$0x12000] =	vst v21  }
0x1ce: {  	[tilespmem:s2+$0x12080] =	vst v18  }
0x1cf: {  	v56 =	vld [tilespmem:s29+$0x6000];
	[tilespmem:s14+$0x10000] =	vst v19  }
0x1d0: {  	[tilespmem:s9+$0x10000] =	vst v11  }
0x1d1: {  	[tilespmem:s29+$0x10300] =	vst v9  }
0x1d2: {  	[tilespmem:s29+$0x10200] =	vst v24  }
0x1d3: {  	v3 =	vsub.f32 v3, v3;
	[tilespmem:s29+$0x10280] =	vst v8  }
0x1d4: {  	[tilespmem:s2+$0x12300] =	vst v6  }
0x1d5: {  	[tilespmem:s2+$0x12200] =	vst v3  }
0x1d6: {  	[tilespmem:s2+$0x12280] =	vst v7  }
0x1d7: {  	[tilespmem:s10+$0x10000] =	vst v15  }
0x1d8: {  	[tilespmem:s0+$0x10000] =	vst v29  }
0x1d9: {  	[tilespmem:s29+$0x11100] =	vst v25  }
0x1da: {  	[tilespmem:s29+$0x11080] =	vst v22  }
0x1db: {  	[tilespmem:s29+$0x11000] =	vst v13  }
0x1dc: {  	[tilespmem:s2+$0x13000] =	vst v32  }
0x1dd: {  	v58 =	vsub.f32 v34, v37;
	[tilespmem:s13+$0x10000] =	vst v23  }
0x1de: {  	s10 =	sadd.s32 s1, s28;
	[tilespmem:s29+$0x11300] =	vst v16  }
0x1df: {  	s12 =	smulhi.u32 $0x1B4E81B5, s10;
	v4 =	vsub.f32 v57, v4;
	[tilespmem:s29+$0x11280] =	vst v58  }
0x1e0: {  	v59 =	vsub.f32 v35, v36;
	[tilespmem:s29+$0x11200] =	vst v14  }
0x1e1: {  	v5 =	vsub.f32 v56, v5;
	s2 =	sshrl.u32 s12, $0x5;
	[tilespmem:s7+$0x10000] =	vst v4  }
0x1e2: {  	v3 =	vsub.f32 v36, v56;
	s4 =	smul.u32 $0x12C, s2;
	[tilespmem:s29+$0x12100] =	vst v59  }
0x1e3: {  	v60 =	vsub.f32 v12, v35;
	[tilespmem:s29+$0x12000] =	vst v5  }
0x1e4: {  	v1 =	vsub.f32 v31, v1;
	[tilespmem:s29+$0x12080] =	vst v3;
	s0 =	ssub.s32 s10, s4  }
0x1e5: {  	v61 =	vsub.f32 v10, v10;
	s2 =	smul.u32 $0x3B6000, s2;
	[tilespmem:s15+$0x10000] =	vst v60;
	s4 =	sshll.u32 s0, $0x9  }
0x1e6: {  	v62 =	vsub.f32 v33, v31;
	[tilespmem:s29+$0x12300] =	vst v1;
	s0 =	sshll.u32 s0, $0x7;
	s4 =	sand.u32 $0x3F000, s4  }
0x1e7: {  	v0 =	vsub.f32 v0, v30;
	[tilespmem:s29+$0x12200] =	vst v61;
	s0 =	sand.u32 $0x380, s0;
	s2 =	sadd.s32 s2, s4  }
0x1e8: {  	v63 =	vsub.f32 v30, v2;
	[tilespmem:s29+$0x12280] =	vst v62;
	s0 =	sor.u32 s0, s2  }
0x1e9: {  	s13 =	rddreg [dreg:$0x1];
	[tilespmem:s31+$0x10000] =	vst v0;
	s0 =	sshrl.u32 s0, $0x3  }
0x1ea: {  	s14 =	simm.s32 $0x10000;
	[tilespmem:s29+$0x13000] =	vst v63;
	s0 =	sadd.s32 s13, s0  }
0x1eb: {  	[hbm4b:s0+s16] =	stream.strided.scatter [tilespmem:s14], [sflag:$0x5], $0x400, s17, s16, $0x38;
	[tilespmem:$0x18000] =	vst v63  }
0x1ec: {  	s18 =	simm.s32 $0x10400;
	s15 =	sadd.s32 $0x80, s0  }
0x1ed: {  	[hbm4b:s15+s16] =	stream.strided.scatter [tilespmem:s18], [sflag:$0x5], $0x400, s17, s16, $0x38;
	[tilespmem:$0x18000] =	vst v63  }
0x1ee: {  	s20 =	simm.s32 $0x10800;
	s19 =	sadd.s32 $0x100, s0  }
0x1ef: {  	[hbm4b:s19+s16] =	stream.strided.scatter [tilespmem:s20], [sflag:$0x5], $0x400, s17, s16, $0x38;
	[tilespmem:$0x18000] =	vst v63  }
0x1f0: {  	s22 =	simm.s32 $0x10C00;
	s21 =	sadd.s32 $0x180, s0  }
0x1f1: {  	[hbm4b:s21+s16] =	stream.strided.scatter [tilespmem:s22], [sflag:$0x5], $0x400, s17, s16, $0x38;
	[tilespmem:$0x18000] =	vst v63  }
0x1f2: {  	s28 =	simm.s32 $0x11000;
	s23 =	sadd.s32 $0x26000, s0  }
0x1f3: {  	[hbm4b:s23+s16] =	stream.strided.scatter [tilespmem:s28], [sflag:$0x5], $0x400, s17, s16, $0x38;
	[tilespmem:$0x18000] =	vst v63  }
0x1f4: {  	s31 =	simm.s32 $0x11400;
	s29 =	sadd.s32 $0x80, s23  }
0x1f5: {  	[hbm4b:s29+s16] =	stream.strided.scatter [tilespmem:s31], [sflag:$0x5], $0x400, s17, s16, $0x38;
	[tilespmem:$0x18000] =	vst v63  }
0x1f6: {  	s9 =	simm.s32 $0x11800;
	s8 =	sadd.s32 $0x100, s23  }
0x1f7: {  	[hbm4b:s8+s16] =	stream.strided.scatter [tilespmem:s9], [sflag:$0x5], $0x400, s17, s16, $0x38;
	[tilespmem:$0x18000] =	vst v63  }
0x1f8: {  	s10 =	simm.s32 $0x11C00;
	s2 =	sadd.s32 $0x180, s23  }
0x1f9: {  	[hbm4b:s2+s16] =	stream.strided.scatter [tilespmem:s10], [sflag:$0x5], $0x400, s17, s16, $0x38;
	[tilespmem:$0x18000] =	vst v63  }
0x1fa: {  	s13 =	simm.s32 $0x12000;
	s12 =	sadd.s32 $0x4C000, s0  }
0x1fb: {  	[hbm4b:s12+s16] =	stream.strided.scatter [tilespmem:s13], [sflag:$0x5], $0x400, s17, s16, $0x38;
	[tilespmem:$0x18000] =	vst v63  }
0x1fc: {  	s14 =	sadd.s32 $0x80, s12;
	s15 =	simm.s32 $0x12400  }
0x1fd: {  	[hbm4b:s14+s16] =	stream.strided.scatter [tilespmem:s15], [sflag:$0x5], $0x400, s17, s16, $0x38;
	[tilespmem:$0x18000] =	vst v63  }
0x1fe: {  	s18 =	sadd.s32 $0x100, s12;
	s19 =	simm.s32 $0x12800  }
0x1ff: {  	[hbm4b:s18+s16] =	stream.strided.scatter [tilespmem:s19], [sflag:$0x5], $0x400, s17, s16, $0x38;
	[tilespmem:$0x18000] =	vst v63  }
0x200: {  	s20 =	simm.s32 $0x12C00;
	s2 =	sadd.s32 $0x180, s12  }
0x201: {  	[hbm4b:s2+s16] =	stream.strided.scatter [tilespmem:s20], [sflag:$0x5], $0x400, s17, s16, $0x38;
	[tilespmem:$0x18000] =	vst v63  }
0x202: {  	s0 =	sadd.s32 $0x72000, s0;
	s21 =	simm.s32 $0x13000  }
0x203: {  	[hbm4b:s0+s5] =	stream.linear.scatter [tilespmem:s21], [sflag:$0x5], $0x80, $0x38;
	[tilespmem:$0x18000] =	vst v63  }
0x204: {  	s22 =	sadd.s32 $0x80, s0;
	s23 =	simm.s32 $0x13400  }
0x205: {  	[hbm4b:s22+s5] =	stream.linear.scatter [tilespmem:s23], [sflag:$0x5], $0x80, $0x38;
	[tilespmem:$0x18000] =	vst v63  }
0x206: {  	s28 =	sadd.s32 $0x100, s0;
	s29 =	simm.s32 $0x13800  }
0x207: {  	[hbm4b:s28+s5] =	stream.linear.scatter [tilespmem:s29], [sflag:$0x5], $0x80, $0x38;
	[tilespmem:$0x18000] =	vst v63  }
0x208: {  	s31 =	simm.s32 $0x13C00;
	s0 =	sadd.s32 $0x180, s0  }
0x209: {  	[hbm4b:s0+s5] =	stream.linear.scatter [tilespmem:s31], [sflag:$0x5], $0x80, $0x38;
	[tilespmem:$0x18000] =	vst v63  }
.LBB2_10:
0x20a: {  	s0 =	sadd.s32 $0x4, s26  }
0x20b: {  	p2 =	sge.u32 s0, s6  }
0x20c: {  	s0 =	sadd.s32 @!p2 s1, s0  }
0x20d: {  	s2 =	smulhi.u32 @!p2 $0x1B4E81B5, s0;
	_ =	sdelay $0x1  }
0x20e: {  	s2 =	sshrl.u32 @!p2 s2, $0x5  }
0x20f: {  	s4 =	smul.u32 @!p2 $0x12C, s2;
	_ =	sdelay $0x1  }
0x210: {  	s0 =	ssub.s32 @!p2 s0, s4  }
0x211: {  	s2 =	smul.u32 @!p2 $0x3B6000, s2;
	s4 =	sshll.u32 @!p2 s0, $0x9  }
0x212: {  	s0 =	sshll.u32 @!p2 s0, $0x7;
	s4 =	sand.u32 @!p2 $0x3F000, s4  }
0x213: {  	s0 =	sand.u32 @!p2 $0x380, s0;
	s2 =	sadd.s32 @!p2 s2, s4  }
0x214: {  	s0 =	sor.u32 @!p2 s0, s2  }
0x215: {  	s7 =	simm.s32 @!p2 $0x4000;
	s0 =	sshrl.u32 @!p2 s0, $0x3  }
0x216: {  	s4 =	simm.s32 @!p2 $0x26000;
	s2 =	simm.s32 @!p2 $0x80;
	s0 =	sadd.s32 @!p2 s3, s0  }
0x217: {  	[tilespmem:s7], [sflag:$0x2] =	stream.strided.gather @!p2 [hbm4b:s0+s2], $0x400, s4, s2, $0x38;
	[tilespmem:$0x18000] =	vst v63  }
0x218: {  	s8 =	simm.s32 @!p2 $0x4400;
	s7 =	sadd.s32 @!p2 $0x80, s0  }
0x219: {  	[tilespmem:s8], [sflag:$0x2] =	stream.strided.gather @!p2 [hbm4b:s7+s2], $0x400, s4, s2, $0x38;
	[tilespmem:$0x18000] =	vst v63  }
0x21a: {  	s7 =	sadd.s32 @!p2 $0x100, s0;
	s8 =	simm.s32 @!p2 $0x4800  }
0x21b: {  	[tilespmem:s8], [sflag:$0x2] =	stream.strided.gather @!p2 [hbm4b:s7+s2], $0x400, s4, s2, $0x38;
	[tilespmem:$0x18000] =	vst v63  }
0x21c: {  	s7 =	sadd.s32 @!p2 $0x180, s0;
	s8 =	simm.s32 @!p2 $0x4C00  }
0x21d: {  	[tilespmem:s8], [sflag:$0x2] =	stream.strided.gather @!p2 [hbm4b:s7+s2], $0x400, s4, s2, $0x38;
	[tilespmem:$0x18000] =	vst v63  }
0x21e: {  	s7 =	sadd.s32 @!p2 $0x26000, s0;
	s8 =	simm.s32 @!p2 $0x5000  }
0x21f: {  	[tilespmem:s8], [sflag:$0x2] =	stream.strided.gather @!p2 [hbm4b:s7+s2], $0x400, s4, s2, $0x38;
	[tilespmem:$0x18000] =	vst v63  }
0x220: {  	s9 =	simm.s32 @!p2 $0x5400;
	s8 =	sadd.s32 @!p2 $0x80, s7  }
0x221: {  	[tilespmem:s9], [sflag:$0x2] =	stream.strided.gather @!p2 [hbm4b:s8+s2], $0x400, s4, s2, $0x38;
	[tilespmem:$0x18000] =	vst v63  }
0x222: {  	s8 =	sadd.s32 @!p2 $0x100, s7;
	s9 =	simm.s32 @!p2 $0x5800  }
0x223: {  	[tilespmem:s9], [sflag:$0x2] =	stream.strided.gather @!p2 [hbm4b:s8+s2], $0x400, s4, s2, $0x38;
	[tilespmem:$0x18000] =	vst v63  }
0x224: {  	s7 =	sadd.s32 @!p2 $0x180, s7;
	s8 =	simm.s32 @!p2 $0x5C00  }
0x225: {  	[tilespmem:s8], [sflag:$0x2] =	stream.strided.gather @!p2 [hbm4b:s7+s2], $0x400, s4, s2, $0x38;
	[tilespmem:$0x18000] =	vst v63  }
0x226: {  	s7 =	sadd.s32 @!p2 $0x4C000, s0;
	s8 =	simm.s32 @!p2 $0x6000  }
0x227: {  	[tilespmem:s8], [sflag:$0x2] =	stream.strided.gather @!p2 [hbm4b:s7+s2], $0x400, s4, s2, $0x38;
	[tilespmem:$0x18000] =	vst v63  }
0x228: {  	s9 =	simm.s32 @!p2 $0x6400;
	s8 =	sadd.s32 @!p2 $0x80, s7  }
0x229: {  	[tilespmem:s9], [sflag:$0x2] =	stream.strided.gather @!p2 [hbm4b:s8+s2], $0x400, s4, s2, $0x38;
	[tilespmem:$0x18000] =	vst v63  }
0x22a: {  	s8 =	sadd.s32 @!p2 $0x100, s7;
	s9 =	simm.s32 @!p2 $0x6800  }
0x22b: {  	[tilespmem:s9], [sflag:$0x2] =	stream.strided.gather @!p2 [hbm4b:s8+s2], $0x400, s4, s2, $0x38;
	[tilespmem:$0x18000] =	vst v63  }
0x22c: {  	s7 =	sadd.s32 @!p2 $0x180, s7;
	s8 =	simm.s32 @!p2 $0x6C00  }
0x22d: {  	[tilespmem:s8], [sflag:$0x2] =	stream.strided.gather @!p2 [hbm4b:s7+s2], $0x400, s4, s2, $0x38;
	[tilespmem:$0x18000] =	vst v63  }
0x22e: {  	s0 =	sadd.s32 @!p2 $0x72000, s0;
	s2 =	simm.s32 @!p2 $0x0;
	s4 =	simm.s32 @!p2 $0x7000  }
0x22f: {  	[tilespmem:s4], [sflag:$0x2] =	stream.linear.gather @!p2 [hbm4b:s0+s2], $0x80, $0x38;
	[tilespmem:$0x18000] =	vst v63  }
0x230: {  	s7 =	simm.s32 @!p2 $0x7400;
	s4 =	sadd.s32 @!p2 $0x80, s0  }
0x231: {  	[tilespmem:s7], [sflag:$0x2] =	stream.linear.gather @!p2 [hbm4b:s4+s2], $0x80, $0x38;
	[tilespmem:$0x18000] =	vst v63  }
.Ltmp8:
0x232: {  	_ = 	snop;
	(pc) =	sbr.rel @p0 .LBB2_14-.Ltmp8, $4  }
0x233: {  	s4 =	sadd.s32 @!p2 $0x100, s0;
	s7 =	simm.s32 @!p2 $0x7800  }
0x234: {  	[tilespmem:s7], [sflag:$0x2] =	stream.linear.gather @!p2 [hbm4b:s4+s2], $0x80, $0x38;
	[tilespmem:$0x18000] =	vst v63  }
0x235: {  	s0 =	sadd.s32 @!p2 $0x180, s0;
	s4 =	simm.s32 @!p2 $0x7C00  }
0x236: {  	[tilespmem:s4], [sflag:$0x2] =	stream.linear.gather @!p2 [hbm4b:s0+s2], $0x80, $0x38;
	[tilespmem:$0x18000] =	vst v63  }
0x237: {  	_ =	swait.ge [sflag:s30], $0x3200  }
0x238: {  	[sflag:s30] =	ssyncset.done $0x0  }
0x239: {  	s0 =	simm.s32 @p1 $0x6;
	[sflag:s30] =	ssyncadd.s32 $0xFFFFCE00  }
0x23a: {  	s4 =	simm.s32 $0x0;
	_ =	swait.ge @p1 [sflag:s0], $0x3200  }
0x23b: {  	s10 =	sor.u32 s4, s4;
	s26 =	sand.u32 $0x70, s4;
	[sflag:s0] =	ssyncset.done @p1 $0x0  }
0x23c: {  	s2 =	sand.u32 $0xC00, s4;
	s8 =	sor.u32 $0x380, s10;
	[sflag:s0] =	ssyncadd.s32 @p1 $0xFFFFCE00  }
0x23d: {  	s2 =	sor.u32 s26, s2;
	v6 =	vld [tilespmem:s8+$0x8000]  }
0x23e: {  	s0 =	sor.u32 $0x2380, s10;
	v8 =	vld [tilespmem:s2+$0x9300]  }
0x23f: {  	v13 =	vld [tilespmem:s0+$0x8000]  }
0x240: {  	v2 =	vld [tilespmem:s2+$0x8200]  }
0x241: {  	s4 =	sand.u32 $0xFFFFFC00, s4;
	v5 =	vld [tilespmem:s2+$0x8280]  }
0x242: {  	s4 =	sadd.s32 $0x0, s4;
	v7 =	vld [tilespmem:s2+$0x8300]  }
0x243: {  	s7 =	sor.u32 $0x1180, s4;
	v9 =	vld [tilespmem:s2+$0x8100]  }
0x244: {  	v14 =	vld [tilespmem:s7+$0x8000]  }
0x245: {  	v10 =	vld [tilespmem:s2+$0x8080]  }
0x246: {  	s20 =	sor.u32 $0x180, s4;
	v15 =	vld [tilespmem:s2+$0x8000]  }
0x247: {  	s9 =	sor.u32 $0x2180, s4;
	v11 =	vld [tilespmem:s20+$0x8000]  }
0x248: {  	v16 =	vld [tilespmem:s9+$0x8000]  }
0x249: {  	v3 =	vld [tilespmem:s2+$0xA200]  }
0x24a: {  	v12 =	vld [tilespmem:s2+$0x9100]  }
0x24b: {  	v17 =	vld [tilespmem:s2+$0x9000]  }
0x24c: {  	v18 =	vld [tilespmem:s2+$0x9080]  }
0x24d: {  	v19 =	vld [tilespmem:s2+$0x9280]  }
0x24e: {  	v20 =	vld [tilespmem:s2+$0x9200]  }
0x24f: {  	v22 =	vld [tilespmem:s2+$0xB000]  }
0x250: {  	v21 =	vld [tilespmem:s2+$0xA300]  }
0x251: {  	v23 =	vld [tilespmem:s2+$0xA280]  }
0x252: {  	v24 =	vld [tilespmem:s2+$0xA100]  }
0x253: {  	s29 =	simm.s32 $0x10;
	s13 =	simm.s32 $0x80;
	v25 =	vld [tilespmem:s2+$0xA080]  }
0x254: {  	s19 =	sor.u32 s29, s13;
	s12 =	sor.u32 $0x1380, s10;
	v26 =	vld [tilespmem:s2+$0xA000]  }
0x255: {  	s14 =	sand.u32 $0xC00, s13;
	s4 =	sand.u32 $0x70, s29;
	s10 =	sor.u32 $0x380, s19;
	v27 =	vld [tilespmem:s12+$0x8000]  }
0x256: {  	s26 =	sor.u32 s4, s14;
	v1 =	vld [tilespmem:s10+$0x8000]  }
0x257: {  	s28 =	sor.u32 $0x2380, s19;
	v4 =	vld [tilespmem:s26+$0x9300]  }
0x258: {  	v0 =	vld [tilespmem:s28+$0x8000]  }
0x259: {  	v31 =	vld [tilespmem:s26+$0x8200]  }
0x25a: {  	v30 =	vld [tilespmem:s26+$0x8280];
	v28 =	vsub.f32 v7, v5;
	v29 =	vsub.f32 v5, v2  }
0x25b: {  	s31 =	sand.u32 $0xFFFFFC00, s13;
	v33 =	vld [tilespmem:s26+$0x8300];
	v32 =	vsub.f32 v15, v10;
	v11 =	vsub.f32 v11, v9  }
0x25c: {  	s4 =	sadd.s32 $0x10, s31;
	v35 =	vld [tilespmem:s26+$0x8100];
	v10 =	vsub.f32 v10, v3;
	v5 =	vsub.f32 v9, v3  }
0x25d: {  	s14 =	sor.u32 $0x180, s4;
	v39 =	vld [tilespmem:s26+$0x8080];
	v34 =	vsub.f32 v6, v7;
	v9 =	vsub.f32 v2, v3  }
0x25e: {  	s13 =	sor.u32 $0x1180, s4;
	v43 =	vld [tilespmem:s14+$0x8000];
	v36 =	vsub.f32 v17, v3;
	v38 =	vsub.f32 v18, v17;
	[tilespmem:s2+$0x14100] =	vst v5  }
0x25f: {  	s15 =	sor.u32 $0x2180, s4;
	v2 =	vld [tilespmem:s13+$0x8000];
	v37 =	vsub.f32 v12, v18;
	v40 =	vsub.f32 v8, v19;
	[tilespmem:s2+$0x14080] =	vst v10  }
0x260: {  	v41 =	vsub.f32 v14, v12;
	v42 =	vsub.f32 v20, v15;
	v12 =	vld [tilespmem:s15+$0x8000];
	[tilespmem:s2+$0x14000] =	vst v32  }
0x261: {  	v44 =	vsub.f32 v19, v20;
	v7 =	vsub.f32 v23, v21;
	v23 =	vld [tilespmem:s26+$0x9100];
	[tilespmem:s20+$0x14000] =	vst v11  }
0x262: {  	v6 =	vsub.f32 v21, v6;
	v20 =	vsub.f32 v24, v25;
	v5 =	vld [tilespmem:s26+$0x8000];
	[tilespmem:s2+$0x14300] =	vst v28  }
0x263: {  	v21 =	vsub.f32 v26, v15;
	v18 =	vsub.f32 v25, v26;
	v10 =	vld [tilespmem:s26+$0xA200];
	[tilespmem:s2+$0x14200] =	vst v9  }
0x264: {  	v27 =	vsub.f32 v27, v8;
	v8 =	vsub.f32 v30, v31;
	v25 =	vld [tilespmem:s26+$0x9080];
	[tilespmem:s2+$0x14280] =	vst v29  }
0x265: {  	v19 =	vsub.f32 v43, v35;
	v11 =	vsub.f32 v16, v24;
	v16 =	vld [tilespmem:s26+$0x9000];
	[tilespmem:s8+$0x14000] =	vst v34  }
0x266: {  	v15 =	vsub.f32 v1, v33;
	v32 =	vsub.f32 v22, v14;
	v34 =	vld [tilespmem:s26+$0x9280];
	[tilespmem:s2+$0x15100] =	vst v37  }
0x267: {  	v9 =	vsub.f32 v33, v30;
	v29 =	vsub.f32 v13, v22;
	v37 =	vld [tilespmem:s26+$0x9200];
	[tilespmem:s2+$0x15080] =	vst v38  }
0x268: {  	v30 =	vld [tilespmem:s26+$0xB000];
	[tilespmem:s2+$0x15000] =	vst v36;
	v17 =	vsub.f32 v5, v39;
	v26 =	vsub.f32 v39, v10  }
0x269: {  	v33 =	vld [tilespmem:s26+$0xA280];
	v28 =	vsub.f32 v35, v10;
	v24 =	vsub.f32 v31, v10;
	[tilespmem:s7+$0x14000] =	vst v41  }
0x26a: {  	v31 =	vld [tilespmem:s26+$0xA300];
	v13 =	vsub.f32 v16, v10;
	v22 =	vsub.f32 v25, v16;
	[tilespmem:s2+$0x15300] =	vst v40  }
0x26b: {  	v36 =	vld [tilespmem:s26+$0xA080];
	v25 =	vsub.f32 v23, v25;
	[tilespmem:s2+$0x15280] =	vst v44;
	v23 =	vsub.f32 v2, v23  }
0x26c: {  	s8 =	simm.s32 $0x20;
	v35 =	vld [tilespmem:s26+$0xA100];
	s7 =	sor.u32 $0x1380, s19;
	s19 =	simm.s32 $0x100;
	[tilespmem:s2+$0x15200] =	vst v42;
	v16 =	vsub.f32 v4, v34;
	v14 =	vsub.f32 v37, v5  }
.LBB2_12:
0x26d: {  	s4 =	sand.u32 $0x70, s8;
	s18 =	sand.u32 $0xC00, s19  }
0x26e: {  	s21 =	sor.u32 s8, s19;
	v38 =	vld [tilespmem:s26+$0xA000];
	v39 =	vsub.f32 v34, v37;
	[tilespmem:s12+$0x14000] =	vst v27;
	v40 =	vmov v30;
	s12 =	smov.u32 s7;
	s22 =	smov.u32 s8  }
0x26f: {  	s4 =	sor.u32 s4, s18;
	s20 =	sor.u32 $0x380, s21;
	s18 =	sor.u32 $0x2380, s21;
	v27 =	vld [tilespmem:s12+$0x8000];
	v30 =	vsub.f32 v31, v1;
	[tilespmem:s2+$0x16100] =	vst v20  }
0x270: {  	p0 =	sne.s32 s8, $0x1F0;
	s8 =	sadd.s32 $0x10, s8;
	s7 =	sor.u32 $0x1380, s21;
	v1 =	vld [tilespmem:s20+$0x8000];
	v31 =	vsub.f32 v33, v31;
	[tilespmem:s2+$0x16000] =	vst v21  }
0x271: {  	s21 =	sand.u32 $0xFFFFFC00, s19;
	v33 =	vld [tilespmem:s4+$0x9300];
	v12 =	vsub.f32 v12, v35;
	[tilespmem:s2+$0x16080] =	vst v18  }
0x272: {  	v34 =	vsub.f32 v3, v3;
	v3 =	vmov v10;
	s22 =	sadd.s32 s21, s22;
	v37 =	vld [tilespmem:s18+$0x8000];
	v20 =	vsub.f32 v35, v36;
	[tilespmem:s9+$0x14000] =	vst v11;
	s9 =	smov.u32 s15  }
0x273: {  	s23 =	sor.u32 $0x180, s22;
	v35 =	vld [tilespmem:s4+$0x8200];
	v21 =	vsub.f32 v38, v5;
	v18 =	vsub.f32 v36, v38;
	[tilespmem:s2+$0x16300] =	vst v6;
	v6 =	vmovc v30;
	v11 =	vmov v12  }
0x274: {  	v30 =	vld [tilespmem:s4+$0x8280];
	v27 =	vsub.f32 v27, v4;
	[tilespmem:s2+$0x16200] =	vst v34  }
0x275: {  	v36 =	vld [tilespmem:s4+$0x8300];
	[tilespmem:s2+$0x16280] =	vst v7;
	v7 =	vmov v31  }
0x276: {  	s21 =	sor.u32 $0x1180, s22;
	v31 =	vld [tilespmem:s4+$0x8100];
	[tilespmem:s0+$0x14000] =	vst v29;
	v4 =	vmov v33;
	s0 =	smov.u32 s28;
	s28 =	smov.u32 s18  }
0x277: {  	s15 =	sor.u32 $0x2180, s22;
	v33 =	vld [tilespmem:s21+$0x8000];
	[tilespmem:s2+$0x17000] =	vst v32;
	s2 =	smov.u32 s26;
	s26 =	smov.u32 s4  }
0x278: {  	v32 =	vld [tilespmem:s26+$0x8080];
	[tilespmem:s2+$0x14100] =	vst v28  }
0x279: {  	v5 =	vld [tilespmem:s26+$0x8000];
	[tilespmem:s2+$0x14080] =	vst v26  }
0x27a: {  	v26 =	vld [tilespmem:s23+$0x8000];
	[tilespmem:s2+$0x14000] =	vst v17  }
0x27b: {  	v17 =	vsub.f32 v36, v30;
	v12 =	vld [tilespmem:s15+$0x8000];
	[tilespmem:s14+$0x14000] =	vst v19;
	s14 =	smov.u32 s23  }
0x27c: {  	v19 =	vsub.f32 v30, v35;
	v10 =	vld [tilespmem:s26+$0xA200];
	[tilespmem:s2+$0x14300] =	vst v9  }
0x27d: {  	v9 =	vmov v17;
	v38 =	vld [tilespmem:s26+$0x9100];
	[tilespmem:s2+$0x14200] =	vst v24  }
0x27e: {  	v41 =	vld [tilespmem:s26+$0x9000];
	v17 =	vsub.f32 v5, v32;
	[tilespmem:s2+$0x14280] =	vst v8;
	v8 =	vmov v19  }
0x27f: {  	v42 =	vld [tilespmem:s26+$0x9080];
	v19 =	vsub.f32 v26, v31;
	[tilespmem:s10+$0x14000] =	vst v15;
	s10 =	smov.u32 s20  }
0x280: {  	v29 =	vsub.f32 v0, v40;
	v0 =	vmov v37;
	v34 =	vld [tilespmem:s26+$0x9280];
	[tilespmem:s2+$0x15100] =	vst v25  }
0x281: {  	v15 =	vsub.f32 v1, v36;
	v37 =	vld [tilespmem:s26+$0x9200];
	v26 =	vsub.f32 v32, v10;
	[tilespmem:s2+$0x15080] =	vst v22  }
.Ltmp9:
0x282: {  	v28 =	vsub.f32 v31, v10;
	v24 =	vsub.f32 v35, v10;
	v30 =	vld [tilespmem:s26+$0xB000];
	[tilespmem:s2+$0x15000] =	vst v13;
	(pc) =	sbr.rel @p0 .LBB2_12-.Ltmp9, $4  }
0x283: {  	v32 =	vsub.f32 v40, v2;
	v2 =	vmov v33;
	v31 =	vld [tilespmem:s26+$0xA300];
	v13 =	vsub.f32 v41, v10;
	[tilespmem:s13+$0x14000] =	vst v23;
	s13 =	smov.u32 s21  }
0x284: {  	v33 =	vld [tilespmem:s26+$0xA280];
	v22 =	vsub.f32 v42, v41;
	v25 =	vsub.f32 v38, v42;
	[tilespmem:s2+$0x15300] =	vst v16  }
0x285: {  	v35 =	vld [tilespmem:s26+$0xA100];
	v16 =	vsub.f32 v4, v34;
	[tilespmem:s2+$0x15280] =	vst v39  }
0x286: {  	s19 =	sadd.s32 $0x80, s19;
	v23 =	vsub.f32 v2, v38;
	v36 =	vld [tilespmem:s26+$0xA080];
	[tilespmem:s2+$0x15200] =	vst v14;
	v14 =	vsub.f32 v37, v5  }
0x287: {  	[tilespmem:s12+$0x14000] =	vst v27  }
0x288: {  	v57 =	vld [tilespmem:s7+$0x8000];
	[tilespmem:s26+$0x14100] =	vst v28  }
0x289: {  	[tilespmem:s26+$0x14080] =	vst v26  }
0x28a: {  	[tilespmem:s26+$0x14000] =	vst v17  }
0x28b: {  	[tilespmem:s2+$0x16100] =	vst v20  }
0x28c: {  	[tilespmem:s2+$0x16000] =	vst v21  }
0x28d: {  	[tilespmem:s2+$0x16080] =	vst v18  }
0x28e: {  	v56 =	vld [tilespmem:s26+$0xA000];
	[tilespmem:s14+$0x14000] =	vst v19  }
0x28f: {  	[tilespmem:s9+$0x14000] =	vst v11  }
0x290: {  	[tilespmem:s26+$0x14300] =	vst v9  }
0x291: {  	[tilespmem:s26+$0x14200] =	vst v24  }
0x292: {  	v3 =	vsub.f32 v3, v3;
	[tilespmem:s26+$0x14280] =	vst v8  }
0x293: {  	[tilespmem:s2+$0x16300] =	vst v6  }
0x294: {  	[tilespmem:s2+$0x16200] =	vst v3  }
0x295: {  	[tilespmem:s2+$0x16280] =	vst v7  }
0x296: {  	[tilespmem:s10+$0x14000] =	vst v15  }
0x297: {  	[tilespmem:s0+$0x14000] =	vst v29  }
0x298: {  	[tilespmem:s26+$0x15100] =	vst v25  }
0x299: {  	[tilespmem:s26+$0x15080] =	vst v22  }
0x29a: {  	[tilespmem:s26+$0x15000] =	vst v13  }
0x29b: {  	[tilespmem:s2+$0x17000] =	vst v32  }
0x29c: {  	v58 =	vsub.f32 v34, v37;
	[tilespmem:s13+$0x14000] =	vst v23  }
0x29d: {  	s18 =	sadd.s32 s1, s25;
	[tilespmem:s26+$0x15300] =	vst v16  }
0x29e: {  	s19 =	smulhi.u32 $0x1B4E81B5, s18;
	v4 =	vsub.f32 v57, v4;
	[tilespmem:s26+$0x15280] =	vst v58  }
0x29f: {  	v59 =	vsub.f32 v35, v36;
	[tilespmem:s26+$0x15200] =	vst v14  }
0x2a0: {  	v5 =	vsub.f32 v56, v5;
	s2 =	sshrl.u32 s19, $0x5;
	[tilespmem:s7+$0x14000] =	vst v4  }
0x2a1: {  	v3 =	vsub.f32 v36, v56;
	s4 =	smul.u32 $0x12C, s2;
	[tilespmem:s26+$0x16100] =	vst v59  }
0x2a2: {  	v60 =	vsub.f32 v12, v35;
	[tilespmem:s26+$0x16000] =	vst v5  }
0x2a3: {  	v1 =	vsub.f32 v31, v1;
	s0 =	ssub.s32 s18, s4;
	[tilespmem:s26+$0x16080] =	vst v3  }
0x2a4: {  	v61 =	vsub.f32 v10, v10;
	s2 =	smul.u32 $0x3B6000, s2;
	[tilespmem:s15+$0x14000] =	vst v60;
	s4 =	sshll.u32 s0, $0x9  }
0x2a5: {  	v62 =	vsub.f32 v33, v31;
	s0 =	sshll.u32 s0, $0x7;
	[tilespmem:s26+$0x16300] =	vst v1;
	s4 =	sand.u32 $0x3F000, s4  }
0x2a6: {  	v0 =	vsub.f32 v0, v30;
	[tilespmem:s26+$0x16200] =	vst v61;
	s0 =	sand.u32 $0x380, s0;
	s2 =	sadd.s32 s2, s4  }
0x2a7: {  	v63 =	vsub.f32 v30, v2;
	[tilespmem:s26+$0x16280] =	vst v62;
	s0 =	sor.u32 s0, s2  }
0x2a8: {  	s20 =	rddreg [dreg:$0x1];
	[tilespmem:s28+$0x14000] =	vst v0;
	s0 =	sshrl.u32 s0, $0x3  }
0x2a9: {  	s21 =	simm.s32 $0x14000;
	[tilespmem:s26+$0x17000] =	vst v63;
	s0 =	sadd.s32 s20, s0  }
0x2aa: {  	[hbm4b:s0+s16] =	stream.strided.scatter [tilespmem:s21], [sflag:$0x6], $0x400, s17, s16, $0x38;
	[tilespmem:$0x18000] =	vst v63  }
0x2ab: {  	s23 =	simm.s32 $0x14400;
	s22 =	sadd.s32 $0x80, s0  }
0x2ac: {  	[hbm4b:s22+s16] =	stream.strided.scatter [tilespmem:s23], [sflag:$0x6], $0x400, s17, s16, $0x38;
	[tilespmem:$0x18000] =	vst v63  }
0x2ad: {  	s26 =	simm.s32 $0x14800;
	s25 =	sadd.s32 $0x100, s0  }
0x2ae: {  	[hbm4b:s25+s16] =	stream.strided.scatter [tilespmem:s26], [sflag:$0x6], $0x400, s17, s16, $0x38;
	[tilespmem:$0x18000] =	vst v63  }
0x2af: {  	s29 =	simm.s32 $0x14C00;
	s28 =	sadd.s32 $0x180, s0  }
0x2b0: {  	[hbm4b:s28+s16] =	stream.strided.scatter [tilespmem:s29], [sflag:$0x6], $0x400, s17, s16, $0x38;
	[tilespmem:$0x18000] =	vst v63  }
0x2b1: {  	s7 =	simm.s32 $0x15000;
	s31 =	sadd.s32 $0x26000, s0  }
0x2b2: {  	[hbm4b:s31+s16] =	stream.strided.scatter [tilespmem:s7], [sflag:$0x6], $0x400, s17, s16, $0x38;
	[tilespmem:$0x18000] =	vst v63  }
0x2b3: {  	s9 =	simm.s32 $0x15400;
	s8 =	sadd.s32 $0x80, s31  }
0x2b4: {  	[hbm4b:s8+s16] =	stream.strided.scatter [tilespmem:s9], [sflag:$0x6], $0x400, s17, s16, $0x38;
	[tilespmem:$0x18000] =	vst v63  }
0x2b5: {  	s12 =	simm.s32 $0x15800;
	s10 =	sadd.s32 $0x100, s31  }
0x2b6: {  	[hbm4b:s10+s16] =	stream.strided.scatter [tilespmem:s12], [sflag:$0x6], $0x400, s17, s16, $0x38;
	[tilespmem:$0x18000] =	vst v63  }
0x2b7: {  	s13 =	simm.s32 $0x15C00;
	s2 =	sadd.s32 $0x180, s31  }
0x2b8: {  	[hbm4b:s2+s16] =	stream.strided.scatter [tilespmem:s13], [sflag:$0x6], $0x400, s17, s16, $0x38;
	[tilespmem:$0x18000] =	vst v63  }
0x2b9: {  	s15 =	simm.s32 $0x16000;
	s14 =	sadd.s32 $0x4C000, s0  }
0x2ba: {  	[hbm4b:s14+s16] =	stream.strided.scatter [tilespmem:s15], [sflag:$0x6], $0x400, s17, s16, $0x38;
	[tilespmem:$0x18000] =	vst v63  }
0x2bb: {  	s19 =	simm.s32 $0x16400;
	s18 =	sadd.s32 $0x80, s14  }
0x2bc: {  	[hbm4b:s18+s16] =	stream.strided.scatter [tilespmem:s19], [sflag:$0x6], $0x400, s17, s16, $0x38;
	[tilespmem:$0x18000] =	vst v63  }
0x2bd: {  	s21 =	simm.s32 $0x16800;
	s20 =	sadd.s32 $0x100, s14  }
0x2be: {  	[hbm4b:s20+s16] =	stream.strided.scatter [tilespmem:s21], [sflag:$0x6], $0x400, s17, s16, $0x38;
	[tilespmem:$0x18000] =	vst v63  }
0x2bf: {  	s22 =	simm.s32 $0x16C00;
	s2 =	sadd.s32 $0x180, s14  }
0x2c0: {  	[hbm4b:s2+s16] =	stream.strided.scatter [tilespmem:s22], [sflag:$0x6], $0x400, s17, s16, $0x38;
	[tilespmem:$0x18000] =	vst v63  }
0x2c1: {  	s0 =	sadd.s32 $0x72000, s0;
	s23 =	simm.s32 $0x17000  }
0x2c2: {  	[hbm4b:s0+s5] =	stream.linear.scatter [tilespmem:s23], [sflag:$0x6], $0x80, $0x38;
	[tilespmem:$0x18000] =	vst v63  }
0x2c3: {  	s25 =	sadd.s32 $0x80, s0;
	s26 =	simm.s32 $0x17400  }
0x2c4: {  	[hbm4b:s25+s5] =	stream.linear.scatter [tilespmem:s26], [sflag:$0x6], $0x80, $0x38;
	[tilespmem:$0x18000] =	vst v63  }
.Ltmp10:
0x2c5: {  	_ = 	snop;
	(pc) =	sbr.rel .LBB2_14-.Ltmp10, $4  }
0x2c6: {  	s28 =	sadd.s32 $0x100, s0;
	s29 =	simm.s32 $0x17800  }
0x2c7: {  	[hbm4b:s28+s5] =	stream.linear.scatter [tilespmem:s29], [sflag:$0x6], $0x80, $0x38;
	[tilespmem:$0x18000] =	vst v63  }
0x2c8: {  	s31 =	simm.s32 $0x17C00;
	s0 =	sadd.s32 $0x180, s0  }
0x2c9: {  	[hbm4b:s0+s5] =	stream.linear.scatter [tilespmem:s31], [sflag:$0x6], $0x80, $0x38;
	[tilespmem:$0x18000] =	vst v63  }
.LBB2_16:
0x2ca: {  	_ =	sfence.sel $0x180000  }
0x2cb: {  	[bflag:$0x0] =	sbarrier.arrive $0xFFFF  }
0x2cc: {  	_ =	strace $0x90000047  }
0x2cd: {  	s0 =	stileid.u32;
	[bflag:$0x2] =	sbarrier.arrive $0xFFFF  }
0x2ce: {  	p0 =	sne.s32 s0, $0x0;
	s0 =	rddreg [dreg:$0x2]  }
0x2cf: {  	s0 =	sadd.s32 @!p0 $0x100000, s0  }
0x2d0: {  	[sflag:s0] =	ssyncadd.tile.s32 @!p0 $0x1;
	_ =	shalt  }
.Lfunc_end2:
_tile_overlayer_lowered:
.L_overlay_start_2:
0x2d1: {  	(tag) =	ssettag $0x2  }
0x2d2: {  	s0 =	rddreg [dreg:$0x0];
	s2 =	stileid.u32  }
0x2d3: {  	s1 =	rddreg [dreg:$0x1];
	p0 =	sne.s32 s2, $0x0  }
0x2d4: {  	s3 =	rddreg [dreg:$0x2];
	[bflag:$0x3] =	sbarrier.arrive $0xFFFF;
	s2 =	simm.s32 @!p0 $0x1C07  }
0x2d5: {  	[timem:s3], [sflag:s2] =	dma.local @!p0 [hbm:s0], s1  }
0x2d6: {  	s0 =	simm.s32 @!p0 $0x7  }
0x2d7: {  	_ =	swait.ge @!p0 [sflag:s0], s1  }
0x2d8: {  	s1 =	ssub.s32 @!p0 $0x0, s1;
	[sflag:s0] =	ssyncset.done @!p0 $0x0  }
0x2d9: {  	[sflag:s0] =	ssyncadd.s32 @!p0 s1  }
0x2da: {  	[bflag:$0x3] =	sbarrier.arrive $0xFFFF  }
0x2db: {  	_ =	shalt  }

</sc_bundles>
